<compile_context>
chip_gen: v7x
topology: tpu7x:2x2x1
jax: 0.10.2.dev20260603
libtpu: 0.0.44.dev20260713+nightly
codegen_flags: <defaults>
</compile_context>

<pallas_src>
import functools

import jax
import jax.numpy as jnp
from jax import lax
from jax.experimental import pallas as pl
from jax.experimental.pallas import tpu as pltpu
from jax.experimental.pallas import tpu_sc as plsc

N = 10000
E = 320000
D = 128
H = 128
C = 40
G = 128

NC, NS = 2, 16
NW = NC * NS
EPW = E // NW
KCH = 2000
CH = 128
NCHUNK = E // CH
BASE_CH = NCHUNK // NW
EXTRA = NCHUNK - BASE_CH * NW
NP = 10240
RPT = NP // NS

RT = 1024
GRID = NP // RT

_mesh = plsc.VectorSubcoreMesh(core_axis_name="c", subcore_axis_name="s")


@functools.partial(
    pl.kernel,
    out_type=jax.ShapeDtypeStruct((NW, N), jnp.float32),
    mesh=_mesh,
    scratch_types=[
        pltpu.VMEM((N,), jnp.float32),
        pltpu.VMEM((KCH,), jnp.int32),
    ],
    compiler_params=pltpu.CompilerParams(needs_layout_passes=False),
)
def _sc_degree(eflat_hbm, out_hbm, counts_v, chunk_v):
    cid = lax.axis_index("c")
    sid = lax.axis_index("s")
    wid = sid * NC + cid
    zeros16 = jnp.zeros((16,), jnp.float32)
    ones16 = jnp.ones((16,), jnp.float32)

    def zbody(i, carry):
        counts_v[pl.ds(i * 16, 16)] = zeros16
        return carry

    lax.fori_loop(0, N // 16, zbody, 0)

    base = wid * EPW

    def cbody(c, carry):
        pltpu.sync_copy(eflat_hbm.at[pl.ds(E + base + c * KCH, KCH)], chunk_v)

        def ibody(j, inner):
            idx = chunk_v[pl.ds(j * 16, 16)]
            plsc.addupdate_scatter(counts_v, [idx], ones16)
            return inner

        lax.fori_loop(0, KCH // 16, ibody, 0)
        return carry

    lax.fori_loop(0, EPW // KCH, cbody, 0)
    pltpu.sync_copy(counts_v, out_hbm.at[wid])


@functools.partial(
    pl.kernel,
    out_type=jax.ShapeDtypeStruct((NC * NP, H), jnp.float32),
    mesh=_mesh,
    scratch_types=[
        pltpu.VMEM_SHARED((NP, H), jnp.float32),
        pltpu.VMEM((2, CH, H), jnp.float32),
        pltpu.VMEM((2, CH), jnp.int32),
        pltpu.VMEM((2, CH), jnp.int32),
        pltpu.SemaphoreType.DMA,
        pltpu.SemaphoreType.DMA,
        pltpu.SemaphoreType.DMA,
        pltpu.SemaphoreType.DMA,
    ],
    compiler_params=pltpu.CompilerParams(needs_layout_passes=False),
)
def _sc_aggregate(eflat_hbm, p_hbm, out_hbm, acc_sh, rows_v, sidx_v,
                  didx_v, sem0, sem1, isem0, isem1):
    cid = lax.axis_index("c")
    sid = lax.axis_index("s")
    wid = sid * NC + cid
    sems = (sem0, sem1)
    isems = (isem0, isem1)
    zeros16 = jnp.zeros((16,), jnp.float32)

    def zb(r, carry):
        def zc(k, inner):
            rows_v[0, r, pl.ds(k * 16, 16)] = zeros16
            return inner

        lax.fori_loop(0, H // 16, zc, 0)
        return carry

    lax.fori_loop(0, CH, zb, 0)

    row0 = sid * RPT
    for k in range(RPT // CH):
        pltpu.sync_copy(rows_v.at[0],
                        acc_sh.at[pl.ds(row0 + k * CH, CH)])

    ch0 = wid * BASE_CH

    def _load_idx_async(chunk, b):
        base = pl.multiple_of(chunk * CH, 8)
        pltpu.async_copy(eflat_hbm.at[pl.ds(base, CH)], sidx_v.at[b], isems[b])
        pltpu.async_copy(eflat_hbm.at[pl.ds(E + base, CH)], didx_v.at[b],
                         isems[b])

    def _wait_idx(b):
        pltpu.make_async_copy(eflat_hbm.at[pl.ds(0, CH)], sidx_v.at[b],
                              isems[b]).wait()
        pltpu.make_async_copy(eflat_hbm.at[pl.ds(0, CH)], didx_v.at[b],
                              isems[b]).wait()

    def _fire(b):
        pltpu.async_copy(p_hbm.at[sidx_v.at[b]], rows_v.at[b], sems[b])

    def _drain_gather(b):
        pltpu.make_async_copy(p_hbm.at[sidx_v.at[b]], rows_v.at[b],
                              sems[b]).wait()

    def _scatter(b):
        pltpu.sync_copy(rows_v.at[b], acc_sh.at[didx_v.at[b]], add=True)

    _load_idx_async(ch0, 0)
    _load_idx_async(ch0 + 1, 1)
    _wait_idx(0)
    _fire(0)
    _wait_idx(1)
    _fire(1)
    plsc.subcore_barrier()

    def cbody(s, carry):
        last = BASE_CH // 2 - 1
        _drain_gather(0)

        @pl.when(s < last)
        def _():
            _load_idx_async(ch0 + 2 * s + 2, 0)

        _scatter(0)
        _drain_gather(1)

        @pl.when(s < last)
        def _():
            _load_idx_async(ch0 + 2 * s + 3, 1)
            _wait_idx(0)
            _fire(0)

        _scatter(1)

        @pl.when(s < last)
        def _():
            _wait_idx(1)
            _fire(1)

        return carry

    lax.fori_loop(0, BASE_CH // 2, cbody, 0)

    @pl.when(wid < EXTRA)
    def _():
        _load_idx_async(NCHUNK - EXTRA + wid, 0)
        _wait_idx(0)
        _fire(0)
        _drain_gather(0)
        _scatter(0)

    plsc.subcore_barrier()

    outbase = cid * NP + row0
    pltpu.sync_copy(acc_sh.at[pl.ds(row0, RPT)],
                    out_hbm.at[pl.ds(outbase, RPT)])


@functools.partial(
    pl.kernel,
    out_type=jax.ShapeDtypeStruct((NC * NP * G,), jnp.float32),
    mesh=_mesh,
    scratch_types=[
        pltpu.VMEM_SHARED((NP * G,), jnp.float32),
        pltpu.VMEM((N,), jnp.int32),
        pltpu.VMEM((N,), jnp.float32),
        pltpu.VMEM((8192,), jnp.float32),
        pltpu.VMEM((CH,), jnp.int32),
        pltpu.VMEM((CH,), jnp.int32),
        pltpu.VMEM((2, CH), jnp.int32),
        pltpu.VMEM((2, CH), jnp.float32),
        pltpu.SemaphoreType.DMA,
        pltpu.SemaphoreType.DMA,
    ],
    compiler_params=pltpu.CompilerParams(needs_layout_passes=False),
)
def _sc_poolmat(eflat_hbm, batch_hbm, dinv_hbm, out_hbm, vacc_sh,
                batch_v, dinv_v, zbuf_v, sidx_v, didx_v, fidx_v, fval_v,
                ssem0, ssem1):
    cid = lax.axis_index("c")
    sid = lax.axis_index("s")
    wid = sid * NC + cid
    zeros16 = jnp.zeros((16,), jnp.float32)

    def zb(i, carry):
        zbuf_v[pl.ds(i * 16, 16)] = zeros16
        return carry

    lax.fori_loop(0, 8192 // 16, zb, 0)

    wpt = NP * G // NS
    off0 = sid * wpt
    for k in range(wpt // 8192):
        pltpu.sync_copy(zbuf_v, vacc_sh.at[pl.ds(off0 + k * 8192, 8192)])

    pltpu.sync_copy(batch_hbm, batch_v)
    pltpu.sync_copy(dinv_hbm.at[pl.ds(0, N)], dinv_v)
    plsc.subcore_barrier()

    ch0 = wid * BASE_CH
    ssems = (ssem0, ssem1)

    def _compute_chunk(chunk, b):
        base = pl.multiple_of(chunk * CH, 8)
        pltpu.sync_copy(eflat_hbm.at[pl.ds(base, CH)], sidx_v)
        pltpu.sync_copy(eflat_hbm.at[pl.ds(E + base, CH)], didx_v)

        def jbody(j, inner):
            d16 = didx_v[pl.ds(j * 16, 16)]
            s16 = sidx_v[pl.ds(j * 16, 16)]
            b16 = plsc.load_gather(batch_v, [d16])
            w16 = plsc.load_gather(dinv_v, [d16])
            fidx_v[b, pl.ds(j * 16, 16)] = s16 * G + b16
            fval_v[b, pl.ds(j * 16, 16)] = w16
            return inner

        lax.fori_loop(0, CH // 16, jbody, 0)

    def _fire_scatter(b):
        pltpu.async_copy(fval_v.at[b], vacc_sh.at[fidx_v.at[b]], ssems[b],
                         add=True)

    def _wait_scatter(b):
        pltpu.make_async_copy(fval_v.at[b], vacc_sh.at[fidx_v.at[b]],
                              ssems[b]).wait()

    def cbody(s, carry):
        for b in range(2):
            @pl.when(s > 0)
            def _():
                _wait_scatter(b)

            _compute_chunk(ch0 + 2 * s + b, b)
            _fire_scatter(b)
        return carry

    lax.fori_loop(0, BASE_CH // 2, cbody, 0)
    _wait_scatter(0)
    _wait_scatter(1)

    @pl.when(wid < EXTRA)
    def _():
        _compute_chunk(NCHUNK - EXTRA + wid, 0)
        _fire_scatter(0)
        _wait_scatter(0)

    plsc.subcore_barrier()
    pltpu.sync_copy(vacc_sh.at[pl.ds(off0, wpt)],
                    out_hbm.at[pl.ds(cid * NP * G + off0, wpt)])


def _tc_prep_body(counts_ref, x_ref, w1_ref, p_ref, dinv_ref):
    deg = jnp.sum(counts_ref[...], axis=1, keepdims=True) + 1.0
    dinv = lax.rsqrt(deg)
    xw = jnp.dot(x_ref[...], w1_ref[...],
                 preferred_element_type=jnp.float32)
    p_ref[...] = dinv * xw
    dinv_ref[...] = dinv


_tc_prep = pl.pallas_call(
    _tc_prep_body,
    grid=(GRID,),
    in_specs=[
        pl.BlockSpec((RT, NW), lambda i: (i, 0)),
        pl.BlockSpec((RT, D), lambda i: (i, 0)),
        pl.BlockSpec((D, H), lambda i: (0, 0)),
    ],
    out_specs=[
        pl.BlockSpec((RT, H), lambda i: (i, 0)),
        pl.BlockSpec((RT, 1), lambda i: (i, 0)),
    ],
    out_shape=[
        jax.ShapeDtypeStruct((NP, H), jnp.float32),
        jax.ShapeDtypeStruct((NP, 1), jnp.float32),
    ],
)


def _tc_pool_body(a0_ref, a1_ref, p_ref, v0_ref, v1_ref, dinv_ref, batch_ref,
                  b1_ref, w2_ref, b2_ref, w3_ref, b3_ref, out_ref, sums_ref,
                  cnts_ref):
    i = pl.program_id(0)

    @pl.when(i == 0)
    def _():
        sums_ref[...] = jnp.zeros_like(sums_ref)
        cnts_ref[...] = jnp.zeros_like(cnts_ref)

    dinv = dinv_ref[...]
    h1 = dinv * (a0_ref[...] + a1_ref[...] + p_ref[...]) + b1_ref[0, :][None, :]
    q = dinv * jnp.maximum(h1, 0.0)
    gids = lax.broadcasted_iota(jnp.int32, (RT, G), 1)
    sel = jnp.where(batch_ref[...] == gids, 1.0, 0.0)
    vt = v0_ref[...] + v1_ref[...] + sel * dinv
    sums_ref[...] += lax.dot_general(vt, q, (((0,), (0,)), ((), ())),
                                     preferred_element_type=jnp.float32)
    cnts_ref[...] += jnp.sum(sel, axis=0)[None, :]

    @pl.when(i == GRID - 1)
    def _():
        cnt = cnts_ref[0, :]
        pooled = sums_ref[...] / jnp.maximum(cnt, 1.0)[:, None]
        w23 = jnp.dot(w2_ref[...], w3_ref[...],
                      preferred_element_type=jnp.float32)
        bb = jnp.dot(b2_ref[...], w3_ref[...],
                     preferred_element_type=jnp.float32)
        nonempty = jnp.where(cnt > 0.0, 1.0, 0.0)
        out_ref[...] = (jnp.dot(pooled, w23,
                                preferred_element_type=jnp.float32)
                        + nonempty[:, None] * bb + b3_ref[...])


_tc_pool = pl.pallas_call(
    _tc_pool_body,
    grid=(GRID,),
    in_specs=[
        pl.BlockSpec((RT, H), lambda i: (i, 0)),
        pl.BlockSpec((RT, H), lambda i: (i + NP // RT, 0)),
        pl.BlockSpec((RT, H), lambda i: (i, 0)),
        pl.BlockSpec((RT, G), lambda i: (i, 0)),
        pl.BlockSpec((RT, G), lambda i: (i + NP // RT, 0)),
        pl.BlockSpec((RT, 1), lambda i: (i, 0)),
        pl.BlockSpec((RT, 1), lambda i: (i, 0)),
        pl.BlockSpec((1, H), lambda i: (0, 0)),
        pl.BlockSpec((H, H), lambda i: (0, 0)),
        pl.BlockSpec((1, H), lambda i: (0, 0)),
        pl.BlockSpec((H, C), lambda i: (0, 0)),
        pl.BlockSpec((1, C), lambda i: (0, 0)),
    ],
    out_specs=pl.BlockSpec((G, C), lambda i: (0, 0)),
    out_shape=jax.ShapeDtypeStruct((G, C), jnp.float32),
    scratch_shapes=[
        pltpu.VMEM((G, H), jnp.float32),
        pltpu.VMEM((1, G), jnp.float32),
    ],
    compiler_params=pltpu.CompilerParams(fuse_transposed_lhs_in_matmul=True),
)


def kernel(x, edge_index, batch, W1, b1, W2, b2, W3, b3):
    eflat = edge_index.reshape(2 * E)
    xp = jnp.pad(x, ((0, NP - N), (0, 0)))
    batchp = jnp.pad(batch, (0, NP - N), constant_values=G)
    counts = _sc_degree(eflat)
    counts_t = jnp.pad(counts.T, ((0, NP - N), (0, 0)))
    p, dinv = _tc_prep(counts_t, xp, W1)
    acc1 = _sc_aggregate(eflat, p)
    vflat = _sc_poolmat(eflat, batch, dinv.reshape(NP))
    v2d = vflat.reshape(NC * NP, G)
    out = _tc_pool(acc1, acc1, p, v2d, v2d, dinv, batchp.reshape(NP, 1),
                   b1.reshape(1, H), W2, b2.reshape(1, H), W3,
                   b3.reshape(1, C))
    return out

# --- scband reference (transcript-rebuilt; emitter-appended) ---
"""Pipeline reference for scband-gps-16466904612871 (READ-ONLY COPY).

The authoritative reference and input builder live on the scoring server;
editing this copy changes nothing except your own understanding.
"""

import jax, jax.numpy as jnp
import numpy as np

N = 10000   # nodes
E = 320000  # edges
D = 128     # in_features
H = 128     # hidden_channels
C = 40      # num_classes
G = 128     # graphs in batch


def setup_inputs(seed: int = 0) -> dict:
    key = jax.random.key(seed)
    ks = jax.random.split(key, 10)
    x = jax.random.normal(ks[0], (N, D), dtype=jnp.float32)
    edge_index = jax.random.randint(ks[1], (2, E), 0, N, dtype=jnp.int32)
    batch = jnp.sort(jax.random.randint(ks[2], (N,), 0, G, dtype=jnp.int32))
    # GCNConv parameters (glorot-ish scaling)
    W1 = jax.random.normal(ks[3], (D, H), dtype=jnp.float32) * (1.0 / np.sqrt(D))
    b1 = jnp.zeros((H,), dtype=jnp.float32)
    W2 = jax.random.normal(ks[4], (H, H), dtype=jnp.float32) * (1.0 / np.sqrt(H))
    b2 = jnp.zeros((H,), dtype=jnp.float32)
    W3 = jax.random.normal(ks[5], (H, C), dtype=jnp.float32) * (1.0 / np.sqrt(H))
    b3 = jnp.zeros((C,), dtype=jnp.float32)
    return {"x": x, "edge_index": edge_index, "batch": batch,
            "W1": W1, "b1": b1, "W2": W2, "b2": b2, "W3": W3, "b3": b3}


def _gcn_conv(x, edge_index, W, b, num_nodes):
    # PyG GCNConv: linear transform, add self-loops, symmetric normalization,
    # scatter-add aggregation src->dst, then bias.
    h = x @ W
    src = edge_index[0]
    dst = edge_index[1]
    loop = jnp.arange(num_nodes, dtype=src.dtype)
    src = jnp.concatenate([src, loop])
    dst = jnp.concatenate([dst, loop])
    ones = jnp.ones(src.shape[0], dtype=h.dtype)
    deg = jax.ops.segment_sum(ones, dst, num_segments=num_nodes)
    deg_inv_sqrt = jnp.where(deg > 0, deg ** -0.5, 0.0)
    norm = deg_inv_sqrt[src] * deg_inv_sqrt[dst]
    msg = norm[:, None] * h[src]
    out = jax.ops.segment_sum(msg, dst, num_segments=num_nodes)
    return out + b


def _global_mean_pool(x, batch, num_graphs):
    sums = jax.ops.segment_sum(x, batch, num_segments=num_graphs)
    counts = jax.ops.segment_sum(jnp.ones(x.shape[0], dtype=x.dtype), batch, num_segments=num_graphs)
    return sums / jnp.clip(counts, 1.0)[:, None]


def reference(x, edge_index, batch, W1, b1, W2, b2, W3, b3):
    h = _gcn_conv(x, edge_index, W1, b1, N)
    h = jax.nn.relu(h)
    h = _gcn_conv(h, edge_index, W2, b2, N)
    h = _global_mean_pool(h, batch, G)
    out = h @ W3 + b3
    return out

if __name__ == "__main__":
    import jax
    _d = setup_inputs()
    print(jax.jit(kernel)(*tuple(_d.values())))

</pallas_src>

<mosaic_0001>
#map = affine_map<(d0, d1) -> (0)>
#map1 = affine_map<(d0, d1) -> (0, 0)>
module attributes {stable_mosaic.version = 14 : i64} {
  func.func @_sc_degree(%arg0: i32, %arg1: i32, %arg2: memref<640000xi32, #tpu.memory_space<hbm>>, %arg3: memref<32x10000xf32, #tpu.memory_space<hbm>>, %arg4: memref<10000xf32, #tpu.memory_space<vmem>>, %arg5: memref<2000xi32, #tpu.memory_space<vmem>>) attributes {dimension_semantics = [#tpu.dimension_semantics<core_parallel>, #tpu.dimension_semantics<subcore_parallel>], iteration_bounds = array<i64: 2, 16>, scalar_prefetch = 0 : i64, scratch_operands = 2 : i64, tpu.core_type = #tpu.core_type<sc_vector_subcore>, window_params = [{transform_indices = #map}, {transform_indices = #map1}]} {
    %mul3A = arith.constant 2 : i32
    %mul3A_0 = arith.muli %arg1, %mul3A : i32
    %add3A = arith.addi %mul3A_0, %arg0 : i32
    %broadcast_in_dim3A = arith.constant 0.000000e+00 : f32
    %broadcast_in_dim3A_1 = vector.broadcast %broadcast_in_dim3A : f32 to vector<16xf32>
    %broadcast_in_dim3A_2 = arith.constant 1.000000e+00 : f32
    %broadcast_in_dim3A_3 = vector.broadcast %broadcast_in_dim3A_2 : f32 to vector<16xf32>
    %scan3A = arith.constant 0 : i32
    %scan3A_4 = arith.constant 0 : i32
    %scan3A_5 = arith.constant 625 : i32
    %scan3A_6 = arith.addi %scan3A_4, %scan3A_5 : i32
    %scan3A_7 = arith.constant 1 : i32
    scf.for %scan3A_17 = %scan3A_4 to %scan3A_6 step %scan3A_7  : i32 {
      %mul3A_18 = arith.constant 16 : i32
      %mul3A_19 = arith.muli %scan3A_17, %mul3A_18 : i32
      %swap3A = arith.index_cast %mul3A_19 : i32 to index
      %swap3A_20 = tpu.vector_load %arg4[%swap3A] {strides = array<i32>} : memref<10000xf32, #tpu.memory_space<vmem>>, vector<16xf32>,
      tpu.vector_store %arg4[%swap3A], %broadcast_in_dim3A_1 {strides = array<i32>} : memref<10000xf32, #tpu.memory_space<vmem>>, vector<16xf32>,
    }
    %scan3A_8 = arith.constant 625 : i32
    %mul3A_9 = arith.constant 10000 : i32
    %mul3A_10 = arith.muli %add3A, %mul3A_9 : i32
    %scan3A_11 = arith.constant 0 : i32
    %scan3A_12 = arith.constant 0 : i32
    %scan3A_13 = arith.constant 5 : i32
    %scan3A_14 = arith.addi %scan3A_12, %scan3A_13 : i32
    %scan3A_15 = arith.constant 1 : i32
    scf.for %scan3A_17 = %scan3A_12 to %scan3A_14 step %scan3A_15  : i32 {
      %add3A_18 = arith.constant 320000 : i32
      %add3A_19 = arith.addi %add3A_18, %mul3A_10 : i32
      %mul3A_20 = arith.constant 2000 : i32
      %mul3A_21 = arith.muli %scan3A_17, %mul3A_20 : i32
      %add3A_22 = arith.addi %add3A_19, %mul3A_21 : i32
      "tpu.region"() ({
        %run_scoped3A = tpu.sem_alloc : memref<!tpu.dma_semaphore, #tpu.memory_space<semaphore_mem>>
        %dma_start3A = tpu.memref_slice %arg2[%add3A_22] : memref<640000xi32, #tpu.memory_space<hbm>> -> memref<2000xi32, #tpu.memory_space<hbm>>
        %dma_start3A_29 = tpu.memref_slice %arg2[%add3A_22] : memref<640000xi32, #tpu.memory_space<hbm>> -> memref<2000xi32, #tpu.memory_space<hbm>>
        tpu.enqueue_dma source(%dma_start3A_29 : memref<2000xi32, #tpu.memory_space<hbm>>) target(%arg5 : memref<2000xi32, #tpu.memory_space<vmem>>) target_semaphore(%run_scoped3A : memref<!tpu.dma_semaphore, #tpu.memory_space<semaphore_mem>>)
        %dma_wait3A = tpu.memref_slice %arg2[%add3A_22] : memref<640000xi32, #tpu.memory_space<hbm>> -> memref<2000xi32, #tpu.memory_space<hbm>>
        %dma_wait3A_30 = tpu.memref_slice %arg2[%add3A_22] : memref<640000xi32, #tpu.memory_space<hbm>> -> memref<2000xi32, #tpu.memory_space<hbm>>
        tpu.wait_dma2 semaphore(%run_scoped3A : memref<!tpu.dma_semaphore, #tpu.memory_space<semaphore_mem>>) src(%dma_wait3A_30 : memref<2000xi32, #tpu.memory_space<hbm>>) dst(%arg5 : memref<2000xi32, #tpu.memory_space<vmem>>)
        tpu.yield
      }) : () -> ()
      %scan3A_23 = arith.constant 0 : i32
      %scan3A_24 = arith.constant 0 : i32
      %scan3A_25 = arith.constant 125 : i32
      %scan3A_26 = arith.addi %scan3A_24, %scan3A_25 : i32
      %scan3A_27 = arith.constant 1 : i32
      scf.for %scan3A_29 = %scan3A_24 to %scan3A_26 step %scan3A_27  : i32 {
        %mul3A_30 = arith.constant 16 : i32
        %mul3A_31 = arith.muli %scan3A_29, %mul3A_30 : i32
        %get3A = arith.index_cast %mul3A_31 : i32 to index
        %get3A_32 = tpu.vector_load %arg5[%get3A] {strides = array<i32>} : memref<2000xi32, #tpu.memory_space<vmem>>, vector<16xi32>,
        tpu.vector_store_idx %arg4[%get3A_32], %broadcast_in_dim3A_3 {add = true} : memref<10000xf32, #tpu.memory_space<vmem>>[vector<16xi32>], vector<16xf32>,
      }
      %scan3A_28 = arith.constant 125 : i32
    }
    %scan3A_16 = arith.constant 5 : i32
    "tpu.region"() ({
      %run_scoped3A = tpu.sem_alloc : memref<!tpu.dma_semaphore, #tpu.memory_space<semaphore_mem>>
      %dma_start3A = arith.constant 0 : i32
      %dma_start3A_17 = tpu.memref_slice %arg3[%add3A, %dma_start3A] : memref<32x10000xf32, #tpu.memory_space<hbm>> -> memref<1x10000xf32, #tpu.memory_space<hbm>>
      %dma_start3A_18 = tpu.memref_squeeze %dma_start3A_17 : memref<1x10000xf32, #tpu.memory_space<hbm>> -> memref<10000xf32, #tpu.memory_space<hbm>>
      %dma_start3A_19 = arith.constant 0 : i32
      %dma_start3A_20 = tpu.memref_slice %arg3[%add3A, %dma_start3A_19] : memref<32x10000xf32, #tpu.memory_space<hbm>> -> memref<1x10000xf32, #tpu.memory_space<hbm>>
      %dma_start3A_21 = tpu.memref_squeeze %dma_start3A_20 : memref<1x10000xf32, #tpu.memory_space<hbm>> -> memref<10000xf32, #tpu.memory_space<hbm>>
      tpu.enqueue_dma source(%arg4 : memref<10000xf32, #tpu.memory_space<vmem>>) target(%dma_start3A_21 : memref<10000xf32, #tpu.memory_space<hbm>>) target_semaphore(%run_scoped3A : memref<!tpu.dma_semaphore, #tpu.memory_space<semaphore_mem>>)
      %dma_wait3A = arith.constant 0 : i32
      %dma_wait3A_22 = tpu.memref_slice %arg3[%add3A, %dma_wait3A] : memref<32x10000xf32, #tpu.memory_space<hbm>> -> memref<1x10000xf32, #tpu.memory_space<hbm>>
      %dma_wait3A_23 = tpu.memref_squeeze %dma_wait3A_22 : memref<1x10000xf32, #tpu.memory_space<hbm>> -> memref<10000xf32, #tpu.memory_space<hbm>>
      %dma_wait3A_24 = arith.constant 0 : i32
      %dma_wait3A_25 = tpu.memref_slice %arg3[%add3A, %dma_wait3A_24] : memref<32x10000xf32, #tpu.memory_space<hbm>> -> memref<1x10000xf32, #tpu.memory_space<hbm>>
      %dma_wait3A_26 = tpu.memref_squeeze %dma_wait3A_25 : memref<1x10000xf32, #tpu.memory_space<hbm>> -> memref<10000xf32, #tpu.memory_space<hbm>>
      tpu.wait_dma2 semaphore(%run_scoped3A : memref<!tpu.dma_semaphore, #tpu.memory_space<semaphore_mem>>) src(%arg4 : memref<10000xf32, #tpu.memory_space<vmem>>) dst(%dma_wait3A_26 : memref<10000xf32, #tpu.memory_space<hbm>>)
      tpu.yield
    }) : () -> ()
    return
  }
}

#map = affine_map<(d0, d1) -> (0)>
module attributes {stable_mosaic.version = 14 : i64} {
  func.func @_sc_poolmat(%arg0: i32, %arg1: i32, %arg2: memref<640000xi32, #tpu.memory_space<hbm>>, %arg3: memref<10000xi32, #tpu.memory_space<hbm>>, %arg4: memref<10240xf32, #tpu.memory_space<hbm>>, %arg5: memref<2621440xf32, #tpu.memory_space<hbm>>, %arg6: memref<1310720xf32, #tpu.memory_space<vmem_shared>>, %arg7: memref<10000xi32, #tpu.memory_space<vmem>>, %arg8: memref<10000xf32, #tpu.memory_space<vmem>>, %arg9: memref<8192xf32, #tpu.memory_space<vmem>>, %arg10: memref<128xi32, #tpu.memory_space<vmem>>, %arg11: memref<128xi32, #tpu.memory_space<vmem>>, %arg12: memref<2x128xi32, #tpu.memory_space<vmem>>, %arg13: memref<2x128xf32, #tpu.memory_space<vmem>>, %arg14: memref<!tpu.dma_semaphore, #tpu.memory_space<semaphore_mem>>, %arg15: memref<!tpu.dma_semaphore, #tpu.memory_space<semaphore_mem>>) attributes {dimension_semantics = [#tpu.dimension_semantics<core_parallel>, #tpu.dimension_semantics<subcore_parallel>], iteration_bounds = array<i64: 2, 16>, scalar_prefetch = 0 : i64, scratch_operands = 10 : i64, tpu.core_type = #tpu.core_type<sc_vector_subcore>, window_params = [{transform_indices = #map}, {transform_indices = #map}, {transform_indices = #map}, {transform_indices = #map}]} {
    %mul3A = arith.constant 2 : i32
    %mul3A_0 = arith.muli %arg1, %mul3A : i32
    %add3A = arith.addi %mul3A_0, %arg0 : i32
    %broadcast_in_dim3A = arith.constant 0.000000e+00 : f32
    %broadcast_in_dim3A_1 = vector.broadcast %broadcast_in_dim3A : f32 to vector<16xf32>
    %scan3A = arith.constant 0 : i32
    %scan3A_2 = arith.constant 0 : i32
    %scan3A_3 = arith.constant 512 : i32
    %scan3A_4 = arith.addi %scan3A_2, %scan3A_3 : i32
    %scan3A_5 = arith.constant 1 : i32
    scf.for %scan3A_64 = %scan3A_2 to %scan3A_4 step %scan3A_5  : i32 {
      %mul3A_65 = arith.constant 16 : i32
      %mul3A_66 = arith.muli %scan3A_64, %mul3A_65 : i32
      %swap3A = arith.index_cast %mul3A_66 : i32 to index
      %swap3A_67 = tpu.vector_load %arg9[%swap3A] {strides = array<i32>} : memref<8192xf32, #tpu.memory_space<vmem>>, vector<16xf32>,
      tpu.vector_store %arg9[%swap3A], %broadcast_in_dim3A_1 {strides = array<i32>} : memref<8192xf32, #tpu.memory_space<vmem>>, vector<16xf32>,
    }
    %scan3A_6 = arith.constant 512 : i32
    %mul3A_7 = arith.constant 81920 : i32
    %mul3A_8 = arith.muli %arg1, %mul3A_7 : i32
    %add3A_9 = arith.constant 0 : i32
    %add3A_10 = arith.addi %mul3A_8, %add3A_9 : i32
    "tpu.region"() ({
      %run_scoped3A = tpu.sem_alloc : memref<!tpu.dma_semaphore, #tpu.memory_space<semaphore_mem>>
      %dma_start3A = tpu.memref_slice %arg6[%add3A_10] : memref<1310720xf32, #tpu.memory_space<vmem_shared>> -> memref<8192xf32, #tpu.memory_space<vmem_shared>>
      %dma_start3A_64 = tpu.memref_slice %arg6[%add3A_10] : memref<1310720xf32, #tpu.memory_space<vmem_shared>> -> memref<8192xf32, #tpu.memory_space<vmem_shared>>
      tpu.enqueue_dma source(%arg9 : memref<8192xf32, #tpu.memory_space<vmem>>) target(%dma_start3A_64 : memref<8192xf32, #tpu.memory_space<vmem_shared>>) target_semaphore(%run_scoped3A : memref<!tpu.dma_semaphore, #tpu.memory_space<semaphore_mem>>)
      %dma_wait3A_65 = tpu.memref_slice %arg6[%add3A_10] : memref<1310720xf32, #tpu.memory_space<vmem_shared>> -> memref<8192xf32, #tpu.memory_space<vmem_shared>>
      %dma_wait3A_66 = tpu.memref_slice %arg6[%add3A_10] : memref<1310720xf32, #tpu.memory_space<vmem_shared>> -> memref<8192xf32, #tpu.memory_space<vmem_shared>>
      tpu.wait_dma2 semaphore(%run_scoped3A : memref<!tpu.dma_semaphore, #tpu.memory_space<semaphore_mem>>) src(%arg9 : memref<8192xf32, #tpu.memory_space<vmem>>) dst(%dma_wait3A_66 : memref<8192xf32, #tpu.memory_space<vmem_shared>>)
      tpu.yield
    }) : () -> ()
    %add3A_11 = arith.constant 8192 : i32
    %add3A_12 = arith.addi %mul3A_8, %add3A_11 : i32
    "tpu.region"() ({
      %run_scoped3A = tpu.sem_alloc : memref<!tpu.dma_semaphore, #tpu.memory_space<semaphore_mem>>
      %dma_start3A = tpu.memref_slice %arg6[%add3A_12] : memref<1310720xf32, #tpu.memory_space<vmem_shared>> -> memref<8192xf32, #tpu.memory_space<vmem_shared>>
      %dma_start3A_64 = tpu.memref_slice %arg6[%add3A_12] : memref<1310720xf32, #tpu.memory_space<vmem_shared>> -> memref<8192xf32, #tpu.memory_space<vmem_shared>>
      tpu.enqueue_dma source(%arg9 : memref<8192xf32, #tpu.memory_space<vmem>>) target(%dma_start3A_64 : memref<8192xf32, #tpu.memory_space<vmem_shared>>) target_semaphore(%run_scoped3A : memref<!tpu.dma_semaphore, #tpu.memory_space<semaphore_mem>>)
      %dma_wait3A_65 = tpu.memref_slice %arg6[%add3A_12] : memref<1310720xf32, #tpu.memory_space<vmem_shared>> -> memref<8192xf32, #tpu.memory_space<vmem_shared>>
      %dma_wait3A_66 = tpu.memref_slice %arg6[%add3A_12] : memref<1310720xf32, #tpu.memory_space<vmem_shared>> -> memref<8192xf32, #tpu.memory_space<vmem_shared>>
      tpu.wait_dma2 semaphore(%run_scoped3A : memref<!tpu.dma_semaphore, #tpu.memory_space<semaphore_mem>>) src(%arg9 : memref<8192xf32, #tpu.memory_space<vmem>>) dst(%dma_wait3A_66 : memref<8192xf32, #tpu.memory_space<vmem_shared>>)
      tpu.yield
    }) : () -> ()
    %add3A_13 = arith.constant 16384 : i32
    %add3A_14 = arith.addi %mul3A_8, %add3A_13 : i32
    "tpu.region"() ({
      %run_scoped3A = tpu.sem_alloc : memref<!tpu.dma_semaphore, #tpu.memory_space<semaphore_mem>>
      %dma_start3A = tpu.memref_slice %arg6[%add3A_14] : memref<1310720xf32, #tpu.memory_space<vmem_shared>> -> memref<8192xf32, #tpu.memory_space<vmem_shared>>
      %dma_start3A_64 = tpu.memref_slice %arg6[%add3A_14] : memref<1310720xf32, #tpu.memory_space<vmem_shared>> -> memref<8192xf32, #tpu.memory_space<vmem_shared>>
      tpu.enqueue_dma source(%arg9 : memref<8192xf32, #tpu.memory_space<vmem>>) target(%dma_start3A_64 : memref<8192xf32, #tpu.memory_space<vmem_shared>>) target_semaphore(%run_scoped3A : memref<!tpu.dma_semaphore, #tpu.memory_space<semaphore_mem>>)
      %dma_wait3A_65 = tpu.memref_slice %arg6[%add3A_14] : memref<1310720xf32, #tpu.memory_space<vmem_shared>> -> memref<8192xf32, #tpu.memory_space<vmem_shared>>
      %dma_wait3A_66 = tpu.memref_slice %arg6[%add3A_14] : memref<1310720xf32, #tpu.memory_space<vmem_shared>> -> memref<8192xf32, #tpu.memory_space<vmem_shared>>
      tpu.wait_dma2 semaphore(%run_scoped3A : memref<!tpu.dma_semaphore, #tpu.memory_space<semaphore_mem>>) src(%arg9 : memref<8192xf32, #tpu.memory_space<vmem>>) dst(%dma_wait3A_66 : memref<8192xf32, #tpu.memory_space<vmem_shared>>)
      tpu.yield
    }) : () -> ()
    %add3A_15 = arith.constant 24576 : i32
    %add3A_16 = arith.addi %mul3A_8, %add3A_15 : i32
    "tpu.region"() ({
      %run_scoped3A = tpu.sem_alloc : memref<!tpu.dma_semaphore, #tpu.memory_space<semaphore_mem>>
      %dma_start3A = tpu.memref_slice %arg6[%add3A_16] : memref<1310720xf32, #tpu.memory_space<vmem_shared>> -> memref<8192xf32, #tpu.memory_space<vmem_shared>>
      %dma_start3A_64 = tpu.memref_slice %arg6[%add3A_16] : memref<1310720xf32, #tpu.memory_space<vmem_shared>> -> memref<8192xf32, #tpu.memory_space<vmem_shared>>
      tpu.enqueue_dma source(%arg9 : memref<8192xf32, #tpu.memory_space<vmem>>) target(%dma_start3A_64 : memref<8192xf32, #tpu.memory_space<vmem_shared>>) target_semaphore(%run_scoped3A : memref<!tpu.dma_semaphore, #tpu.memory_space<semaphore_mem>>)
      %dma_wait3A_65 = tpu.memref_slice %arg6[%add3A_16] : memref<1310720xf32, #tpu.memory_space<vmem_shared>> -> memref<8192xf32, #tpu.memory_space<vmem_shared>>
      %dma_wait3A_66 = tpu.memref_slice %arg6[%add3A_16] : memref<1310720xf32, #tpu.memory_space<vmem_shared>> -> memref<8192xf32, #tpu.memory_space<vmem_shared>>
      tpu.wait_dma2 semaphore(%run_scoped3A : memref<!tpu.dma_semaphore, #tpu.memory_space<semaphore_mem>>) src(%arg9 : memref<8192xf32, #tpu.memory_space<vmem>>) dst(%dma_wait3A_66 : memref<8192xf32, #tpu.memory_space<vmem_shared>>)
      tpu.yield
    }) : () -> ()
    %add3A_17 = arith.constant 32768 : i32
    %add3A_18 = arith.addi %mul3A_8, %add3A_17 : i32
    "tpu.region"() ({
      %run_scoped3A = tpu.sem_alloc : memref<!tpu.dma_semaphore, #tpu.memory_space<semaphore_mem>>
      %dma_start3A = tpu.memref_slice %arg6[%add3A_18] : memref<1310720xf32, #tpu.memory_space<vmem_shared>> -> memref<8192xf32, #tpu.memory_space<vmem_shared>>
      %dma_start3A_64 = tpu.memref_slice %arg6[%add3A_18] : memref<1310720xf32, #tpu.memory_space<vmem_shared>> -> memref<8192xf32, #tpu.memory_space<vmem_shared>>
      tpu.enqueue_dma source(%arg9 : memref<8192xf32, #tpu.memory_space<vmem>>) target(%dma_start3A_64 : memref<8192xf32, #tpu.memory_space<vmem_shared>>) target_semaphore(%run_scoped3A : memref<!tpu.dma_semaphore, #tpu.memory_space<semaphore_mem>>)
      %dma_wait3A_65 = tpu.memref_slice %arg6[%add3A_18] : memref<1310720xf32, #tpu.memory_space<vmem_shared>> -> memref<8192xf32, #tpu.memory_space<vmem_shared>>
      %dma_wait3A_66 = tpu.memref_slice %arg6[%add3A_18] : memref<1310720xf32, #tpu.memory_space<vmem_shared>> -> memref<8192xf32, #tpu.memory_space<vmem_shared>>
      tpu.wait_dma2 semaphore(%run_scoped3A : memref<!tpu.dma_semaphore, #tpu.memory_space<semaphore_mem>>) src(%arg9 : memref<8192xf32, #tpu.memory_space<vmem>>) dst(%dma_wait3A_66 : memref<8192xf32, #tpu.memory_space<vmem_shared>>)
      tpu.yield
    }) : () -> ()
    %add3A_19 = arith.constant 40960 : i32
    %add3A_20 = arith.addi %mul3A_8, %add3A_19 : i32
    "tpu.region"() ({
      %run_scoped3A = tpu.sem_alloc : memref<!tpu.dma_semaphore, #tpu.memory_space<semaphore_mem>>
      %dma_start3A = tpu.memref_slice %arg6[%add3A_20] : memref<1310720xf32, #tpu.memory_space<vmem_shared>> -> memref<8192xf32, #tpu.memory_space<vmem_shared>>
      %dma_start3A_64 = tpu.memref_slice %arg6[%add3A_20] : memref<1310720xf32, #tpu.memory_space<vmem_shared>> -> memref<8192xf32, #tpu.memory_space<vmem_shared>>
      tpu.enqueue_dma source(%arg9 : memref<8192xf32, #tpu.memory_space<vmem>>) target(%dma_start3A_64 : memref<8192xf32, #tpu.memory_space<vmem_shared>>) target_semaphore(%run_scoped3A : memref<!tpu.dma_semaphore, #tpu.memory_space<semaphore_mem>>)
      %dma_wait3A_65 = tpu.memref_slice %arg6[%add3A_20] : memref<1310720xf32, #tpu.memory_space<vmem_shared>> -> memref<8192xf32, #tpu.memory_space<vmem_shared>>
      %dma_wait3A_66 = tpu.memref_slice %arg6[%add3A_20] : memref<1310720xf32, #tpu.memory_space<vmem_shared>> -> memref<8192xf32, #tpu.memory_space<vmem_shared>>
      tpu.wait_dma2 semaphore(%run_scoped3A : memref<!tpu.dma_semaphore, #tpu.memory_space<semaphore_mem>>) src(%arg9 : memref<8192xf32, #tpu.memory_space<vmem>>) dst(%dma_wait3A_66 : memref<8192xf32, #tpu.memory_space<vmem_shared>>)
      tpu.yield
    }) : () -> ()
    %add3A_21 = arith.constant 49152 : i32
    %add3A_22 = arith.addi %mul3A_8, %add3A_21 : i32
    "tpu.region"() ({
      %run_scoped3A = tpu.sem_alloc : memref<!tpu.dma_semaphore, #tpu.memory_space<semaphore_mem>>
      %dma_start3A = tpu.memref_slice %arg6[%add3A_22] : memref<1310720xf32, #tpu.memory_space<vmem_shared>> -> memref<8192xf32, #tpu.memory_space<vmem_shared>>
      %dma_start3A_64 = tpu.memref_slice %arg6[%add3A_22] : memref<1310720xf32, #tpu.memory_space<vmem_shared>> -> memref<8192xf32, #tpu.memory_space<vmem_shared>>
      tpu.enqueue_dma source(%arg9 : memref<8192xf32, #tpu.memory_space<vmem>>) target(%dma_start3A_64 : memref<8192xf32, #tpu.memory_space<vmem_shared>>) target_semaphore(%run_scoped3A : memref<!tpu.dma_semaphore, #tpu.memory_space<semaphore_mem>>)
      %dma_wait3A_65 = tpu.memref_slice %arg6[%add3A_22] : memref<1310720xf32, #tpu.memory_space<vmem_shared>> -> memref<8192xf32, #tpu.memory_space<vmem_shared>>
      %dma_wait3A_66 = tpu.memref_slice %arg6[%add3A_22] : memref<1310720xf32, #tpu.memory_space<vmem_shared>> -> memref<8192xf32, #tpu.memory_space<vmem_shared>>
      tpu.wait_dma2 semaphore(%run_scoped3A : memref<!tpu.dma_semaphore, #tpu.memory_space<semaphore_mem>>) src(%arg9 : memref<8192xf32, #tpu.memory_space<vmem>>) dst(%dma_wait3A_66 : memref<8192xf32, #tpu.memory_space<vmem_shared>>)
      tpu.yield
    }) : () -> ()
    %add3A_23 = arith.constant 57344 : i32
    %add3A_24 = arith.addi %mul3A_8, %add3A_23 : i32
    "tpu.region"() ({
      %run_scoped3A = tpu.sem_alloc : memref<!tpu.dma_semaphore, #tpu.memory_space<semaphore_mem>>
      %dma_start3A = tpu.memref_slice %arg6[%add3A_24] : memref<1310720xf32, #tpu.memory_space<vmem_shared>> -> memref<8192xf32, #tpu.memory_space<vmem_shared>>
      %dma_start3A_64 = tpu.memref_slice %arg6[%add3A_24] : memref<1310720xf32, #tpu.memory_space<vmem_shared>> -> memref<8192xf32, #tpu.memory_space<vmem_shared>>
      tpu.enqueue_dma source(%arg9 : memref<8192xf32, #tpu.memory_space<vmem>>) target(%dma_start3A_64 : memref<8192xf32, #tpu.memory_space<vmem_shared>>) target_semaphore(%run_scoped3A : memref<!tpu.dma_semaphore, #tpu.memory_space<semaphore_mem>>)
      %dma_wait3A_65 = tpu.memref_slice %arg6[%add3A_24] : memref<1310720xf32, #tpu.memory_space<vmem_shared>> -> memref<8192xf32, #tpu.memory_space<vmem_shared>>
      %dma_wait3A_66 = tpu.memref_slice %arg6[%add3A_24] : memref<1310720xf32, #tpu.memory_space<vmem_shared>> -> memref<8192xf32, #tpu.memory_space<vmem_shared>>
      tpu.wait_dma2 semaphore(%run_scoped3A : memref<!tpu.dma_semaphore, #tpu.memory_space<semaphore_mem>>) src(%arg9 : memref<8192xf32, #tpu.memory_space<vmem>>) dst(%dma_wait3A_66 : memref<8192xf32, #tpu.memory_space<vmem_shared>>)
      tpu.yield
    }) : () -> ()
    %add3A_25 = arith.constant 65536 : i32
    %add3A_26 = arith.addi %mul3A_8, %add3A_25 : i32
    "tpu.region"() ({
      %run_scoped3A = tpu.sem_alloc : memref<!tpu.dma_semaphore, #tpu.memory_space<semaphore_mem>>
      %dma_start3A = tpu.memref_slice %arg6[%add3A_26] : memref<1310720xf32, #tpu.memory_space<vmem_shared>> -> memref<8192xf32, #tpu.memory_space<vmem_shared>>
      %dma_start3A_64 = tpu.memref_slice %arg6[%add3A_26] : memref<1310720xf32, #tpu.memory_space<vmem_shared>> -> memref<8192xf32, #tpu.memory_space<vmem_shared>>
      tpu.enqueue_dma source(%arg9 : memref<8192xf32, #tpu.memory_space<vmem>>) target(%dma_start3A_64 : memref<8192xf32, #tpu.memory_space<vmem_shared>>) target_semaphore(%run_scoped3A : memref<!tpu.dma_semaphore, #tpu.memory_space<semaphore_mem>>)
      %dma_wait3A_65 = tpu.memref_slice %arg6[%add3A_26] : memref<1310720xf32, #tpu.memory_space<vmem_shared>> -> memref<8192xf32, #tpu.memory_space<vmem_shared>>
      %dma_wait3A_66 = tpu.memref_slice %arg6[%add3A_26] : memref<1310720xf32, #tpu.memory_space<vmem_shared>> -> memref<8192xf32, #tpu.memory_space<vmem_shared>>
      tpu.wait_dma2 semaphore(%run_scoped3A : memref<!tpu.dma_semaphore, #tpu.memory_space<semaphore_mem>>) src(%arg9 : memref<8192xf32, #tpu.memory_space<vmem>>) dst(%dma_wait3A_66 : memref<8192xf32, #tpu.memory_space<vmem_shared>>)
      tpu.yield
    }) : () -> ()
    %add3A_27 = arith.constant 73728 : i32
    %add3A_28 = arith.addi %mul3A_8, %add3A_27 : i32
    "tpu.region"() ({
      %run_scoped3A = tpu.sem_alloc : memref<!tpu.dma_semaphore, #tpu.memory_space<semaphore_mem>>
      %dma_start3A = tpu.memref_slice %arg6[%add3A_28] : memref<1310720xf32, #tpu.memory_space<vmem_shared>> -> memref<8192xf32, #tpu.memory_space<vmem_shared>>
      %dma_start3A_64 = tpu.memref_slice %arg6[%add3A_28] : memref<1310720xf32, #tpu.memory_space<vmem_shared>> -> memref<8192xf32, #tpu.memory_space<vmem_shared>>
      tpu.enqueue_dma source(%arg9 : memref<8192xf32, #tpu.memory_space<vmem>>) target(%dma_start3A_64 : memref<8192xf32, #tpu.memory_space<vmem_shared>>) target_semaphore(%run_scoped3A : memref<!tpu.dma_semaphore, #tpu.memory_space<semaphore_mem>>)
      %dma_wait3A_65 = tpu.memref_slice %arg6[%add3A_28] : memref<1310720xf32, #tpu.memory_space<vmem_shared>> -> memref<8192xf32, #tpu.memory_space<vmem_shared>>
      %dma_wait3A_66 = tpu.memref_slice %arg6[%add3A_28] : memref<1310720xf32, #tpu.memory_space<vmem_shared>> -> memref<8192xf32, #tpu.memory_space<vmem_shared>>
      tpu.wait_dma2 semaphore(%run_scoped3A : memref<!tpu.dma_semaphore, #tpu.memory_space<semaphore_mem>>) src(%arg9 : memref<8192xf32, #tpu.memory_space<vmem>>) dst(%dma_wait3A_66 : memref<8192xf32, #tpu.memory_space<vmem_shared>>)
      tpu.yield
    }) : () -> ()
    "tpu.region"() ({
      %run_scoped3A = tpu.sem_alloc : memref<!tpu.dma_semaphore, #tpu.memory_space<semaphore_mem>>
      tpu.enqueue_dma source(%arg3 : memref<10000xi32, #tpu.memory_space<hbm>>) target(%arg7 : memref<10000xi32, #tpu.memory_space<vmem>>) target_semaphore(%run_scoped3A : memref<!tpu.dma_semaphore, #tpu.memory_space<semaphore_mem>>)
      tpu.wait_dma2 semaphore(%run_scoped3A : memref<!tpu.dma_semaphore, #tpu.memory_space<semaphore_mem>>) src(%arg3 : memref<10000xi32, #tpu.memory_space<hbm>>) dst(%arg7 : memref<10000xi32, #tpu.memory_space<vmem>>)
      tpu.yield
    }) : () -> ()
    "tpu.region"() ({
      %run_scoped3A = tpu.sem_alloc : memref<!tpu.dma_semaphore, #tpu.memory_space<semaphore_mem>>
      %dma_start3A = arith.constant 0 : i32
      %dma_start3A_64 = tpu.memref_slice %arg4[%dma_start3A] : memref<10240xf32, #tpu.memory_space<hbm>> -> memref<10000xf32, #tpu.memory_space<hbm>>
      %dma_start3A_65 = arith.constant 0 : i32
      %dma_start3A_66 = tpu.memref_slice %arg4[%dma_start3A_65] : memref<10240xf32, #tpu.memory_space<hbm>> -> memref<10000xf32, #tpu.memory_space<hbm>>
      tpu.enqueue_dma source(%dma_start3A_66 : memref<10000xf32, #tpu.memory_space<hbm>>) target(%arg8 : memref<10000xf32, #tpu.memory_space<vmem>>) target_semaphore(%run_scoped3A : memref<!tpu.dma_semaphore, #tpu.memory_space<semaphore_mem>>)
      %dma_wait3A_67 = arith.constant 0 : i32
      %dma_wait3A_68 = tpu.memref_slice %arg4[%dma_wait3A_67] : memref<10240xf32, #tpu.memory_space<hbm>> -> memref<10000xf32, #tpu.memory_space<hbm>>
      %dma_wait3A_69 = arith.constant 0 : i32
      %dma_wait3A_70 = tpu.memref_slice %arg4[%dma_wait3A_69] : memref<10240xf32, #tpu.memory_space<hbm>> -> memref<10000xf32, #tpu.memory_space<hbm>>
      tpu.wait_dma2 semaphore(%run_scoped3A : memref<!tpu.dma_semaphore, #tpu.memory_space<semaphore_mem>>) src(%dma_wait3A_70 : memref<10000xf32, #tpu.memory_space<hbm>>) dst(%arg8 : memref<10000xf32, #tpu.memory_space<vmem>>)
      tpu.yield
    }) : () -> ()
    %barrier3A = arith.constant 0 : index
    tpu.barrier barrier_id(%barrier3A)
    %mul3A_29 = arith.constant 78 : i32
    %mul3A_30 = arith.muli %add3A, %mul3A_29 : i32
    %scan3A_31 = arith.constant 0 : i32
    %scan3A_32 = arith.constant 0 : i32
    %scan3A_33 = arith.constant 39 : i32
    %scan3A_34 = arith.addi %scan3A_32, %scan3A_33 : i32
    %scan3A_35 = arith.constant 1 : i32
    scf.for %scan3A_64 = %scan3A_32 to %scan3A_34 step %scan3A_35  : i32 {
      %gt3A = arith.constant 0 : i32
      %gt3A_65 = arith.cmpi sgt, %scan3A_64, %gt3A : i32
      %convert_element_type3A_66 = arith.extui %gt3A_65 : i1 to i32
      %cond3A_67 = arith.constant 0 : i32
      %cond3A_68 = arith.cmpi ne, %convert_element_type3A_66, %cond3A_67 : i32
      scf.if %cond3A_68 {
        %dma_wait3A_124 = arith.constant 0 : i32
        %dma_wait3A_125 = arith.constant 0 : i32
        %dma_wait3A_126 = arith.constant 0 : i32
        %dma_wait3A_127 = tpu.memref_slice %arg13[%dma_wait3A_124, %dma_wait3A_126] : memref<2x128xf32, #tpu.memory_space<vmem>> -> memref<1x128xf32, #tpu.memory_space<vmem>>
        %dma_wait3A_128 = tpu.memref_squeeze %dma_wait3A_127 : memref<1x128xf32, #tpu.memory_space<vmem>> -> memref<128xf32, #tpu.memory_space<vmem>>
        %dma_wait3A_129 = arith.constant 0 : i32
        %dma_wait3A_130 = tpu.memref_slice %arg12[%dma_wait3A_125, %dma_wait3A_129] : memref<2x128xi32, #tpu.memory_space<vmem>> -> memref<1x128xi32, #tpu.memory_space<vmem>>
        %dma_wait3A_131 = tpu.memref_squeeze %dma_wait3A_130 : memref<1x128xi32, #tpu.memory_space<vmem>> -> memref<128xi32, #tpu.memory_space<vmem>>
        %dma_wait3A_132 = arith.constant 0 : i32
        %dma_wait3A_133 = tpu.memref_slice %arg6[%dma_wait3A_132] : memref<1310720xf32, #tpu.memory_space<vmem_shared>> -> memref<1310720xf32, #tpu.memory_space<vmem_shared>>
        tpu.wait_indirect_dma semaphore(%arg14 : memref<!tpu.dma_semaphore, #tpu.memory_space<semaphore_mem>>) src(%dma_wait3A_128 : memref<128xf32, #tpu.memory_space<vmem>>) dst(%dma_wait3A_133 : memref<1310720xf32, #tpu.memory_space<vmem_shared>>)
      } else {
      }
      %mul3A_69 = arith.constant 2 : i32
      %mul3A_70 = arith.muli %mul3A_69, %scan3A_64 : i32
      %add3A_71 = arith.addi %mul3A_30, %mul3A_70 : i32
      %add3A_72 = arith.constant 0 : i32
      %add3A_73 = arith.addi %add3A_71, %add3A_72 : i32
      %mul3A_74 = arith.constant 128 : i32
      %mul3A_75 = arith.muli %add3A_73, %mul3A_74 : i32
      %multiple_of3A = tpu.assume_multiple %mul3A_75, 8 : i32
      "tpu.region"() ({
        %run_scoped3A = tpu.sem_alloc : memref<!tpu.dma_semaphore, #tpu.memory_space<semaphore_mem>>
        %dma_start3A_124 = tpu.memref_slice %arg2[%multiple_of3A] : memref<640000xi32, #tpu.memory_space<hbm>> -> memref<128xi32, #tpu.memory_space<hbm>>
        %dma_start3A_125 = tpu.memref_slice %arg2[%multiple_of3A] : memref<640000xi32, #tpu.memory_space<hbm>> -> memref<128xi32, #tpu.memory_space<hbm>>
        tpu.enqueue_dma source(%dma_start3A_125 : memref<128xi32, #tpu.memory_space<hbm>>) target(%arg10 : memref<128xi32, #tpu.memory_space<vmem>>) target_semaphore(%run_scoped3A : memref<!tpu.dma_semaphore, #tpu.memory_space<semaphore_mem>>)
        %dma_wait3A_126 = tpu.memref_slice %arg2[%multiple_of3A] : memref<640000xi32, #tpu.memory_space<hbm>> -> memref<128xi32, #tpu.memory_space<hbm>>
        %dma_wait3A_127 = tpu.memref_slice %arg2[%multiple_of3A] : memref<640000xi32, #tpu.memory_space<hbm>> -> memref<128xi32, #tpu.memory_space<hbm>>
        tpu.wait_dma2 semaphore(%run_scoped3A : memref<!tpu.dma_semaphore, #tpu.memory_space<semaphore_mem>>) src(%dma_wait3A_127 : memref<128xi32, #tpu.memory_space<hbm>>) dst(%arg10 : memref<128xi32, #tpu.memory_space<vmem>>)
        tpu.yield
      }) : () -> ()
      %add3A_76 = arith.constant 320000 : i32
      %add3A_77 = arith.addi %add3A_76, %multiple_of3A : i32
      "tpu.region"() ({
        %run_scoped3A = tpu.sem_alloc : memref<!tpu.dma_semaphore, #tpu.memory_space<semaphore_mem>>
        %dma_start3A_124 = tpu.memref_slice %arg2[%add3A_77] : memref<640000xi32, #tpu.memory_space<hbm>> -> memref<128xi32, #tpu.memory_space<hbm>>
        %dma_start3A_125 = tpu.memref_slice %arg2[%add3A_77] : memref<640000xi32, #tpu.memory_space<hbm>> -> memref<128xi32, #tpu.memory_space<hbm>>
        tpu.enqueue_dma source(%dma_start3A_125 : memref<128xi32, #tpu.memory_space<hbm>>) target(%arg11 : memref<128xi32, #tpu.memory_space<vmem>>) target_semaphore(%run_scoped3A : memref<!tpu.dma_semaphore, #tpu.memory_space<semaphore_mem>>)
        %dma_wait3A_126 = tpu.memref_slice %arg2[%add3A_77] : memref<640000xi32, #tpu.memory_space<hbm>> -> memref<128xi32, #tpu.memory_space<hbm>>
        %dma_wait3A_127 = tpu.memref_slice %arg2[%add3A_77] : memref<640000xi32, #tpu.memory_space<hbm>> -> memref<128xi32, #tpu.memory_space<hbm>>
        tpu.wait_dma2 semaphore(%run_scoped3A : memref<!tpu.dma_semaphore, #tpu.memory_space<semaphore_mem>>) src(%dma_wait3A_127 : memref<128xi32, #tpu.memory_space<hbm>>) dst(%arg11 : memref<128xi32, #tpu.memory_space<vmem>>)
        tpu.yield
      }) : () -> ()
      %scan3A_78 = arith.constant 0 : i32
      %scan3A_79 = arith.constant 0 : i32
      %scan3A_80 = arith.constant 8 : i32
      %scan3A_81 = arith.addi %scan3A_79, %scan3A_80 : i32
      %scan3A_82 = arith.constant 1 : i32
      scf.for %scan3A_124 = %scan3A_79 to %scan3A_81 step %scan3A_82  : i32 {
        %mul3A_125 = arith.constant 16 : i32
        %mul3A_126 = arith.muli %scan3A_124, %mul3A_125 : i32
        %get3A = arith.index_cast %mul3A_126 : i32 to index
        %get3A_127 = tpu.vector_load %arg11[%get3A] {strides = array<i32>} : memref<128xi32, #tpu.memory_space<vmem>>, vector<16xi32>,
        %mul3A_128 = arith.constant 16 : i32
        %mul3A_129 = arith.muli %scan3A_124, %mul3A_128 : i32
        %get3A_130 = arith.index_cast %mul3A_129 : i32 to index
        %get3A_131 = tpu.vector_load %arg10[%get3A_130] {strides = array<i32>} : memref<128xi32, #tpu.memory_space<vmem>>, vector<16xi32>,
        %gather3A = tpu.vector_load_idx %arg7[%get3A_127] : memref<10000xi32, #tpu.memory_space<vmem>>[vector<16xi32>], vector<16xi32>,
        %gather3A_132 = tpu.vector_load_idx %arg8[%get3A_127] : memref<10000xf32, #tpu.memory_space<vmem>>[vector<16xi32>], vector<16xf32>,
        %mul3A_133 = arith.constant 128 : i32
        %mul3A_134 = vector.broadcast %mul3A_133 : i32 to vector<16xi32>
        %mul3A_135 = arith.muli %get3A_131, %mul3A_134 : vector<16xi32>
        %add3A_136 = arith.addi %mul3A_135, %gather3A : vector<16xi32>
        %mul3A_137 = arith.constant 16 : i32
        %mul3A_138 = arith.muli %scan3A_124, %mul3A_137 : i32
        %swap3A = arith.constant 0 : i32
        %swap3A_139 = arith.index_cast %swap3A : i32 to index
        %swap3A_140 = arith.index_cast %mul3A_138 : i32 to index
        %swap3A_141 = tpu.vector_load %arg12[%swap3A_139, %swap3A_140] {strides = array<i32>} : memref<2x128xi32, #tpu.memory_space<vmem>>, vector<16xi32>,
        tpu.vector_store %arg12[%swap3A_139, %swap3A_140], %add3A_136 {strides = array<i32>} : memref<2x128xi32, #tpu.memory_space<vmem>>, vector<16xi32>,
        %mul3A_142 = arith.constant 16 : i32
        %mul3A_143 = arith.muli %scan3A_124, %mul3A_142 : i32
        %swap3A_144 = arith.constant 0 : i32
        %swap3A_145 = arith.index_cast %swap3A_144 : i32 to index
        %swap3A_146 = arith.index_cast %mul3A_143 : i32 to index
        %swap3A_147 = tpu.vector_load %arg13[%swap3A_145, %swap3A_146] {strides = array<i32>} : memref<2x128xf32, #tpu.memory_space<vmem>>, vector<16xf32>,
        tpu.vector_store %arg13[%swap3A_145, %swap3A_146], %gather3A_132 {strides = array<i32>} : memref<2x128xf32, #tpu.memory_space<vmem>>, vector<16xf32>,
      }
      %scan3A_83 = arith.constant 8 : i32
      %dma_start3A = arith.constant 0 : i32
      %dma_start3A_84 = arith.constant 0 : i32
      %dma_start3A_85 = arith.constant 0 : i32
      %dma_start3A_86 = tpu.memref_slice %arg13[%dma_start3A, %dma_start3A_85] : memref<2x128xf32, #tpu.memory_space<vmem>> -> memref<1x128xf32, #tpu.memory_space<vmem>>
      %dma_start3A_87 = tpu.memref_squeeze %dma_start3A_86 : memref<1x128xf32, #tpu.memory_space<vmem>> -> memref<128xf32, #tpu.memory_space<vmem>>
      %dma_start3A_88 = arith.constant 0 : i32
      %dma_start3A_89 = tpu.memref_slice %arg12[%dma_start3A_84, %dma_start3A_88] : memref<2x128xi32, #tpu.memory_space<vmem>> -> memref<1x128xi32, #tpu.memory_space<vmem>>
      %dma_start3A_90 = tpu.memref_squeeze %dma_start3A_89 : memref<1x128xi32, #tpu.memory_space<vmem>> -> memref<128xi32, #tpu.memory_space<vmem>>
      %dma_start3A_91 = arith.constant 0 : i32
      %dma_start3A_92 = tpu.memref_slice %arg6[%dma_start3A_91] : memref<1310720xf32, #tpu.memory_space<vmem_shared>> -> memref<1310720xf32, #tpu.memory_space<vmem_shared>>
      tpu.enqueue_indirect_dma source(%dma_start3A_87 : memref<128xf32, #tpu.memory_space<vmem>>) target(%dma_start3A_92 : memref<1310720xf32, #tpu.memory_space<vmem_shared>>) offsets(%dma_start3A_90 : memref<128xi32, #tpu.memory_space<vmem>>) semaphore(%arg14 : memref<!tpu.dma_semaphore, #tpu.memory_space<semaphore_mem>>) {add = true}
      %gt3A_93 = arith.constant 0 : i32
      %gt3A_94 = arith.cmpi sgt, %scan3A_64, %gt3A_93 : i32
      %convert_element_type3A_95 = arith.extui %gt3A_94 : i1 to i32
      %cond3A_96 = arith.constant 0 : i32
      %cond3A_97 = arith.cmpi ne, %convert_element_type3A_95, %cond3A_96 : i32
      scf.if %cond3A_97 {
        %dma_wait3A_124 = arith.constant 1 : i32
        %dma_wait3A_125 = arith.constant 1 : i32
        %dma_wait3A_126 = arith.constant 0 : i32
        %dma_wait3A_127 = tpu.memref_slice %arg13[%dma_wait3A_124, %dma_wait3A_126] : memref<2x128xf32, #tpu.memory_space<vmem>> -> memref<1x128xf32, #tpu.memory_space<vmem>>
        %dma_wait3A_128 = tpu.memref_squeeze %dma_wait3A_127 : memref<1x128xf32, #tpu.memory_space<vmem>> -> memref<128xf32, #tpu.memory_space<vmem>>
        %dma_wait3A_129 = arith.constant 0 : i32
        %dma_wait3A_130 = tpu.memref_slice %arg12[%dma_wait3A_125, %dma_wait3A_129] : memref<2x128xi32, #tpu.memory_space<vmem>> -> memref<1x128xi32, #tpu.memory_space<vmem>>
        %dma_wait3A_131 = tpu.memref_squeeze %dma_wait3A_130 : memref<1x128xi32, #tpu.memory_space<vmem>> -> memref<128xi32, #tpu.memory_space<vmem>>
        %dma_wait3A_132 = arith.constant 0 : i32
        %dma_wait3A_133 = tpu.memref_slice %arg6[%dma_wait3A_132] : memref<1310720xf32, #tpu.memory_space<vmem_shared>> -> memref<1310720xf32, #tpu.memory_space<vmem_shared>>
        tpu.wait_indirect_dma semaphore(%arg15 : memref<!tpu.dma_semaphore, #tpu.memory_space<semaphore_mem>>) src(%dma_wait3A_128 : memref<128xf32, #tpu.memory_space<vmem>>) dst(%dma_wait3A_133 : memref<1310720xf32, #tpu.memory_space<vmem_shared>>)
      } else {
      }
      %mul3A_98 = arith.constant 2 : i32
      %mul3A_99 = arith.muli %mul3A_98, %scan3A_64 : i32
      %add3A_100 = arith.addi %mul3A_30, %mul3A_99 : i32
      %add3A_101 = arith.constant 1 : i32
      %add3A_102 = arith.addi %add3A_100, %add3A_101 : i32
      %mul3A_103 = arith.constant 128 : i32
      %mul3A_104 = arith.muli %add3A_102, %mul3A_103 : i32
      %multiple_of3A_105 = tpu.assume_multiple %mul3A_104, 8 : i32
      "tpu.region"() ({
        %run_scoped3A = tpu.sem_alloc : memref<!tpu.dma_semaphore, #tpu.memory_space<semaphore_mem>>
        %dma_start3A_124 = tpu.memref_slice %arg2[%multiple_of3A_105] : memref<640000xi32, #tpu.memory_space<hbm>> -> memref<128xi32, #tpu.memory_space<hbm>>
        %dma_start3A_125 = tpu.memref_slice %arg2[%multiple_of3A_105] : memref<640000xi32, #tpu.memory_space<hbm>> -> memref<128xi32, #tpu.memory_space<hbm>>
        tpu.enqueue_dma source(%dma_start3A_125 : memref<128xi32, #tpu.memory_space<hbm>>) target(%arg10 : memref<128xi32, #tpu.memory_space<vmem>>) target_semaphore(%run_scoped3A : memref<!tpu.dma_semaphore, #tpu.memory_space<semaphore_mem>>)
        %dma_wait3A_126 = tpu.memref_slice %arg2[%multiple_of3A_105] : memref<640000xi32, #tpu.memory_space<hbm>> -> memref<128xi32, #tpu.memory_space<hbm>>
        %dma_wait3A_127 = tpu.memref_slice %arg2[%multiple_of3A_105] : memref<640000xi32, #tpu.memory_space<hbm>> -> memref<128xi32, #tpu.memory_space<hbm>>
        tpu.wait_dma2 semaphore(%run_scoped3A : memref<!tpu.dma_semaphore, #tpu.memory_space<semaphore_mem>>) src(%dma_wait3A_127 : memref<128xi32, #tpu.memory_space<hbm>>) dst(%arg10 : memref<128xi32, #tpu.memory_space<vmem>>)
        tpu.yield
      }) : () -> ()
      %add3A_106 = arith.constant 320000 : i32
      %add3A_107 = arith.addi %add3A_106, %multiple_of3A_105 : i32
      "tpu.region"() ({
        %run_scoped3A = tpu.sem_alloc : memref<!tpu.dma_semaphore, #tpu.memory_space<semaphore_mem>>
        %dma_start3A_124 = tpu.memref_slice %arg2[%add3A_107] : memref<640000xi32, #tpu.memory_space<hbm>> -> memref<128xi32, #tpu.memory_space<hbm>>
        %dma_start3A_125 = tpu.memref_slice %arg2[%add3A_107] : memref<640000xi32, #tpu.memory_space<hbm>> -> memref<128xi32, #tpu.memory_space<hbm>>
        tpu.enqueue_dma source(%dma_start3A_125 : memref<128xi32, #tpu.memory_space<hbm>>) target(%arg11 : memref<128xi32, #tpu.memory_space<vmem>>) target_semaphore(%run_scoped3A : memref<!tpu.dma_semaphore, #tpu.memory_space<semaphore_mem>>)
        %dma_wait3A_126 = tpu.memref_slice %arg2[%add3A_107] : memref<640000xi32, #tpu.memory_space<hbm>> -> memref<128xi32, #tpu.memory_space<hbm>>
        %dma_wait3A_127 = tpu.memref_slice %arg2[%add3A_107] : memref<640000xi32, #tpu.memory_space<hbm>> -> memref<128xi32, #tpu.memory_space<hbm>>
        tpu.wait_dma2 semaphore(%run_scoped3A : memref<!tpu.dma_semaphore, #tpu.memory_space<semaphore_mem>>) src(%dma_wait3A_127 : memref<128xi32, #tpu.memory_space<hbm>>) dst(%arg11 : memref<128xi32, #tpu.memory_space<vmem>>)
        tpu.yield
      }) : () -> ()
      %scan3A_108 = arith.constant 0 : i32
      %scan3A_109 = arith.constant 0 : i32
      %scan3A_110 = arith.constant 8 : i32
      %scan3A_111 = arith.addi %scan3A_109, %scan3A_110 : i32
      %scan3A_112 = arith.constant 1 : i32
      scf.for %scan3A_124 = %scan3A_109 to %scan3A_111 step %scan3A_112  : i32 {
        %mul3A_125 = arith.constant 16 : i32
        %mul3A_126 = arith.muli %scan3A_124, %mul3A_125 : i32
        %get3A = arith.index_cast %mul3A_126 : i32 to index
        %get3A_127 = tpu.vector_load %arg11[%get3A] {strides = array<i32>} : memref<128xi32, #tpu.memory_space<vmem>>, vector<16xi32>,
        %mul3A_128 = arith.constant 16 : i32
        %mul3A_129 = arith.muli %scan3A_124, %mul3A_128 : i32
        %get3A_130 = arith.index_cast %mul3A_129 : i32 to index
        %get3A_131 = tpu.vector_load %arg10[%get3A_130] {strides = array<i32>} : memref<128xi32, #tpu.memory_space<vmem>>, vector<16xi32>,
        %gather3A = tpu.vector_load_idx %arg7[%get3A_127] : memref<10000xi32, #tpu.memory_space<vmem>>[vector<16xi32>], vector<16xi32>,
        %gather3A_132 = tpu.vector_load_idx %arg8[%get3A_127] : memref<10000xf32, #tpu.memory_space<vmem>>[vector<16xi32>], vector<16xf32>,
        %mul3A_133 = arith.constant 128 : i32
        %mul3A_134 = vector.broadcast %mul3A_133 : i32 to vector<16xi32>
        %mul3A_135 = arith.muli %get3A_131, %mul3A_134 : vector<16xi32>
        %add3A_136 = arith.addi %mul3A_135, %gather3A : vector<16xi32>
        %mul3A_137 = arith.constant 16 : i32
        %mul3A_138 = arith.muli %scan3A_124, %mul3A_137 : i32
        %swap3A = arith.constant 1 : i32
        %swap3A_139 = arith.index_cast %swap3A : i32 to index
        %swap3A_140 = arith.index_cast %mul3A_138 : i32 to index
        %swap3A_141 = tpu.vector_load %arg12[%swap3A_139, %swap3A_140] {strides = array<i32>} : memref<2x128xi32, #tpu.memory_space<vmem>>, vector<16xi32>,
        tpu.vector_store %arg12[%swap3A_139, %swap3A_140], %add3A_136 {strides = array<i32>} : memref<2x128xi32, #tpu.memory_space<vmem>>, vector<16xi32>,
        %mul3A_142 = arith.constant 16 : i32
        %mul3A_143 = arith.muli %scan3A_124, %mul3A_142 : i32
        %swap3A_144 = arith.constant 1 : i32
        %swap3A_145 = arith.index_cast %swap3A_144 : i32 to index
        %swap3A_146 = arith.index_cast %mul3A_143 : i32 to index
        %swap3A_147 = tpu.vector_load %arg13[%swap3A_145, %swap3A_146] {strides = array<i32>} : memref<2x128xf32, #tpu.memory_space<vmem>>, vector<16xf32>,
        tpu.vector_store %arg13[%swap3A_145, %swap3A_146], %gather3A_132 {strides = array<i32>} : memref<2x128xf32, #tpu.memory_space<vmem>>, vector<16xf32>,
      }
      %scan3A_113 = arith.constant 8 : i32
      %dma_start3A_114 = arith.constant 1 : i32
      %dma_start3A_115 = arith.constant 1 : i32
      %dma_start3A_116 = arith.constant 0 : i32
      %dma_start3A_117 = tpu.memref_slice %arg13[%dma_start3A_114, %dma_start3A_116] : memref<2x128xf32, #tpu.memory_space<vmem>> -> memref<1x128xf32, #tpu.memory_space<vmem>>
      %dma_start3A_118 = tpu.memref_squeeze %dma_start3A_117 : memref<1x128xf32, #tpu.memory_space<vmem>> -> memref<128xf32, #tpu.memory_space<vmem>>
      %dma_start3A_119 = arith.constant 0 : i32
      %dma_start3A_120 = tpu.memref_slice %arg12[%dma_start3A_115, %dma_start3A_119] : memref<2x128xi32, #tpu.memory_space<vmem>> -> memref<1x128xi32, #tpu.memory_space<vmem>>
      %dma_start3A_121 = tpu.memref_squeeze %dma_start3A_120 : memref<1x128xi32, #tpu.memory_space<vmem>> -> memref<128xi32, #tpu.memory_space<vmem>>
      %dma_start3A_122 = arith.constant 0 : i32
      %dma_start3A_123 = tpu.memref_slice %arg6[%dma_start3A_122] : memref<1310720xf32, #tpu.memory_space<vmem_shared>> -> memref<1310720xf32, #tpu.memory_space<vmem_shared>>
      tpu.enqueue_indirect_dma source(%dma_start3A_118 : memref<128xf32, #tpu.memory_space<vmem>>) target(%dma_start3A_123 : memref<1310720xf32, #tpu.memory_space<vmem_shared>>) offsets(%dma_start3A_121 : memref<128xi32, #tpu.memory_space<vmem>>) semaphore(%arg15 : memref<!tpu.dma_semaphore, #tpu.memory_space<semaphore_mem>>) {add = true}
    }
    %scan3A_36 = arith.constant 39 : i32
    %dma_wait3A = arith.constant 0 : i32
    %dma_wait3A_37 = arith.constant 0 : i32
    %dma_wait3A_38 = arith.constant 0 : i32
    %dma_wait3A_39 = tpu.memref_slice %arg13[%dma_wait3A, %dma_wait3A_38] : memref<2x128xf32, #tpu.memory_space<vmem>> -> memref<1x128xf32, #tpu.memory_space<vmem>>
    %dma_wait3A_40 = tpu.memref_squeeze %dma_wait3A_39 : memref<1x128xf32, #tpu.memory_space<vmem>> -> memref<128xf32, #tpu.memory_space<vmem>>
    %dma_wait3A_41 = arith.constant 0 : i32
    %dma_wait3A_42 = tpu.memref_slice %arg12[%dma_wait3A_37, %dma_wait3A_41] : memref<2x128xi32, #tpu.memory_space<vmem>> -> memref<1x128xi32, #tpu.memory_space<vmem>>
    %dma_wait3A_43 = tpu.memref_squeeze %dma_wait3A_42 : memref<1x128xi32, #tpu.memory_space<vmem>> -> memref<128xi32, #tpu.memory_space<vmem>>
    %dma_wait3A_44 = arith.constant 0 : i32
    %dma_wait3A_45 = tpu.memref_slice %arg6[%dma_wait3A_44] : memref<1310720xf32, #tpu.memory_space<vmem_shared>> -> memref<1310720xf32, #tpu.memory_space<vmem_shared>>
    tpu.wait_indirect_dma semaphore(%arg14 : memref<!tpu.dma_semaphore, #tpu.memory_space<semaphore_mem>>) src(%dma_wait3A_40 : memref<128xf32, #tpu.memory_space<vmem>>) dst(%dma_wait3A_45 : memref<1310720xf32, #tpu.memory_space<vmem_shared>>)
    %dma_wait3A_46 = arith.constant 1 : i32
    %dma_wait3A_47 = arith.constant 1 : i32
    %dma_wait3A_48 = arith.constant 0 : i32
    %dma_wait3A_49 = tpu.memref_slice %arg13[%dma_wait3A_46, %dma_wait3A_48] : memref<2x128xf32, #tpu.memory_space<vmem>> -> memref<1x128xf32, #tpu.memory_space<vmem>>
    %dma_wait3A_50 = tpu.memref_squeeze %dma_wait3A_49 : memref<1x128xf32, #tpu.memory_space<vmem>> -> memref<128xf32, #tpu.memory_space<vmem>>
    %dma_wait3A_51 = arith.constant 0 : i32
    %dma_wait3A_52 = tpu.memref_slice %arg12[%dma_wait3A_47, %dma_wait3A_51] : memref<2x128xi32, #tpu.memory_space<vmem>> -> memref<1x128xi32, #tpu.memory_space<vmem>>
    %dma_wait3A_53 = tpu.memref_squeeze %dma_wait3A_52 : memref<1x128xi32, #tpu.memory_space<vmem>> -> memref<128xi32, #tpu.memory_space<vmem>>
    %dma_wait3A_54 = arith.constant 0 : i32
    %dma_wait3A_55 = tpu.memref_slice %arg6[%dma_wait3A_54] : memref<1310720xf32, #tpu.memory_space<vmem_shared>> -> memref<1310720xf32, #tpu.memory_space<vmem_shared>>
    tpu.wait_indirect_dma semaphore(%arg15 : memref<!tpu.dma_semaphore, #tpu.memory_space<semaphore_mem>>) src(%dma_wait3A_50 : memref<128xf32, #tpu.memory_space<vmem>>) dst(%dma_wait3A_55 : memref<1310720xf32, #tpu.memory_space<vmem_shared>>)
    %lt3A = arith.constant 4 : i32
    %lt3A_56 = arith.cmpi slt, %add3A, %lt3A : i32
    %convert_element_type3A = arith.extui %lt3A_56 : i1 to i32
    %cond3A = arith.constant 0 : i32
    %cond3A_57 = arith.cmpi ne, %convert_element_type3A, %cond3A : i32
    scf.if %cond3A_57 {
      %add3A_64 = arith.constant 2496 : i32
      %add3A_65 = arith.addi %add3A_64, %add3A : i32
      %mul3A_66 = arith.constant 128 : i32
      %mul3A_67 = arith.muli %add3A_65, %mul3A_66 : i32
      %multiple_of3A = tpu.assume_multiple %mul3A_67, 8 : i32
      "tpu.region"() ({
        %run_scoped3A = tpu.sem_alloc : memref<!tpu.dma_semaphore, #tpu.memory_space<semaphore_mem>>
        %dma_start3A_95 = tpu.memref_slice %arg2[%multiple_of3A] : memref<640000xi32, #tpu.memory_space<hbm>> -> memref<128xi32, #tpu.memory_space<hbm>>
        %dma_start3A_96 = tpu.memref_slice %arg2[%multiple_of3A] : memref<640000xi32, #tpu.memory_space<hbm>> -> memref<128xi32, #tpu.memory_space<hbm>>
        tpu.enqueue_dma source(%dma_start3A_96 : memref<128xi32, #tpu.memory_space<hbm>>) target(%arg10 : memref<128xi32, #tpu.memory_space<vmem>>) target_semaphore(%run_scoped3A : memref<!tpu.dma_semaphore, #tpu.memory_space<semaphore_mem>>)
        %dma_wait3A_97 = tpu.memref_slice %arg2[%multiple_of3A] : memref<640000xi32, #tpu.memory_space<hbm>> -> memref<128xi32, #tpu.memory_space<hbm>>
        %dma_wait3A_98 = tpu.memref_slice %arg2[%multiple_of3A] : memref<640000xi32, #tpu.memory_space<hbm>> -> memref<128xi32, #tpu.memory_space<hbm>>
        tpu.wait_dma2 semaphore(%run_scoped3A : memref<!tpu.dma_semaphore, #tpu.memory_space<semaphore_mem>>) src(%dma_wait3A_98 : memref<128xi32, #tpu.memory_space<hbm>>) dst(%arg10 : memref<128xi32, #tpu.memory_space<vmem>>)
        tpu.yield
      }) : () -> ()
      %add3A_68 = arith.constant 320000 : i32
      %add3A_69 = arith.addi %add3A_68, %multiple_of3A : i32
      "tpu.region"() ({
        %run_scoped3A = tpu.sem_alloc : memref<!tpu.dma_semaphore, #tpu.memory_space<semaphore_mem>>
        %dma_start3A_95 = tpu.memref_slice %arg2[%add3A_69] : memref<640000xi32, #tpu.memory_space<hbm>> -> memref<128xi32, #tpu.memory_space<hbm>>
        %dma_start3A_96 = tpu.memref_slice %arg2[%add3A_69] : memref<640000xi32, #tpu.memory_space<hbm>> -> memref<128xi32, #tpu.memory_space<hbm>>
        tpu.enqueue_dma source(%dma_start3A_96 : memref<128xi32, #tpu.memory_space<hbm>>) target(%arg11 : memref<128xi32, #tpu.memory_space<vmem>>) target_semaphore(%run_scoped3A : memref<!tpu.dma_semaphore, #tpu.memory_space<semaphore_mem>>)
        %dma_wait3A_97 = tpu.memref_slice %arg2[%add3A_69] : memref<640000xi32, #tpu.memory_space<hbm>> -> memref<128xi32, #tpu.memory_space<hbm>>
        %dma_wait3A_98 = tpu.memref_slice %arg2[%add3A_69] : memref<640000xi32, #tpu.memory_space<hbm>> -> memref<128xi32, #tpu.memory_space<hbm>>
        tpu.wait_dma2 semaphore(%run_scoped3A : memref<!tpu.dma_semaphore, #tpu.memory_space<semaphore_mem>>) src(%dma_wait3A_98 : memref<128xi32, #tpu.memory_space<hbm>>) dst(%arg11 : memref<128xi32, #tpu.memory_space<vmem>>)
        tpu.yield
      }) : () -> ()
      %scan3A_70 = arith.constant 0 : i32
      %scan3A_71 = arith.constant 0 : i32
      %scan3A_72 = arith.constant 8 : i32
      %scan3A_73 = arith.addi %scan3A_71, %scan3A_72 : i32
      %scan3A_74 = arith.constant 1 : i32
      scf.for %scan3A_95 = %scan3A_71 to %scan3A_73 step %scan3A_74  : i32 {
        %mul3A_96 = arith.constant 16 : i32
        %mul3A_97 = arith.muli %scan3A_95, %mul3A_96 : i32
        %get3A = arith.index_cast %mul3A_97 : i32 to index
        %get3A_98 = tpu.vector_load %arg11[%get3A] {strides = array<i32>} : memref<128xi32, #tpu.memory_space<vmem>>, vector<16xi32>,
        %mul3A_99 = arith.constant 16 : i32
        %mul3A_100 = arith.muli %scan3A_95, %mul3A_99 : i32
        %get3A_101 = arith.index_cast %mul3A_100 : i32 to index
        %get3A_102 = tpu.vector_load %arg10[%get3A_101] {strides = array<i32>} : memref<128xi32, #tpu.memory_space<vmem>>, vector<16xi32>,
        %gather3A = tpu.vector_load_idx %arg7[%get3A_98] : memref<10000xi32, #tpu.memory_space<vmem>>[vector<16xi32>], vector<16xi32>,
        %gather3A_103 = tpu.vector_load_idx %arg8[%get3A_98] : memref<10000xf32, #tpu.memory_space<vmem>>[vector<16xi32>], vector<16xf32>,
        %mul3A_104 = arith.constant 128 : i32
        %mul3A_105 = vector.broadcast %mul3A_104 : i32 to vector<16xi32>
        %mul3A_106 = arith.muli %get3A_102, %mul3A_105 : vector<16xi32>
        %add3A_107 = arith.addi %mul3A_106, %gather3A : vector<16xi32>
        %mul3A_108 = arith.constant 16 : i32
        %mul3A_109 = arith.muli %scan3A_95, %mul3A_108 : i32
        %swap3A = arith.constant 0 : i32
        %swap3A_110 = arith.index_cast %swap3A : i32 to index
        %swap3A_111 = arith.index_cast %mul3A_109 : i32 to index
        %swap3A_112 = tpu.vector_load %arg12[%swap3A_110, %swap3A_111] {strides = array<i32>} : memref<2x128xi32, #tpu.memory_space<vmem>>, vector<16xi32>,
        tpu.vector_store %arg12[%swap3A_110, %swap3A_111], %add3A_107 {strides = array<i32>} : memref<2x128xi32, #tpu.memory_space<vmem>>, vector<16xi32>,
        %mul3A_113 = arith.constant 16 : i32
        %mul3A_114 = arith.muli %scan3A_95, %mul3A_113 : i32
        %swap3A_115 = arith.constant 0 : i32
        %swap3A_116 = arith.index_cast %swap3A_115 : i32 to index
        %swap3A_117 = arith.index_cast %mul3A_114 : i32 to index
        %swap3A_118 = tpu.vector_load %arg13[%swap3A_116, %swap3A_117] {strides = array<i32>} : memref<2x128xf32, #tpu.memory_space<vmem>>, vector<16xf32>,
        tpu.vector_store %arg13[%swap3A_116, %swap3A_117], %gather3A_103 {strides = array<i32>} : memref<2x128xf32, #tpu.memory_space<vmem>>, vector<16xf32>,
      }
      %scan3A_75 = arith.constant 8 : i32
      %dma_start3A = arith.constant 0 : i32
      %dma_start3A_76 = arith.constant 0 : i32
      %dma_start3A_77 = arith.constant 0 : i32
      %dma_start3A_78 = tpu.memref_slice %arg13[%dma_start3A, %dma_start3A_77] : memref<2x128xf32, #tpu.memory_space<vmem>> -> memref<1x128xf32, #tpu.memory_space<vmem>>
      %dma_start3A_79 = tpu.memref_squeeze %dma_start3A_78 : memref<1x128xf32, #tpu.memory_space<vmem>> -> memref<128xf32, #tpu.memory_space<vmem>>
      %dma_start3A_80 = arith.constant 0 : i32
      %dma_start3A_81 = tpu.memref_slice %arg12[%dma_start3A_76, %dma_start3A_80] : memref<2x128xi32, #tpu.memory_space<vmem>> -> memref<1x128xi32, #tpu.memory_space<vmem>>
      %dma_start3A_82 = tpu.memref_squeeze %dma_start3A_81 : memref<1x128xi32, #tpu.memory_space<vmem>> -> memref<128xi32, #tpu.memory_space<vmem>>
      %dma_start3A_83 = arith.constant 0 : i32
      %dma_start3A_84 = tpu.memref_slice %arg6[%dma_start3A_83] : memref<1310720xf32, #tpu.memory_space<vmem_shared>> -> memref<1310720xf32, #tpu.memory_space<vmem_shared>>
      tpu.enqueue_indirect_dma source(%dma_start3A_79 : memref<128xf32, #tpu.memory_space<vmem>>) target(%dma_start3A_84 : memref<1310720xf32, #tpu.memory_space<vmem_shared>>) offsets(%dma_start3A_82 : memref<128xi32, #tpu.memory_space<vmem>>) semaphore(%arg14 : memref<!tpu.dma_semaphore, #tpu.memory_space<semaphore_mem>>) {add = true}
      %dma_wait3A_85 = arith.constant 0 : i32
      %dma_wait3A_86 = arith.constant 0 : i32
      %dma_wait3A_87 = arith.constant 0 : i32
      %dma_wait3A_88 = tpu.memref_slice %arg13[%dma_wait3A_85, %dma_wait3A_87] : memref<2x128xf32, #tpu.memory_space<vmem>> -> memref<1x128xf32, #tpu.memory_space<vmem>>
      %dma_wait3A_89 = tpu.memref_squeeze %dma_wait3A_88 : memref<1x128xf32, #tpu.memory_space<vmem>> -> memref<128xf32, #tpu.memory_space<vmem>>
      %dma_wait3A_90 = arith.constant 0 : i32
      %dma_wait3A_91 = tpu.memref_slice %arg12[%dma_wait3A_86, %dma_wait3A_90] : memref<2x128xi32, #tpu.memory_space<vmem>> -> memref<1x128xi32, #tpu.memory_space<vmem>>
      %dma_wait3A_92 = tpu.memref_squeeze %dma_wait3A_91 : memref<1x128xi32, #tpu.memory_space<vmem>> -> memref<128xi32, #tpu.memory_space<vmem>>
      %dma_wait3A_93 = arith.constant 0 : i32
      %dma_wait3A_94 = tpu.memref_slice %arg6[%dma_wait3A_93] : memref<1310720xf32, #tpu.memory_space<vmem_shared>> -> memref<1310720xf32, #tpu.memory_space<vmem_shared>>
      tpu.wait_indirect_dma semaphore(%arg14 : memref<!tpu.dma_semaphore, #tpu.memory_space<semaphore_mem>>) src(%dma_wait3A_89 : memref<128xf32, #tpu.memory_space<vmem>>) dst(%dma_wait3A_94 : memref<1310720xf32, #tpu.memory_space<vmem_shared>>)
    } else {
    }
    %barrier3A_58 = arith.constant 0 : index
    tpu.barrier barrier_id(%barrier3A_58)
    %mul3A_59 = arith.constant 10240 : i32
    %mul3A_60 = arith.muli %arg0, %mul3A_59 : i32
    %mul3A_61 = arith.constant 128 : i32
    %mul3A_62 = arith.muli %mul3A_60, %mul3A_61 : i32
    %add3A_63 = arith.addi %mul3A_62, %mul3A_8 : i32
    "tpu.region"() ({
      %run_scoped3A = tpu.sem_alloc : memref<!tpu.dma_semaphore, #tpu.memory_space<semaphore_mem>>
      %dma_start3A = tpu.memref_slice %arg5[%add3A_63] : memref<2621440xf32, #tpu.memory_space<hbm>> -> memref<81920xf32, #tpu.memory_space<hbm>>
      %dma_start3A_64 = tpu.memref_slice %arg6[%mul3A_8] : memref<1310720xf32, #tpu.memory_space<vmem_shared>> -> memref<81920xf32, #tpu.memory_space<vmem_shared>>
      tpu.enqueue_dma source(%dma_start3A_64 : memref<81920xf32, #tpu.memory_space<vmem_shared>>) target(%dma_start3A : memref<81920xf32, #tpu.memory_space<hbm>>) target_semaphore(%run_scoped3A : memref<!tpu.dma_semaphore, #tpu.memory_space<semaphore_mem>>)
      %dma_wait3A_65 = tpu.memref_slice %arg5[%add3A_63] : memref<2621440xf32, #tpu.memory_space<hbm>> -> memref<81920xf32, #tpu.memory_space<hbm>>
      %dma_wait3A_66 = tpu.memref_slice %arg6[%mul3A_8] : memref<1310720xf32, #tpu.memory_space<vmem_shared>> -> memref<81920xf32, #tpu.memory_space<vmem_shared>>
      tpu.wait_dma2 semaphore(%run_scoped3A : memref<!tpu.dma_semaphore, #tpu.memory_space<semaphore_mem>>) src(%dma_wait3A_66 : memref<81920xf32, #tpu.memory_space<vmem_shared>>) dst(%dma_wait3A_65 : memref<81920xf32, #tpu.memory_space<hbm>>)
      tpu.yield
    }) : () -> ()
    return
  }
}

#map = affine_map<(d0, d1) -> (0)>
#map1 = affine_map<(d0, d1) -> (0, 0)>
module attributes {stable_mosaic.version = 14 : i64} {
  func.func @_sc_aggregate(%arg0: i32, %arg1: i32, %arg2: memref<640000xi32, #tpu.memory_space<hbm>>, %arg3: memref<10240x128xf32, #tpu.memory_space<hbm>>, %arg4: memref<20480x128xf32, #tpu.memory_space<hbm>>, %arg5: memref<10240x128xf32, #tpu.memory_space<vmem_shared>>, %arg6: memref<2x128x128xf32, #tpu.memory_space<vmem>>, %arg7: memref<2x128xi32, #tpu.memory_space<vmem>>, %arg8: memref<2x128xi32, #tpu.memory_space<vmem>>, %arg9: memref<!tpu.dma_semaphore, #tpu.memory_space<semaphore_mem>>, %arg10: memref<!tpu.dma_semaphore, #tpu.memory_space<semaphore_mem>>, %arg11: memref<!tpu.dma_semaphore, #tpu.memory_space<semaphore_mem>>, %arg12: memref<!tpu.dma_semaphore, #tpu.memory_space<semaphore_mem>>) attributes {dimension_semantics = [#tpu.dimension_semantics<core_parallel>, #tpu.dimension_semantics<subcore_parallel>], iteration_bounds = array<i64: 2, 16>, scalar_prefetch = 0 : i64, scratch_operands = 8 : i64, tpu.core_type = #tpu.core_type<sc_vector_subcore>, window_params = [{transform_indices = #map}, {transform_indices = #map1}, {transform_indices = #map1}]} {
    %mul3A = arith.constant 2 : i32
    %mul3A_0 = arith.muli %arg1, %mul3A : i32
    %add3A = arith.addi %mul3A_0, %arg0 : i32
    %broadcast_in_dim3A = arith.constant 0.000000e+00 : f32
    %broadcast_in_dim3A_1 = vector.broadcast %broadcast_in_dim3A : f32 to vector<16xf32>
    %scan3A = arith.constant 0 : i32
    %scan3A_2 = arith.constant 0 : i32
    %scan3A_3 = arith.constant 128 : i32
    %scan3A_4 = arith.addi %scan3A_2, %scan3A_3 : i32
    %scan3A_5 = arith.constant 1 : i32
    scf.for %scan3A_150 = %scan3A_2 to %scan3A_4 step %scan3A_5  : i32 {
      %scan3A_151 = arith.constant 0 : i32
      %scan3A_152 = arith.constant 0 : i32
      %scan3A_153 = arith.constant 8 : i32
      %scan3A_154 = arith.addi %scan3A_152, %scan3A_153 : i32
      %scan3A_155 = arith.constant 1 : i32
      scf.for %scan3A_157 = %scan3A_152 to %scan3A_154 step %scan3A_155  : i32 {
        %mul3A_158 = arith.constant 16 : i32
        %mul3A_159 = arith.muli %scan3A_157, %mul3A_158 : i32
        %swap3A = arith.constant 0 : i32
        %swap3A_160 = arith.index_cast %swap3A : i32 to index
        %swap3A_161 = arith.index_cast %scan3A_150 : i32 to index
        %swap3A_162 = arith.index_cast %mul3A_159 : i32 to index
        %swap3A_163 = tpu.vector_load %arg6[%swap3A_160, %swap3A_161, %swap3A_162] {strides = array<i32>} : memref<2x128x128xf32, #tpu.memory_space<vmem>>, vector<16xf32>,
        tpu.vector_store %arg6[%swap3A_160, %swap3A_161, %swap3A_162], %broadcast_in_dim3A_1 {strides = array<i32>} : memref<2x128x128xf32, #tpu.memory_space<vmem>>, vector<16xf32>,
      }
      %scan3A_156 = arith.constant 8 : i32
    }
    %scan3A_6 = arith.constant 128 : i32
    %mul3A_7 = arith.constant 640 : i32
    %mul3A_8 = arith.muli %arg1, %mul3A_7 : i32
    %add3A_9 = arith.constant 0 : i32
    %add3A_10 = arith.addi %mul3A_8, %add3A_9 : i32
    %run_scoped3A = arith.constant 0 : i32
    "tpu.region"() ({
      %run_scoped3A_150 = tpu.sem_alloc : memref<!tpu.dma_semaphore, #tpu.memory_space<semaphore_mem>>
      %dma_start3A_151 = arith.constant 0 : i32
      %dma_start3A_152 = arith.constant 0 : i32
      %dma_start3A_153 = tpu.memref_slice %arg6[%run_scoped3A, %dma_start3A_151, %dma_start3A_152] : memref<2x128x128xf32, #tpu.memory_space<vmem>> -> memref<1x128x128xf32, #tpu.memory_space<vmem>>
      %dma_start3A_154 = tpu.memref_squeeze %dma_start3A_153 : memref<1x128x128xf32, #tpu.memory_space<vmem>> -> memref<128x128xf32, #tpu.memory_space<vmem>>
      %dma_start3A_155 = arith.constant 0 : i32
      %dma_start3A_156 = tpu.memref_slice %arg5[%add3A_10, %dma_start3A_155] : memref<10240x128xf32, #tpu.memory_space<vmem_shared>> -> memref<128x128xf32, #tpu.memory_space<vmem_shared>>
      %dma_start3A_157 = arith.constant 0 : i32
      %dma_start3A_158 = tpu.memref_slice %arg5[%add3A_10, %dma_start3A_157] : memref<10240x128xf32, #tpu.memory_space<vmem_shared>> -> memref<128x128xf32, #tpu.memory_space<vmem_shared>>
      %dma_start3A_159 = arith.constant 0 : i32
      %dma_start3A_160 = arith.constant 0 : i32
      %dma_start3A_161 = tpu.memref_slice %arg6[%run_scoped3A, %dma_start3A_159, %dma_start3A_160] : memref<2x128x128xf32, #tpu.memory_space<vmem>> -> memref<1x128x128xf32, #tpu.memory_space<vmem>>
      %dma_start3A_162 = tpu.memref_squeeze %dma_start3A_161 : memref<1x128x128xf32, #tpu.memory_space<vmem>> -> memref<128x128xf32, #tpu.memory_space<vmem>>
      tpu.enqueue_dma source(%dma_start3A_162 : memref<128x128xf32, #tpu.memory_space<vmem>>) target(%dma_start3A_158 : memref<128x128xf32, #tpu.memory_space<vmem_shared>>) target_semaphore(%run_scoped3A_150 : memref<!tpu.dma_semaphore, #tpu.memory_space<semaphore_mem>>)
      %dma_wait3A_163 = arith.constant 0 : i32
      %dma_wait3A_164 = arith.constant 0 : i32
      %dma_wait3A_165 = tpu.memref_slice %arg6[%run_scoped3A, %dma_wait3A_163, %dma_wait3A_164] : memref<2x128x128xf32, #tpu.memory_space<vmem>> -> memref<1x128x128xf32, #tpu.memory_space<vmem>>
      %dma_wait3A_166 = tpu.memref_squeeze %dma_wait3A_165 : memref<1x128x128xf32, #tpu.memory_space<vmem>> -> memref<128x128xf32, #tpu.memory_space<vmem>>
      %dma_wait3A_167 = arith.constant 0 : i32
      %dma_wait3A_168 = tpu.memref_slice %arg5[%add3A_10, %dma_wait3A_167] : memref<10240x128xf32, #tpu.memory_space<vmem_shared>> -> memref<128x128xf32, #tpu.memory_space<vmem_shared>>
      %dma_wait3A_169 = arith.constant 0 : i32
      %dma_wait3A_170 = tpu.memref_slice %arg5[%add3A_10, %dma_wait3A_169] : memref<10240x128xf32, #tpu.memory_space<vmem_shared>> -> memref<128x128xf32, #tpu.memory_space<vmem_shared>>
      %dma_wait3A_171 = arith.constant 0 : i32
      %dma_wait3A_172 = arith.constant 0 : i32
      %dma_wait3A_173 = tpu.memref_slice %arg6[%run_scoped3A, %dma_wait3A_171, %dma_wait3A_172] : memref<2x128x128xf32, #tpu.memory_space<vmem>> -> memref<1x128x128xf32, #tpu.memory_space<vmem>>
      %dma_wait3A_174 = tpu.memref_squeeze %dma_wait3A_173 : memref<1x128x128xf32, #tpu.memory_space<vmem>> -> memref<128x128xf32, #tpu.memory_space<vmem>>
      tpu.wait_dma2 semaphore(%run_scoped3A_150 : memref<!tpu.dma_semaphore, #tpu.memory_space<semaphore_mem>>) src(%dma_wait3A_174 : memref<128x128xf32, #tpu.memory_space<vmem>>) dst(%dma_wait3A_170 : memref<128x128xf32, #tpu.memory_space<vmem_shared>>)
      tpu.yield
    }) : () -> ()
    %add3A_11 = arith.constant 128 : i32
    %add3A_12 = arith.addi %mul3A_8, %add3A_11 : i32
    %run_scoped3A_13 = arith.constant 0 : i32
    "tpu.region"() ({
      %run_scoped3A_150 = tpu.sem_alloc : memref<!tpu.dma_semaphore, #tpu.memory_space<semaphore_mem>>
      %dma_start3A_151 = arith.constant 0 : i32
      %dma_start3A_152 = arith.constant 0 : i32
      %dma_start3A_153 = tpu.memref_slice %arg6[%run_scoped3A_13, %dma_start3A_151, %dma_start3A_152] : memref<2x128x128xf32, #tpu.memory_space<vmem>> -> memref<1x128x128xf32, #tpu.memory_space<vmem>>
      %dma_start3A_154 = tpu.memref_squeeze %dma_start3A_153 : memref<1x128x128xf32, #tpu.memory_space<vmem>> -> memref<128x128xf32, #tpu.memory_space<vmem>>
      %dma_start3A_155 = arith.constant 0 : i32
      %dma_start3A_156 = tpu.memref_slice %arg5[%add3A_12, %dma_start3A_155] : memref<10240x128xf32, #tpu.memory_space<vmem_shared>> -> memref<128x128xf32, #tpu.memory_space<vmem_shared>>
      %dma_start3A_157 = arith.constant 0 : i32
      %dma_start3A_158 = tpu.memref_slice %arg5[%add3A_12, %dma_start3A_157] : memref<10240x128xf32, #tpu.memory_space<vmem_shared>> -> memref<128x128xf32, #tpu.memory_space<vmem_shared>>
      %dma_start3A_159 = arith.constant 0 : i32
      %dma_start3A_160 = arith.constant 0 : i32
      %dma_start3A_161 = tpu.memref_slice %arg6[%run_scoped3A_13, %dma_start3A_159, %dma_start3A_160] : memref<2x128x128xf32, #tpu.memory_space<vmem>> -> memref<1x128x128xf32, #tpu.memory_space<vmem>>
      %dma_start3A_162 = tpu.memref_squeeze %dma_start3A_161 : memref<1x128x128xf32, #tpu.memory_space<vmem>> -> memref<128x128xf32, #tpu.memory_space<vmem>>
      tpu.enqueue_dma source(%dma_start3A_162 : memref<128x128xf32, #tpu.memory_space<vmem>>) target(%dma_start3A_158 : memref<128x128xf32, #tpu.memory_space<vmem_shared>>) target_semaphore(%run_scoped3A_150 : memref<!tpu.dma_semaphore, #tpu.memory_space<semaphore_mem>>)
      %dma_wait3A_163 = arith.constant 0 : i32
      %dma_wait3A_164 = arith.constant 0 : i32
      %dma_wait3A_165 = tpu.memref_slice %arg6[%run_scoped3A_13, %dma_wait3A_163, %dma_wait3A_164] : memref<2x128x128xf32, #tpu.memory_space<vmem>> -> memref<1x128x128xf32, #tpu.memory_space<vmem>>
      %dma_wait3A_166 = tpu.memref_squeeze %dma_wait3A_165 : memref<1x128x128xf32, #tpu.memory_space<vmem>> -> memref<128x128xf32, #tpu.memory_space<vmem>>
      %dma_wait3A_167 = arith.constant 0 : i32
      %dma_wait3A_168 = tpu.memref_slice %arg5[%add3A_12, %dma_wait3A_167] : memref<10240x128xf32, #tpu.memory_space<vmem_shared>> -> memref<128x128xf32, #tpu.memory_space<vmem_shared>>
      %dma_wait3A_169 = arith.constant 0 : i32
      %dma_wait3A_170 = tpu.memref_slice %arg5[%add3A_12, %dma_wait3A_169] : memref<10240x128xf32, #tpu.memory_space<vmem_shared>> -> memref<128x128xf32, #tpu.memory_space<vmem_shared>>
      %dma_wait3A_171 = arith.constant 0 : i32
      %dma_wait3A_172 = arith.constant 0 : i32
      %dma_wait3A_173 = tpu.memref_slice %arg6[%run_scoped3A_13, %dma_wait3A_171, %dma_wait3A_172] : memref<2x128x128xf32, #tpu.memory_space<vmem>> -> memref<1x128x128xf32, #tpu.memory_space<vmem>>
      %dma_wait3A_174 = tpu.memref_squeeze %dma_wait3A_173 : memref<1x128x128xf32, #tpu.memory_space<vmem>> -> memref<128x128xf32, #tpu.memory_space<vmem>>
      tpu.wait_dma2 semaphore(%run_scoped3A_150 : memref<!tpu.dma_semaphore, #tpu.memory_space<semaphore_mem>>) src(%dma_wait3A_174 : memref<128x128xf32, #tpu.memory_space<vmem>>) dst(%dma_wait3A_170 : memref<128x128xf32, #tpu.memory_space<vmem_shared>>)
      tpu.yield
    }) : () -> ()
    %add3A_14 = arith.constant 256 : i32
    %add3A_15 = arith.addi %mul3A_8, %add3A_14 : i32
    %run_scoped3A_16 = arith.constant 0 : i32
    "tpu.region"() ({
      %run_scoped3A_150 = tpu.sem_alloc : memref<!tpu.dma_semaphore, #tpu.memory_space<semaphore_mem>>
      %dma_start3A_151 = arith.constant 0 : i32
      %dma_start3A_152 = arith.constant 0 : i32
      %dma_start3A_153 = tpu.memref_slice %arg6[%run_scoped3A_16, %dma_start3A_151, %dma_start3A_152] : memref<2x128x128xf32, #tpu.memory_space<vmem>> -> memref<1x128x128xf32, #tpu.memory_space<vmem>>
      %dma_start3A_154 = tpu.memref_squeeze %dma_start3A_153 : memref<1x128x128xf32, #tpu.memory_space<vmem>> -> memref<128x128xf32, #tpu.memory_space<vmem>>
      %dma_start3A_155 = arith.constant 0 : i32
      %dma_start3A_156 = tpu.memref_slice %arg5[%add3A_15, %dma_start3A_155] : memref<10240x128xf32, #tpu.memory_space<vmem_shared>> -> memref<128x128xf32, #tpu.memory_space<vmem_shared>>
      %dma_start3A_157 = arith.constant 0 : i32
      %dma_start3A_158 = tpu.memref_slice %arg5[%add3A_15, %dma_start3A_157] : memref<10240x128xf32, #tpu.memory_space<vmem_shared>> -> memref<128x128xf32, #tpu.memory_space<vmem_shared>>
      %dma_start3A_159 = arith.constant 0 : i32
      %dma_start3A_160 = arith.constant 0 : i32
      %dma_start3A_161 = tpu.memref_slice %arg6[%run_scoped3A_16, %dma_start3A_159, %dma_start3A_160] : memref<2x128x128xf32, #tpu.memory_space<vmem>> -> memref<1x128x128xf32, #tpu.memory_space<vmem>>
      %dma_start3A_162 = tpu.memref_squeeze %dma_start3A_161 : memref<1x128x128xf32, #tpu.memory_space<vmem>> -> memref<128x128xf32, #tpu.memory_space<vmem>>
      tpu.enqueue_dma source(%dma_start3A_162 : memref<128x128xf32, #tpu.memory_space<vmem>>) target(%dma_start3A_158 : memref<128x128xf32, #tpu.memory_space<vmem_shared>>) target_semaphore(%run_scoped3A_150 : memref<!tpu.dma_semaphore, #tpu.memory_space<semaphore_mem>>)
      %dma_wait3A_163 = arith.constant 0 : i32
      %dma_wait3A_164 = arith.constant 0 : i32
      %dma_wait3A_165 = tpu.memref_slice %arg6[%run_scoped3A_16, %dma_wait3A_163, %dma_wait3A_164] : memref<2x128x128xf32, #tpu.memory_space<vmem>> -> memref<1x128x128xf32, #tpu.memory_space<vmem>>
      %dma_wait3A_166 = tpu.memref_squeeze %dma_wait3A_165 : memref<1x128x128xf32, #tpu.memory_space<vmem>> -> memref<128x128xf32, #tpu.memory_space<vmem>>
      %dma_wait3A_167 = arith.constant 0 : i32
      %dma_wait3A_168 = tpu.memref_slice %arg5[%add3A_15, %dma_wait3A_167] : memref<10240x128xf32, #tpu.memory_space<vmem_shared>> -> memref<128x128xf32, #tpu.memory_space<vmem_shared>>
      %dma_wait3A_169 = arith.constant 0 : i32
      %dma_wait3A_170 = tpu.memref_slice %arg5[%add3A_15, %dma_wait3A_169] : memref<10240x128xf32, #tpu.memory_space<vmem_shared>> -> memref<128x128xf32, #tpu.memory_space<vmem_shared>>
      %dma_wait3A_171 = arith.constant 0 : i32
      %dma_wait3A_172 = arith.constant 0 : i32
      %dma_wait3A_173 = tpu.memref_slice %arg6[%run_scoped3A_16, %dma_wait3A_171, %dma_wait3A_172] : memref<2x128x128xf32, #tpu.memory_space<vmem>> -> memref<1x128x128xf32, #tpu.memory_space<vmem>>
      %dma_wait3A_174 = tpu.memref_squeeze %dma_wait3A_173 : memref<1x128x128xf32, #tpu.memory_space<vmem>> -> memref<128x128xf32, #tpu.memory_space<vmem>>
      tpu.wait_dma2 semaphore(%run_scoped3A_150 : memref<!tpu.dma_semaphore, #tpu.memory_space<semaphore_mem>>) src(%dma_wait3A_174 : memref<128x128xf32, #tpu.memory_space<vmem>>) dst(%dma_wait3A_170 : memref<128x128xf32, #tpu.memory_space<vmem_shared>>)
      tpu.yield
    }) : () -> ()
    %add3A_17 = arith.constant 384 : i32
    %add3A_18 = arith.addi %mul3A_8, %add3A_17 : i32
    %run_scoped3A_19 = arith.constant 0 : i32
    "tpu.region"() ({
      %run_scoped3A_150 = tpu.sem_alloc : memref<!tpu.dma_semaphore, #tpu.memory_space<semaphore_mem>>
      %dma_start3A_151 = arith.constant 0 : i32
      %dma_start3A_152 = arith.constant 0 : i32
      %dma_start3A_153 = tpu.memref_slice %arg6[%run_scoped3A_19, %dma_start3A_151, %dma_start3A_152] : memref<2x128x128xf32, #tpu.memory_space<vmem>> -> memref<1x128x128xf32, #tpu.memory_space<vmem>>
      %dma_start3A_154 = tpu.memref_squeeze %dma_start3A_153 : memref<1x128x128xf32, #tpu.memory_space<vmem>> -> memref<128x128xf32, #tpu.memory_space<vmem>>
      %dma_start3A_155 = arith.constant 0 : i32
      %dma_start3A_156 = tpu.memref_slice %arg5[%add3A_18, %dma_start3A_155] : memref<10240x128xf32, #tpu.memory_space<vmem_shared>> -> memref<128x128xf32, #tpu.memory_space<vmem_shared>>
      %dma_start3A_157 = arith.constant 0 : i32
      %dma_start3A_158 = tpu.memref_slice %arg5[%add3A_18, %dma_start3A_157] : memref<10240x128xf32, #tpu.memory_space<vmem_shared>> -> memref<128x128xf32, #tpu.memory_space<vmem_shared>>
      %dma_start3A_159 = arith.constant 0 : i32
      %dma_start3A_160 = arith.constant 0 : i32
      %dma_start3A_161 = tpu.memref_slice %arg6[%run_scoped3A_19, %dma_start3A_159, %dma_start3A_160] : memref<2x128x128xf32, #tpu.memory_space<vmem>> -> memref<1x128x128xf32, #tpu.memory_space<vmem>>
      %dma_start3A_162 = tpu.memref_squeeze %dma_start3A_161 : memref<1x128x128xf32, #tpu.memory_space<vmem>> -> memref<128x128xf32, #tpu.memory_space<vmem>>
      tpu.enqueue_dma source(%dma_start3A_162 : memref<128x128xf32, #tpu.memory_space<vmem>>) target(%dma_start3A_158 : memref<128x128xf32, #tpu.memory_space<vmem_shared>>) target_semaphore(%run_scoped3A_150 : memref<!tpu.dma_semaphore, #tpu.memory_space<semaphore_mem>>)
      %dma_wait3A_163 = arith.constant 0 : i32
      %dma_wait3A_164 = arith.constant 0 : i32
      %dma_wait3A_165 = tpu.memref_slice %arg6[%run_scoped3A_19, %dma_wait3A_163, %dma_wait3A_164] : memref<2x128x128xf32, #tpu.memory_space<vmem>> -> memref<1x128x128xf32, #tpu.memory_space<vmem>>
      %dma_wait3A_166 = tpu.memref_squeeze %dma_wait3A_165 : memref<1x128x128xf32, #tpu.memory_space<vmem>> -> memref<128x128xf32, #tpu.memory_space<vmem>>
      %dma_wait3A_167 = arith.constant 0 : i32
      %dma_wait3A_168 = tpu.memref_slice %arg5[%add3A_18, %dma_wait3A_167] : memref<10240x128xf32, #tpu.memory_space<vmem_shared>> -> memref<128x128xf32, #tpu.memory_space<vmem_shared>>
      %dma_wait3A_169 = arith.constant 0 : i32
      %dma_wait3A_170 = tpu.memref_slice %arg5[%add3A_18, %dma_wait3A_169] : memref<10240x128xf32, #tpu.memory_space<vmem_shared>> -> memref<128x128xf32, #tpu.memory_space<vmem_shared>>
      %dma_wait3A_171 = arith.constant 0 : i32
      %dma_wait3A_172 = arith.constant 0 : i32
      %dma_wait3A_173 = tpu.memref_slice %arg6[%run_scoped3A_19, %dma_wait3A_171, %dma_wait3A_172] : memref<2x128x128xf32, #tpu.memory_space<vmem>> -> memref<1x128x128xf32, #tpu.memory_space<vmem>>
      %dma_wait3A_174 = tpu.memref_squeeze %dma_wait3A_173 : memref<1x128x128xf32, #tpu.memory_space<vmem>> -> memref<128x128xf32, #tpu.memory_space<vmem>>
      tpu.wait_dma2 semaphore(%run_scoped3A_150 : memref<!tpu.dma_semaphore, #tpu.memory_space<semaphore_mem>>) src(%dma_wait3A_174 : memref<128x128xf32, #tpu.memory_space<vmem>>) dst(%dma_wait3A_170 : memref<128x128xf32, #tpu.memory_space<vmem_shared>>)
      tpu.yield
    }) : () -> ()
    %add3A_20 = arith.constant 512 : i32
    %add3A_21 = arith.addi %mul3A_8, %add3A_20 : i32
    %run_scoped3A_22 = arith.constant 0 : i32
    "tpu.region"() ({
      %run_scoped3A_150 = tpu.sem_alloc : memref<!tpu.dma_semaphore, #tpu.memory_space<semaphore_mem>>
      %dma_start3A_151 = arith.constant 0 : i32
      %dma_start3A_152 = arith.constant 0 : i32
      %dma_start3A_153 = tpu.memref_slice %arg6[%run_scoped3A_22, %dma_start3A_151, %dma_start3A_152] : memref<2x128x128xf32, #tpu.memory_space<vmem>> -> memref<1x128x128xf32, #tpu.memory_space<vmem>>
      %dma_start3A_154 = tpu.memref_squeeze %dma_start3A_153 : memref<1x128x128xf32, #tpu.memory_space<vmem>> -> memref<128x128xf32, #tpu.memory_space<vmem>>
      %dma_start3A_155 = arith.constant 0 : i32
      %dma_start3A_156 = tpu.memref_slice %arg5[%add3A_21, %dma_start3A_155] : memref<10240x128xf32, #tpu.memory_space<vmem_shared>> -> memref<128x128xf32, #tpu.memory_space<vmem_shared>>
      %dma_start3A_157 = arith.constant 0 : i32
      %dma_start3A_158 = tpu.memref_slice %arg5[%add3A_21, %dma_start3A_157] : memref<10240x128xf32, #tpu.memory_space<vmem_shared>> -> memref<128x128xf32, #tpu.memory_space<vmem_shared>>
      %dma_start3A_159 = arith.constant 0 : i32
      %dma_start3A_160 = arith.constant 0 : i32
      %dma_start3A_161 = tpu.memref_slice %arg6[%run_scoped3A_22, %dma_start3A_159, %dma_start3A_160] : memref<2x128x128xf32, #tpu.memory_space<vmem>> -> memref<1x128x128xf32, #tpu.memory_space<vmem>>
      %dma_start3A_162 = tpu.memref_squeeze %dma_start3A_161 : memref<1x128x128xf32, #tpu.memory_space<vmem>> -> memref<128x128xf32, #tpu.memory_space<vmem>>
      tpu.enqueue_dma source(%dma_start3A_162 : memref<128x128xf32, #tpu.memory_space<vmem>>) target(%dma_start3A_158 : memref<128x128xf32, #tpu.memory_space<vmem_shared>>) target_semaphore(%run_scoped3A_150 : memref<!tpu.dma_semaphore, #tpu.memory_space<semaphore_mem>>)
      %dma_wait3A_163 = arith.constant 0 : i32
      %dma_wait3A_164 = arith.constant 0 : i32
      %dma_wait3A_165 = tpu.memref_slice %arg6[%run_scoped3A_22, %dma_wait3A_163, %dma_wait3A_164] : memref<2x128x128xf32, #tpu.memory_space<vmem>> -> memref<1x128x128xf32, #tpu.memory_space<vmem>>
      %dma_wait3A_166 = tpu.memref_squeeze %dma_wait3A_165 : memref<1x128x128xf32, #tpu.memory_space<vmem>> -> memref<128x128xf32, #tpu.memory_space<vmem>>
      %dma_wait3A_167 = arith.constant 0 : i32
      %dma_wait3A_168 = tpu.memref_slice %arg5[%add3A_21, %dma_wait3A_167] : memref<10240x128xf32, #tpu.memory_space<vmem_shared>> -> memref<128x128xf32, #tpu.memory_space<vmem_shared>>
      %dma_wait3A_169 = arith.constant 0 : i32
      %dma_wait3A_170 = tpu.memref_slice %arg5[%add3A_21, %dma_wait3A_169] : memref<10240x128xf32, #tpu.memory_space<vmem_shared>> -> memref<128x128xf32, #tpu.memory_space<vmem_shared>>
      %dma_wait3A_171 = arith.constant 0 : i32
      %dma_wait3A_172 = arith.constant 0 : i32
      %dma_wait3A_173 = tpu.memref_slice %arg6[%run_scoped3A_22, %dma_wait3A_171, %dma_wait3A_172] : memref<2x128x128xf32, #tpu.memory_space<vmem>> -> memref<1x128x128xf32, #tpu.memory_space<vmem>>
      %dma_wait3A_174 = tpu.memref_squeeze %dma_wait3A_173 : memref<1x128x128xf32, #tpu.memory_space<vmem>> -> memref<128x128xf32, #tpu.memory_space<vmem>>
      tpu.wait_dma2 semaphore(%run_scoped3A_150 : memref<!tpu.dma_semaphore, #tpu.memory_space<semaphore_mem>>) src(%dma_wait3A_174 : memref<128x128xf32, #tpu.memory_space<vmem>>) dst(%dma_wait3A_170 : memref<128x128xf32, #tpu.memory_space<vmem_shared>>)
      tpu.yield
    }) : () -> ()
    %mul3A_23 = arith.constant 78 : i32
    %mul3A_24 = arith.muli %add3A, %mul3A_23 : i32
    %mul3A_25 = arith.constant 128 : i32
    %mul3A_26 = arith.muli %mul3A_24, %mul3A_25 : i32
    %multiple_of3A = tpu.assume_multiple %mul3A_26, 8 : i32
    %dma_start3A = arith.constant 0 : i32
    %dma_start3A_27 = arith.constant 0 : i32
    %dma_start3A_28 = tpu.memref_slice %arg7[%dma_start3A, %dma_start3A_27] : memref<2x128xi32, #tpu.memory_space<vmem>> -> memref<1x128xi32, #tpu.memory_space<vmem>>
    %dma_start3A_29 = tpu.memref_squeeze %dma_start3A_28 : memref<1x128xi32, #tpu.memory_space<vmem>> -> memref<128xi32, #tpu.memory_space<vmem>>
    %dma_start3A_30 = tpu.memref_slice %arg2[%multiple_of3A] : memref<640000xi32, #tpu.memory_space<hbm>> -> memref<128xi32, #tpu.memory_space<hbm>>
    %dma_start3A_31 = arith.constant 0 : i32
    %dma_start3A_32 = tpu.memref_slice %arg7[%dma_start3A, %dma_start3A_31] : memref<2x128xi32, #tpu.memory_space<vmem>> -> memref<1x128xi32, #tpu.memory_space<vmem>>
    %dma_start3A_33 = tpu.memref_squeeze %dma_start3A_32 : memref<1x128xi32, #tpu.memory_space<vmem>> -> memref<128xi32, #tpu.memory_space<vmem>>
    %dma_start3A_34 = tpu.memref_slice %arg2[%multiple_of3A] : memref<640000xi32, #tpu.memory_space<hbm>> -> memref<128xi32, #tpu.memory_space<hbm>>
    tpu.enqueue_dma source(%dma_start3A_34 : memref<128xi32, #tpu.memory_space<hbm>>) target(%dma_start3A_33 : memref<128xi32, #tpu.memory_space<vmem>>) target_semaphore(%arg11 : memref<!tpu.dma_semaphore, #tpu.memory_space<semaphore_mem>>)
    %add3A_35 = arith.constant 320000 : i32
    %add3A_36 = arith.addi %add3A_35, %multiple_of3A : i32
    %dma_start3A_37 = arith.constant 0 : i32
    %dma_start3A_38 = arith.constant 0 : i32
    %dma_start3A_39 = tpu.memref_slice %arg8[%dma_start3A_37, %dma_start3A_38] : memref<2x128xi32, #tpu.memory_space<vmem>> -> memref<1x128xi32, #tpu.memory_space<vmem>>
    %dma_start3A_40 = tpu.memref_squeeze %dma_start3A_39 : memref<1x128xi32, #tpu.memory_space<vmem>> -> memref<128xi32, #tpu.memory_space<vmem>>
    %dma_start3A_41 = tpu.memref_slice %arg2[%add3A_36] : memref<640000xi32, #tpu.memory_space<hbm>> -> memref<128xi32, #tpu.memory_space<hbm>>
    %dma_start3A_42 = arith.constant 0 : i32
    %dma_start3A_43 = tpu.memref_slice %arg8[%dma_start3A_37, %dma_start3A_42] : memref<2x128xi32, #tpu.memory_space<vmem>> -> memref<1x128xi32, #tpu.memory_space<vmem>>
    %dma_start3A_44 = tpu.memref_squeeze %dma_start3A_43 : memref<1x128xi32, #tpu.memory_space<vmem>> -> memref<128xi32, #tpu.memory_space<vmem>>
    %dma_start3A_45 = tpu.memref_slice %arg2[%add3A_36] : memref<640000xi32, #tpu.memory_space<hbm>> -> memref<128xi32, #tpu.memory_space<hbm>>
    tpu.enqueue_dma source(%dma_start3A_45 : memref<128xi32, #tpu.memory_space<hbm>>) target(%dma_start3A_44 : memref<128xi32, #tpu.memory_space<vmem>>) target_semaphore(%arg11 : memref<!tpu.dma_semaphore, #tpu.memory_space<semaphore_mem>>)
    %add3A_46 = arith.constant 1 : i32
    %add3A_47 = arith.addi %mul3A_24, %add3A_46 : i32
    %mul3A_48 = arith.constant 128 : i32
    %mul3A_49 = arith.muli %add3A_47, %mul3A_48 : i32
    %multiple_of3A_50 = tpu.assume_multiple %mul3A_49, 8 : i32
    %dma_start3A_51 = arith.constant 1 : i32
    %dma_start3A_52 = arith.constant 0 : i32
    %dma_start3A_53 = tpu.memref_slice %arg7[%dma_start3A_51, %dma_start3A_52] : memref<2x128xi32, #tpu.memory_space<vmem>> -> memref<1x128xi32, #tpu.memory_space<vmem>>
    %dma_start3A_54 = tpu.memref_squeeze %dma_start3A_53 : memref<1x128xi32, #tpu.memory_space<vmem>> -> memref<128xi32, #tpu.memory_space<vmem>>
    %dma_start3A_55 = tpu.memref_slice %arg2[%multiple_of3A_50] : memref<640000xi32, #tpu.memory_space<hbm>> -> memref<128xi32, #tpu.memory_space<hbm>>
    %dma_start3A_56 = arith.constant 0 : i32
    %dma_start3A_57 = tpu.memref_slice %arg7[%dma_start3A_51, %dma_start3A_56] : memref<2x128xi32, #tpu.memory_space<vmem>> -> memref<1x128xi32, #tpu.memory_space<vmem>>
    %dma_start3A_58 = tpu.memref_squeeze %dma_start3A_57 : memref<1x128xi32, #tpu.memory_space<vmem>> -> memref<128xi32, #tpu.memory_space<vmem>>
    %dma_start3A_59 = tpu.memref_slice %arg2[%multiple_of3A_50] : memref<640000xi32, #tpu.memory_space<hbm>> -> memref<128xi32, #tpu.memory_space<hbm>>
    tpu.enqueue_dma source(%dma_start3A_59 : memref<128xi32, #tpu.memory_space<hbm>>) target(%dma_start3A_58 : memref<128xi32, #tpu.memory_space<vmem>>) target_semaphore(%arg12 : memref<!tpu.dma_semaphore, #tpu.memory_space<semaphore_mem>>)
    %add3A_60 = arith.constant 320000 : i32
    %add3A_61 = arith.addi %add3A_60, %multiple_of3A_50 : i32
    %dma_start3A_62 = arith.constant 1 : i32
    %dma_start3A_63 = arith.constant 0 : i32
    %dma_start3A_64 = tpu.memref_slice %arg8[%dma_start3A_62, %dma_start3A_63] : memref<2x128xi32, #tpu.memory_space<vmem>> -> memref<1x128xi32, #tpu.memory_space<vmem>>
    %dma_start3A_65 = tpu.memref_squeeze %dma_start3A_64 : memref<1x128xi32, #tpu.memory_space<vmem>> -> memref<128xi32, #tpu.memory_space<vmem>>
    %dma_start3A_66 = tpu.memref_slice %arg2[%add3A_61] : memref<640000xi32, #tpu.memory_space<hbm>> -> memref<128xi32, #tpu.memory_space<hbm>>
    %dma_start3A_67 = arith.constant 0 : i32
    %dma_start3A_68 = tpu.memref_slice %arg8[%dma_start3A_62, %dma_start3A_67] : memref<2x128xi32, #tpu.memory_space<vmem>> -> memref<1x128xi32, #tpu.memory_space<vmem>>
    %dma_start3A_69 = tpu.memref_squeeze %dma_start3A_68 : memref<1x128xi32, #tpu.memory_space<vmem>> -> memref<128xi32, #tpu.memory_space<vmem>>
    %dma_start3A_70 = tpu.memref_slice %arg2[%add3A_61] : memref<640000xi32, #tpu.memory_space<hbm>> -> memref<128xi32, #tpu.memory_space<hbm>>
    tpu.enqueue_dma source(%dma_start3A_70 : memref<128xi32, #tpu.memory_space<hbm>>) target(%dma_start3A_69 : memref<128xi32, #tpu.memory_space<vmem>>) target_semaphore(%arg12 : memref<!tpu.dma_semaphore, #tpu.memory_space<semaphore_mem>>)
    %dma_wait3A = arith.constant 0 : i32
    %dma_wait3A_71 = arith.constant 0 : i32
    %dma_wait3A_72 = tpu.memref_slice %arg7[%dma_wait3A, %dma_wait3A_71] : memref<2x128xi32, #tpu.memory_space<vmem>> -> memref<1x128xi32, #tpu.memory_space<vmem>>
    %dma_wait3A_73 = tpu.memref_squeeze %dma_wait3A_72 : memref<1x128xi32, #tpu.memory_space<vmem>> -> memref<128xi32, #tpu.memory_space<vmem>>
    %dma_wait3A_74 = arith.constant 0 : i32
    %dma_wait3A_75 = tpu.memref_slice %arg2[%dma_wait3A_74] : memref<640000xi32, #tpu.memory_space<hbm>> -> memref<128xi32, #tpu.memory_space<hbm>>
    %dma_wait3A_76 = arith.constant 0 : i32
    %dma_wait3A_77 = tpu.memref_slice %arg7[%dma_wait3A, %dma_wait3A_76] : memref<2x128xi32, #tpu.memory_space<vmem>> -> memref<1x128xi32, #tpu.memory_space<vmem>>
    %dma_wait3A_78 = tpu.memref_squeeze %dma_wait3A_77 : memref<1x128xi32, #tpu.memory_space<vmem>> -> memref<128xi32, #tpu.memory_space<vmem>>
    %dma_wait3A_79 = arith.constant 0 : i32
    %dma_wait3A_80 = tpu.memref_slice %arg2[%dma_wait3A_79] : memref<640000xi32, #tpu.memory_space<hbm>> -> memref<128xi32, #tpu.memory_space<hbm>>
    tpu.wait_dma2 semaphore(%arg11 : memref<!tpu.dma_semaphore, #tpu.memory_space<semaphore_mem>>) src(%dma_wait3A_80 : memref<128xi32, #tpu.memory_space<hbm>>) dst(%dma_wait3A_78 : memref<128xi32, #tpu.memory_space<vmem>>)
    %dma_wait3A_81 = arith.constant 0 : i32
    %dma_wait3A_82 = arith.constant 0 : i32
    %dma_wait3A_83 = tpu.memref_slice %arg8[%dma_wait3A_81, %dma_wait3A_82] : memref<2x128xi32, #tpu.memory_space<vmem>> -> memref<1x128xi32, #tpu.memory_space<vmem>>
    %dma_wait3A_84 = tpu.memref_squeeze %dma_wait3A_83 : memref<1x128xi32, #tpu.memory_space<vmem>> -> memref<128xi32, #tpu.memory_space<vmem>>
    %dma_wait3A_85 = arith.constant 0 : i32
    %dma_wait3A_86 = tpu.memref_slice %arg2[%dma_wait3A_85] : memref<640000xi32, #tpu.memory_space<hbm>> -> memref<128xi32, #tpu.memory_space<hbm>>
    %dma_wait3A_87 = arith.constant 0 : i32
    %dma_wait3A_88 = tpu.memref_slice %arg8[%dma_wait3A_81, %dma_wait3A_87] : memref<2x128xi32, #tpu.memory_space<vmem>> -> memref<1x128xi32, #tpu.memory_space<vmem>>
    %dma_wait3A_89 = tpu.memref_squeeze %dma_wait3A_88 : memref<1x128xi32, #tpu.memory_space<vmem>> -> memref<128xi32, #tpu.memory_space<vmem>>
    %dma_wait3A_90 = arith.constant 0 : i32
    %dma_wait3A_91 = tpu.memref_slice %arg2[%dma_wait3A_90] : memref<640000xi32, #tpu.memory_space<hbm>> -> memref<128xi32, #tpu.memory_space<hbm>>
    tpu.wait_dma2 semaphore(%arg11 : memref<!tpu.dma_semaphore, #tpu.memory_space<semaphore_mem>>) src(%dma_wait3A_91 : memref<128xi32, #tpu.memory_space<hbm>>) dst(%dma_wait3A_89 : memref<128xi32, #tpu.memory_space<vmem>>)
    %dma_start3A_92 = arith.constant 0 : i32
    %dma_start3A_93 = arith.constant 0 : i32
    %dma_start3A_94 = arith.constant 0 : i32
    %dma_start3A_95 = arith.constant 0 : i32
    %dma_start3A_96 = tpu.memref_slice %arg6[%dma_start3A_93, %dma_start3A_94, %dma_start3A_95] : memref<2x128x128xf32, #tpu.memory_space<vmem>> -> memref<1x128x128xf32, #tpu.memory_space<vmem>>
    %dma_start3A_97 = tpu.memref_squeeze %dma_start3A_96 : memref<1x128x128xf32, #tpu.memory_space<vmem>> -> memref<128x128xf32, #tpu.memory_space<vmem>>
    %dma_start3A_98 = arith.constant 0 : i32
    %dma_start3A_99 = tpu.memref_slice %arg7[%dma_start3A_92, %dma_start3A_98] : memref<2x128xi32, #tpu.memory_space<vmem>> -> memref<1x128xi32, #tpu.memory_space<vmem>>
    %dma_start3A_100 = tpu.memref_squeeze %dma_start3A_99 : memref<1x128xi32, #tpu.memory_space<vmem>> -> memref<128xi32, #tpu.memory_space<vmem>>
    %dma_start3A_101 = arith.constant 0 : i32
    %dma_start3A_102 = arith.constant 0 : i32
    %dma_start3A_103 = tpu.memref_slice %arg3[%dma_start3A_101, %dma_start3A_102] : memref<10240x128xf32, #tpu.memory_space<hbm>> -> memref<10240x128xf32, #tpu.memory_space<hbm>>
    tpu.enqueue_indirect_dma source(%dma_start3A_103 : memref<10240x128xf32, #tpu.memory_space<hbm>>) target(%dma_start3A_97 : memref<128x128xf32, #tpu.memory_space<vmem>>) offsets(%dma_start3A_100 : memref<128xi32, #tpu.memory_space<vmem>>) semaphore(%arg9 : memref<!tpu.dma_semaphore, #tpu.memory_space<semaphore_mem>>)
    %dma_wait3A_104 = arith.constant 1 : i32
    %dma_wait3A_105 = arith.constant 0 : i32
    %dma_wait3A_106 = tpu.memref_slice %arg7[%dma_wait3A_104, %dma_wait3A_105] : memref<2x128xi32, #tpu.memory_space<vmem>> -> memref<1x128xi32, #tpu.memory_space<vmem>>
    %dma_wait3A_107 = tpu.memref_squeeze %dma_wait3A_106 : memref<1x128xi32, #tpu.memory_space<vmem>> -> memref<128xi32, #tpu.memory_space<vmem>>
    %dma_wait3A_108 = arith.constant 0 : i32
    %dma_wait3A_109 = tpu.memref_slice %arg2[%dma_wait3A_108] : memref<640000xi32, #tpu.memory_space<hbm>> -> memref<128xi32, #tpu.memory_space<hbm>>
    %dma_wait3A_110 = arith.constant 0 : i32
    %dma_wait3A_111 = tpu.memref_slice %arg7[%dma_wait3A_104, %dma_wait3A_110] : memref<2x128xi32, #tpu.memory_space<vmem>> -> memref<1x128xi32, #tpu.memory_space<vmem>>
    %dma_wait3A_112 = tpu.memref_squeeze %dma_wait3A_111 : memref<1x128xi32, #tpu.memory_space<vmem>> -> memref<128xi32, #tpu.memory_space<vmem>>
    %dma_wait3A_113 = arith.constant 0 : i32
    %dma_wait3A_114 = tpu.memref_slice %arg2[%dma_wait3A_113] : memref<640000xi32, #tpu.memory_space<hbm>> -> memref<128xi32, #tpu.memory_space<hbm>>
    tpu.wait_dma2 semaphore(%arg12 : memref<!tpu.dma_semaphore, #tpu.memory_space<semaphore_mem>>) src(%dma_wait3A_114 : memref<128xi32, #tpu.memory_space<hbm>>) dst(%dma_wait3A_112 : memref<128xi32, #tpu.memory_space<vmem>>)
    %dma_wait3A_115 = arith.constant 1 : i32
    %dma_wait3A_116 = arith.constant 0 : i32
    %dma_wait3A_117 = tpu.memref_slice %arg8[%dma_wait3A_115, %dma_wait3A_116] : memref<2x128xi32, #tpu.memory_space<vmem>> -> memref<1x128xi32, #tpu.memory_space<vmem>>
    %dma_wait3A_118 = tpu.memref_squeeze %dma_wait3A_117 : memref<1x128xi32, #tpu.memory_space<vmem>> -> memref<128xi32, #tpu.memory_space<vmem>>
    %dma_wait3A_119 = arith.constant 0 : i32
    %dma_wait3A_120 = tpu.memref_slice %arg2[%dma_wait3A_119] : memref<640000xi32, #tpu.memory_space<hbm>> -> memref<128xi32, #tpu.memory_space<hbm>>
    %dma_wait3A_121 = arith.constant 0 : i32
    %dma_wait3A_122 = tpu.memref_slice %arg8[%dma_wait3A_115, %dma_wait3A_121] : memref<2x128xi32, #tpu.memory_space<vmem>> -> memref<1x128xi32, #tpu.memory_space<vmem>>
    %dma_wait3A_123 = tpu.memref_squeeze %dma_wait3A_122 : memref<1x128xi32, #tpu.memory_space<vmem>> -> memref<128xi32, #tpu.memory_space<vmem>>
    %dma_wait3A_124 = arith.constant 0 : i32
    %dma_wait3A_125 = tpu.memref_slice %arg2[%dma_wait3A_124] : memref<640000xi32, #tpu.memory_space<hbm>> -> memref<128xi32, #tpu.memory_space<hbm>>
    tpu.wait_dma2 semaphore(%arg12 : memref<!tpu.dma_semaphore, #tpu.memory_space<semaphore_mem>>) src(%dma_wait3A_125 : memref<128xi32, #tpu.memory_space<hbm>>) dst(%dma_wait3A_123 : memref<128xi32, #tpu.memory_space<vmem>>)
    %dma_start3A_126 = arith.constant 1 : i32
    %dma_start3A_127 = arith.constant 1 : i32
    %dma_start3A_128 = arith.constant 0 : i32
    %dma_start3A_129 = arith.constant 0 : i32
    %dma_start3A_130 = tpu.memref_slice %arg6[%dma_start3A_127, %dma_start3A_128, %dma_start3A_129] : memref<2x128x128xf32, #tpu.memory_space<vmem>> -> memref<1x128x128xf32, #tpu.memory_space<vmem>>
    %dma_start3A_131 = tpu.memref_squeeze %dma_start3A_130 : memref<1x128x128xf32, #tpu.memory_space<vmem>> -> memref<128x128xf32, #tpu.memory_space<vmem>>
    %dma_start3A_132 = arith.constant 0 : i32
    %dma_start3A_133 = tpu.memref_slice %arg7[%dma_start3A_126, %dma_start3A_132] : memref<2x128xi32, #tpu.memory_space<vmem>> -> memref<1x128xi32, #tpu.memory_space<vmem>>
    %dma_start3A_134 = tpu.memref_squeeze %dma_start3A_133 : memref<1x128xi32, #tpu.memory_space<vmem>> -> memref<128xi32, #tpu.memory_space<vmem>>
    %dma_start3A_135 = arith.constant 0 : i32
    %dma_start3A_136 = arith.constant 0 : i32
    %dma_start3A_137 = tpu.memref_slice %arg3[%dma_start3A_135, %dma_start3A_136] : memref<10240x128xf32, #tpu.memory_space<hbm>> -> memref<10240x128xf32, #tpu.memory_space<hbm>>
    tpu.enqueue_indirect_dma source(%dma_start3A_137 : memref<10240x128xf32, #tpu.memory_space<hbm>>) target(%dma_start3A_131 : memref<128x128xf32, #tpu.memory_space<vmem>>) offsets(%dma_start3A_134 : memref<128xi32, #tpu.memory_space<vmem>>) semaphore(%arg10 : memref<!tpu.dma_semaphore, #tpu.memory_space<semaphore_mem>>)
    %barrier3A = arith.constant 0 : index
    tpu.barrier barrier_id(%barrier3A)
    %scan3A_138 = arith.constant 0 : i32
    %scan3A_139 = arith.constant 0 : i32
    %scan3A_140 = arith.constant 39 : i32
    %scan3A_141 = arith.addi %scan3A_139, %scan3A_140 : i32
    %scan3A_142 = arith.constant 1 : i32
    scf.for %scan3A_150 = %scan3A_139 to %scan3A_141 step %scan3A_142  : i32 {
      %dma_wait3A_151 = arith.constant 0 : i32
      %dma_wait3A_152 = arith.constant 0 : i32
      %dma_wait3A_153 = arith.constant 0 : i32
      %dma_wait3A_154 = arith.constant 0 : i32
      %dma_wait3A_155 = tpu.memref_slice %arg6[%dma_wait3A_152, %dma_wait3A_153, %dma_wait3A_154] : memref<2x128x128xf32, #tpu.memory_space<vmem>> -> memref<1x128x128xf32, #tpu.memory_space<vmem>>
      %dma_wait3A_156 = tpu.memref_squeeze %dma_wait3A_155 : memref<1x128x128xf32, #tpu.memory_space<vmem>> -> memref<128x128xf32, #tpu.memory_space<vmem>>
      %dma_wait3A_157 = arith.constant 0 : i32
      %dma_wait3A_158 = tpu.memref_slice %arg7[%dma_wait3A_151, %dma_wait3A_157] : memref<2x128xi32, #tpu.memory_space<vmem>> -> memref<1x128xi32, #tpu.memory_space<vmem>>
      %dma_wait3A_159 = tpu.memref_squeeze %dma_wait3A_158 : memref<1x128xi32, #tpu.memory_space<vmem>> -> memref<128xi32, #tpu.memory_space<vmem>>
      %dma_wait3A_160 = arith.constant 0 : i32
      %dma_wait3A_161 = arith.constant 0 : i32
      %dma_wait3A_162 = tpu.memref_slice %arg3[%dma_wait3A_160, %dma_wait3A_161] : memref<10240x128xf32, #tpu.memory_space<hbm>> -> memref<10240x128xf32, #tpu.memory_space<hbm>>
      tpu.wait_indirect_dma semaphore(%arg9 : memref<!tpu.dma_semaphore, #tpu.memory_space<semaphore_mem>>) src(%dma_wait3A_162 : memref<10240x128xf32, #tpu.memory_space<hbm>>) dst(%dma_wait3A_156 : memref<128x128xf32, #tpu.memory_space<vmem>>)
      %lt3A_163 = arith.constant 38 : i32
      %lt3A_164 = arith.cmpi slt, %scan3A_150, %lt3A_163 : i32
      %convert_element_type3A_165 = arith.extui %lt3A_164 : i1 to i32
      %cond3A_166 = arith.constant 0 : i32
      %cond3A_167 = arith.cmpi ne, %convert_element_type3A_165, %cond3A_166 : i32
      scf.if %cond3A_167 {
        %mul3A_194 = arith.constant 2 : i32
        %mul3A_195 = arith.muli %mul3A_194, %scan3A_150 : i32
        %add3A_196 = arith.addi %mul3A_24, %mul3A_195 : i32
        %add3A_197 = arith.constant 2 : i32
        %add3A_198 = arith.addi %add3A_196, %add3A_197 : i32
        %mul3A_199 = arith.constant 128 : i32
        %mul3A_200 = arith.muli %add3A_198, %mul3A_199 : i32
        %multiple_of3A_201 = tpu.assume_multiple %mul3A_200, 8 : i32
        %dma_start3A_202 = arith.constant 0 : i32
        %dma_start3A_203 = arith.constant 0 : i32
        %dma_start3A_204 = tpu.memref_slice %arg7[%dma_start3A_202, %dma_start3A_203] : memref<2x128xi32, #tpu.memory_space<vmem>> -> memref<1x128xi32, #tpu.memory_space<vmem>>
        %dma_start3A_205 = tpu.memref_squeeze %dma_start3A_204 : memref<1x128xi32, #tpu.memory_space<vmem>> -> memref<128xi32, #tpu.memory_space<vmem>>
        %dma_start3A_206 = tpu.memref_slice %arg2[%multiple_of3A_201] : memref<640000xi32, #tpu.memory_space<hbm>> -> memref<128xi32, #tpu.memory_space<hbm>>
        %dma_start3A_207 = arith.constant 0 : i32
        %dma_start3A_208 = tpu.memref_slice %arg7[%dma_start3A_202, %dma_start3A_207] : memref<2x128xi32, #tpu.memory_space<vmem>> -> memref<1x128xi32, #tpu.memory_space<vmem>>
        %dma_start3A_209 = tpu.memref_squeeze %dma_start3A_208 : memref<1x128xi32, #tpu.memory_space<vmem>> -> memref<128xi32, #tpu.memory_space<vmem>>
        %dma_start3A_210 = tpu.memref_slice %arg2[%multiple_of3A_201] : memref<640000xi32, #tpu.memory_space<hbm>> -> memref<128xi32, #tpu.memory_space<hbm>>
        tpu.enqueue_dma source(%dma_start3A_210 : memref<128xi32, #tpu.memory_space<hbm>>) target(%dma_start3A_209 : memref<128xi32, #tpu.memory_space<vmem>>) target_semaphore(%arg11 : memref<!tpu.dma_semaphore, #tpu.memory_space<semaphore_mem>>)
        %add3A_211 = arith.constant 320000 : i32
        %add3A_212 = arith.addi %add3A_211, %multiple_of3A_201 : i32
        %dma_start3A_213 = arith.constant 0 : i32
        %dma_start3A_214 = arith.constant 0 : i32
        %dma_start3A_215 = tpu.memref_slice %arg8[%dma_start3A_213, %dma_start3A_214] : memref<2x128xi32, #tpu.memory_space<vmem>> -> memref<1x128xi32, #tpu.memory_space<vmem>>
        %dma_start3A_216 = tpu.memref_squeeze %dma_start3A_215 : memref<1x128xi32, #tpu.memory_space<vmem>> -> memref<128xi32, #tpu.memory_space<vmem>>
        %dma_start3A_217 = tpu.memref_slice %arg2[%add3A_212] : memref<640000xi32, #tpu.memory_space<hbm>> -> memref<128xi32, #tpu.memory_space<hbm>>
        %dma_start3A_218 = arith.constant 0 : i32
        %dma_start3A_219 = tpu.memref_slice %arg8[%dma_start3A_213, %dma_start3A_218] : memref<2x128xi32, #tpu.memory_space<vmem>> -> memref<1x128xi32, #tpu.memory_space<vmem>>
        %dma_start3A_220 = tpu.memref_squeeze %dma_start3A_219 : memref<1x128xi32, #tpu.memory_space<vmem>> -> memref<128xi32, #tpu.memory_space<vmem>>
        %dma_start3A_221 = tpu.memref_slice %arg2[%add3A_212] : memref<640000xi32, #tpu.memory_space<hbm>> -> memref<128xi32, #tpu.memory_space<hbm>>
        tpu.enqueue_dma source(%dma_start3A_221 : memref<128xi32, #tpu.memory_space<hbm>>) target(%dma_start3A_220 : memref<128xi32, #tpu.memory_space<vmem>>) target_semaphore(%arg11 : memref<!tpu.dma_semaphore, #tpu.memory_space<semaphore_mem>>)
      } else {
      }
      %run_scoped3A_168 = arith.constant 0 : i32
      %run_scoped3A_169 = arith.constant 0 : i32
      "tpu.region"() ({
        %run_scoped3A_194 = tpu.sem_alloc : memref<!tpu.dma_semaphore, #tpu.memory_space<semaphore_mem>>
        %dma_start3A_195 = arith.constant 0 : i32
        %dma_start3A_196 = arith.constant 0 : i32
        %dma_start3A_197 = tpu.memref_slice %arg6[%run_scoped3A_168, %dma_start3A_195, %dma_start3A_196] : memref<2x128x128xf32, #tpu.memory_space<vmem>> -> memref<1x128x128xf32, #tpu.memory_space<vmem>>
        %dma_start3A_198 = tpu.memref_squeeze %dma_start3A_197 : memref<1x128x128xf32, #tpu.memory_space<vmem>> -> memref<128x128xf32, #tpu.memory_space<vmem>>
        %dma_start3A_199 = arith.constant 0 : i32
        %dma_start3A_200 = tpu.memref_slice %arg8[%run_scoped3A_169, %dma_start3A_199] : memref<2x128xi32, #tpu.memory_space<vmem>> -> memref<1x128xi32, #tpu.memory_space<vmem>>
        %dma_start3A_201 = tpu.memref_squeeze %dma_start3A_200 : memref<1x128xi32, #tpu.memory_space<vmem>> -> memref<128xi32, #tpu.memory_space<vmem>>
        %dma_start3A_202 = arith.constant 0 : i32
        %dma_start3A_203 = arith.constant 0 : i32
        %dma_start3A_204 = tpu.memref_slice %arg5[%dma_start3A_202, %dma_start3A_203] : memref<10240x128xf32, #tpu.memory_space<vmem_shared>> -> memref<10240x128xf32, #tpu.memory_space<vmem_shared>>
        tpu.enqueue_indirect_dma source(%dma_start3A_198 : memref<128x128xf32, #tpu.memory_space<vmem>>) target(%dma_start3A_204 : memref<10240x128xf32, #tpu.memory_space<vmem_shared>>) offsets(%dma_start3A_201 : memref<128xi32, #tpu.memory_space<vmem>>) semaphore(%run_scoped3A_194 : memref<!tpu.dma_semaphore, #tpu.memory_space<semaphore_mem>>) {add = true}
        %dma_wait3A_205 = arith.constant 0 : i32
        %dma_wait3A_206 = arith.constant 0 : i32
        %dma_wait3A_207 = tpu.memref_slice %arg6[%run_scoped3A_168, %dma_wait3A_205, %dma_wait3A_206] : memref<2x128x128xf32, #tpu.memory_space<vmem>> -> memref<1x128x128xf32, #tpu.memory_space<vmem>>
        %dma_wait3A_208 = tpu.memref_squeeze %dma_wait3A_207 : memref<1x128x128xf32, #tpu.memory_space<vmem>> -> memref<128x128xf32, #tpu.memory_space<vmem>>
        %dma_wait3A_209 = arith.constant 0 : i32
        %dma_wait3A_210 = tpu.memref_slice %arg8[%run_scoped3A_169, %dma_wait3A_209] : memref<2x128xi32, #tpu.memory_space<vmem>> -> memref<1x128xi32, #tpu.memory_space<vmem>>
        %dma_wait3A_211 = tpu.memref_squeeze %dma_wait3A_210 : memref<1x128xi32, #tpu.memory_space<vmem>> -> memref<128xi32, #tpu.memory_space<vmem>>
        %dma_wait3A_212 = arith.constant 0 : i32
        %dma_wait3A_213 = arith.constant 0 : i32
        %dma_wait3A_214 = tpu.memref_slice %arg5[%dma_wait3A_212, %dma_wait3A_213] : memref<10240x128xf32, #tpu.memory_space<vmem_shared>> -> memref<10240x128xf32, #tpu.memory_space<vmem_shared>>
        tpu.wait_indirect_dma semaphore(%run_scoped3A_194 : memref<!tpu.dma_semaphore, #tpu.memory_space<semaphore_mem>>) src(%dma_wait3A_208 : memref<128x128xf32, #tpu.memory_space<vmem>>) dst(%dma_wait3A_214 : memref<10240x128xf32, #tpu.memory_space<vmem_shared>>)
        tpu.yield
      }) : () -> ()
      %dma_wait3A_170 = arith.constant 1 : i32
      %dma_wait3A_171 = arith.constant 1 : i32
      %dma_wait3A_172 = arith.constant 0 : i32
      %dma_wait3A_173 = arith.constant 0 : i32
      %dma_wait3A_174 = tpu.memref_slice %arg6[%dma_wait3A_171, %dma_wait3A_172, %dma_wait3A_173] : memref<2x128x128xf32, #tpu.memory_space<vmem>> -> memref<1x128x128xf32, #tpu.memory_space<vmem>>
      %dma_wait3A_175 = tpu.memref_squeeze %dma_wait3A_174 : memref<1x128x128xf32, #tpu.memory_space<vmem>> -> memref<128x128xf32, #tpu.memory_space<vmem>>
      %dma_wait3A_176 = arith.constant 0 : i32
      %dma_wait3A_177 = tpu.memref_slice %arg7[%dma_wait3A_170, %dma_wait3A_176] : memref<2x128xi32, #tpu.memory_space<vmem>> -> memref<1x128xi32, #tpu.memory_space<vmem>>
      %dma_wait3A_178 = tpu.memref_squeeze %dma_wait3A_177 : memref<1x128xi32, #tpu.memory_space<vmem>> -> memref<128xi32, #tpu.memory_space<vmem>>
      %dma_wait3A_179 = arith.constant 0 : i32
      %dma_wait3A_180 = arith.constant 0 : i32
      %dma_wait3A_181 = tpu.memref_slice %arg3[%dma_wait3A_179, %dma_wait3A_180] : memref<10240x128xf32, #tpu.memory_space<hbm>> -> memref<10240x128xf32, #tpu.memory_space<hbm>>
      tpu.wait_indirect_dma semaphore(%arg10 : memref<!tpu.dma_semaphore, #tpu.memory_space<semaphore_mem>>) src(%dma_wait3A_181 : memref<10240x128xf32, #tpu.memory_space<hbm>>) dst(%dma_wait3A_175 : memref<128x128xf32, #tpu.memory_space<vmem>>)
      %lt3A_182 = arith.constant 38 : i32
      %lt3A_183 = arith.cmpi slt, %scan3A_150, %lt3A_182 : i32
      %convert_element_type3A_184 = arith.extui %lt3A_183 : i1 to i32
      %cond3A_185 = arith.constant 0 : i32
      %cond3A_186 = arith.cmpi ne, %convert_element_type3A_184, %cond3A_185 : i32
      scf.if %cond3A_186 {
        %mul3A_194 = arith.constant 2 : i32
        %mul3A_195 = arith.muli %mul3A_194, %scan3A_150 : i32
        %add3A_196 = arith.addi %mul3A_24, %mul3A_195 : i32
        %add3A_197 = arith.constant 3 : i32
        %add3A_198 = arith.addi %add3A_196, %add3A_197 : i32
        %mul3A_199 = arith.constant 128 : i32
        %mul3A_200 = arith.muli %add3A_198, %mul3A_199 : i32
        %multiple_of3A_201 = tpu.assume_multiple %mul3A_200, 8 : i32
        %dma_start3A_202 = arith.constant 1 : i32
        %dma_start3A_203 = arith.constant 0 : i32
        %dma_start3A_204 = tpu.memref_slice %arg7[%dma_start3A_202, %dma_start3A_203] : memref<2x128xi32, #tpu.memory_space<vmem>> -> memref<1x128xi32, #tpu.memory_space<vmem>>
        %dma_start3A_205 = tpu.memref_squeeze %dma_start3A_204 : memref<1x128xi32, #tpu.memory_space<vmem>> -> memref<128xi32, #tpu.memory_space<vmem>>
        %dma_start3A_206 = tpu.memref_slice %arg2[%multiple_of3A_201] : memref<640000xi32, #tpu.memory_space<hbm>> -> memref<128xi32, #tpu.memory_space<hbm>>
        %dma_start3A_207 = arith.constant 0 : i32
        %dma_start3A_208 = tpu.memref_slice %arg7[%dma_start3A_202, %dma_start3A_207] : memref<2x128xi32, #tpu.memory_space<vmem>> -> memref<1x128xi32, #tpu.memory_space<vmem>>
        %dma_start3A_209 = tpu.memref_squeeze %dma_start3A_208 : memref<1x128xi32, #tpu.memory_space<vmem>> -> memref<128xi32, #tpu.memory_space<vmem>>
        %dma_start3A_210 = tpu.memref_slice %arg2[%multiple_of3A_201] : memref<640000xi32, #tpu.memory_space<hbm>> -> memref<128xi32, #tpu.memory_space<hbm>>
        tpu.enqueue_dma source(%dma_start3A_210 : memref<128xi32, #tpu.memory_space<hbm>>) target(%dma_start3A_209 : memref<128xi32, #tpu.memory_space<vmem>>) target_semaphore(%arg12 : memref<!tpu.dma_semaphore, #tpu.memory_space<semaphore_mem>>)
        %add3A_211 = arith.constant 320000 : i32
        %add3A_212 = arith.addi %add3A_211, %multiple_of3A_201 : i32
        %dma_start3A_213 = arith.constant 1 : i32
        %dma_start3A_214 = arith.constant 0 : i32
        %dma_start3A_215 = tpu.memref_slice %arg8[%dma_start3A_213, %dma_start3A_214] : memref<2x128xi32, #tpu.memory_space<vmem>> -> memref<1x128xi32, #tpu.memory_space<vmem>>
        %dma_start3A_216 = tpu.memref_squeeze %dma_start3A_215 : memref<1x128xi32, #tpu.memory_space<vmem>> -> memref<128xi32, #tpu.memory_space<vmem>>
        %dma_start3A_217 = tpu.memref_slice %arg2[%add3A_212] : memref<640000xi32, #tpu.memory_space<hbm>> -> memref<128xi32, #tpu.memory_space<hbm>>
        %dma_start3A_218 = arith.constant 0 : i32
        %dma_start3A_219 = tpu.memref_slice %arg8[%dma_start3A_213, %dma_start3A_218] : memref<2x128xi32, #tpu.memory_space<vmem>> -> memref<1x128xi32, #tpu.memory_space<vmem>>
        %dma_start3A_220 = tpu.memref_squeeze %dma_start3A_219 : memref<1x128xi32, #tpu.memory_space<vmem>> -> memref<128xi32, #tpu.memory_space<vmem>>
        %dma_start3A_221 = tpu.memref_slice %arg2[%add3A_212] : memref<640000xi32, #tpu.memory_space<hbm>> -> memref<128xi32, #tpu.memory_space<hbm>>
        tpu.enqueue_dma source(%dma_start3A_221 : memref<128xi32, #tpu.memory_space<hbm>>) target(%dma_start3A_220 : memref<128xi32, #tpu.memory_space<vmem>>) target_semaphore(%arg12 : memref<!tpu.dma_semaphore, #tpu.memory_space<semaphore_mem>>)
        %dma_wait3A_222 = arith.constant 0 : i32
        %dma_wait3A_223 = arith.constant 0 : i32
        %dma_wait3A_224 = tpu.memref_slice %arg7[%dma_wait3A_222, %dma_wait3A_223] : memref<2x128xi32, #tpu.memory_space<vmem>> -> memref<1x128xi32, #tpu.memory_space<vmem>>
        %dma_wait3A_225 = tpu.memref_squeeze %dma_wait3A_224 : memref<1x128xi32, #tpu.memory_space<vmem>> -> memref<128xi32, #tpu.memory_space<vmem>>
        %dma_wait3A_226 = arith.constant 0 : i32
        %dma_wait3A_227 = tpu.memref_slice %arg2[%dma_wait3A_226] : memref<640000xi32, #tpu.memory_space<hbm>> -> memref<128xi32, #tpu.memory_space<hbm>>
        %dma_wait3A_228 = arith.constant 0 : i32
        %dma_wait3A_229 = tpu.memref_slice %arg7[%dma_wait3A_222, %dma_wait3A_228] : memref<2x128xi32, #tpu.memory_space<vmem>> -> memref<1x128xi32, #tpu.memory_space<vmem>>
        %dma_wait3A_230 = tpu.memref_squeeze %dma_wait3A_229 : memref<1x128xi32, #tpu.memory_space<vmem>> -> memref<128xi32, #tpu.memory_space<vmem>>
        %dma_wait3A_231 = arith.constant 0 : i32
        %dma_wait3A_232 = tpu.memref_slice %arg2[%dma_wait3A_231] : memref<640000xi32, #tpu.memory_space<hbm>> -> memref<128xi32, #tpu.memory_space<hbm>>
        tpu.wait_dma2 semaphore(%arg11 : memref<!tpu.dma_semaphore, #tpu.memory_space<semaphore_mem>>) src(%dma_wait3A_232 : memref<128xi32, #tpu.memory_space<hbm>>) dst(%dma_wait3A_230 : memref<128xi32, #tpu.memory_space<vmem>>)
        %dma_wait3A_233 = arith.constant 0 : i32
        %dma_wait3A_234 = arith.constant 0 : i32
        %dma_wait3A_235 = tpu.memref_slice %arg8[%dma_wait3A_233, %dma_wait3A_234] : memref<2x128xi32, #tpu.memory_space<vmem>> -> memref<1x128xi32, #tpu.memory_space<vmem>>
        %dma_wait3A_236 = tpu.memref_squeeze %dma_wait3A_235 : memref<1x128xi32, #tpu.memory_space<vmem>> -> memref<128xi32, #tpu.memory_space<vmem>>
        %dma_wait3A_237 = arith.constant 0 : i32
        %dma_wait3A_238 = tpu.memref_slice %arg2[%dma_wait3A_237] : memref<640000xi32, #tpu.memory_space<hbm>> -> memref<128xi32, #tpu.memory_space<hbm>>
        %dma_wait3A_239 = arith.constant 0 : i32
        %dma_wait3A_240 = tpu.memref_slice %arg8[%dma_wait3A_233, %dma_wait3A_239] : memref<2x128xi32, #tpu.memory_space<vmem>> -> memref<1x128xi32, #tpu.memory_space<vmem>>
        %dma_wait3A_241 = tpu.memref_squeeze %dma_wait3A_240 : memref<1x128xi32, #tpu.memory_space<vmem>> -> memref<128xi32, #tpu.memory_space<vmem>>
        %dma_wait3A_242 = arith.constant 0 : i32
        %dma_wait3A_243 = tpu.memref_slice %arg2[%dma_wait3A_242] : memref<640000xi32, #tpu.memory_space<hbm>> -> memref<128xi32, #tpu.memory_space<hbm>>
        tpu.wait_dma2 semaphore(%arg11 : memref<!tpu.dma_semaphore, #tpu.memory_space<semaphore_mem>>) src(%dma_wait3A_243 : memref<128xi32, #tpu.memory_space<hbm>>) dst(%dma_wait3A_241 : memref<128xi32, #tpu.memory_space<vmem>>)
        %dma_start3A_244 = arith.constant 0 : i32
        %dma_start3A_245 = arith.constant 0 : i32
        %dma_start3A_246 = arith.constant 0 : i32
        %dma_start3A_247 = arith.constant 0 : i32
        %dma_start3A_248 = tpu.memref_slice %arg6[%dma_start3A_245, %dma_start3A_246, %dma_start3A_247] : memref<2x128x128xf32, #tpu.memory_space<vmem>> -> memref<1x128x128xf32, #tpu.memory_space<vmem>>
        %dma_start3A_249 = tpu.memref_squeeze %dma_start3A_248 : memref<1x128x128xf32, #tpu.memory_space<vmem>> -> memref<128x128xf32, #tpu.memory_space<vmem>>
        %dma_start3A_250 = arith.constant 0 : i32
        %dma_start3A_251 = tpu.memref_slice %arg7[%dma_start3A_244, %dma_start3A_250] : memref<2x128xi32, #tpu.memory_space<vmem>> -> memref<1x128xi32, #tpu.memory_space<vmem>>
        %dma_start3A_252 = tpu.memref_squeeze %dma_start3A_251 : memref<1x128xi32, #tpu.memory_space<vmem>> -> memref<128xi32, #tpu.memory_space<vmem>>
        %dma_start3A_253 = arith.constant 0 : i32
        %dma_start3A_254 = arith.constant 0 : i32
        %dma_start3A_255 = tpu.memref_slice %arg3[%dma_start3A_253, %dma_start3A_254] : memref<10240x128xf32, #tpu.memory_space<hbm>> -> memref<10240x128xf32, #tpu.memory_space<hbm>>
        tpu.enqueue_indirect_dma source(%dma_start3A_255 : memref<10240x128xf32, #tpu.memory_space<hbm>>) target(%dma_start3A_249 : memref<128x128xf32, #tpu.memory_space<vmem>>) offsets(%dma_start3A_252 : memref<128xi32, #tpu.memory_space<vmem>>) semaphore(%arg9 : memref<!tpu.dma_semaphore, #tpu.memory_space<semaphore_mem>>)
      } else {
      }
      %run_scoped3A_187 = arith.constant 1 : i32
      %run_scoped3A_188 = arith.constant 1 : i32
      "tpu.region"() ({
        %run_scoped3A_194 = tpu.sem_alloc : memref<!tpu.dma_semaphore, #tpu.memory_space<semaphore_mem>>
        %dma_start3A_195 = arith.constant 0 : i32
        %dma_start3A_196 = arith.constant 0 : i32
        %dma_start3A_197 = tpu.memref_slice %arg6[%run_scoped3A_187, %dma_start3A_195, %dma_start3A_196] : memref<2x128x128xf32, #tpu.memory_space<vmem>> -> memref<1x128x128xf32, #tpu.memory_space<vmem>>
        %dma_start3A_198 = tpu.memref_squeeze %dma_start3A_197 : memref<1x128x128xf32, #tpu.memory_space<vmem>> -> memref<128x128xf32, #tpu.memory_space<vmem>>
        %dma_start3A_199 = arith.constant 0 : i32
        %dma_start3A_200 = tpu.memref_slice %arg8[%run_scoped3A_188, %dma_start3A_199] : memref<2x128xi32, #tpu.memory_space<vmem>> -> memref<1x128xi32, #tpu.memory_space<vmem>>
        %dma_start3A_201 = tpu.memref_squeeze %dma_start3A_200 : memref<1x128xi32, #tpu.memory_space<vmem>> -> memref<128xi32, #tpu.memory_space<vmem>>
        %dma_start3A_202 = arith.constant 0 : i32
        %dma_start3A_203 = arith.constant 0 : i32
        %dma_start3A_204 = tpu.memref_slice %arg5[%dma_start3A_202, %dma_start3A_203] : memref<10240x128xf32, #tpu.memory_space<vmem_shared>> -> memref<10240x128xf32, #tpu.memory_space<vmem_shared>>
        tpu.enqueue_indirect_dma source(%dma_start3A_198 : memref<128x128xf32, #tpu.memory_space<vmem>>) target(%dma_start3A_204 : memref<10240x128xf32, #tpu.memory_space<vmem_shared>>) offsets(%dma_start3A_201 : memref<128xi32, #tpu.memory_space<vmem>>) semaphore(%run_scoped3A_194 : memref<!tpu.dma_semaphore, #tpu.memory_space<semaphore_mem>>) {add = true}
        %dma_wait3A_205 = arith.constant 0 : i32
        %dma_wait3A_206 = arith.constant 0 : i32
        %dma_wait3A_207 = tpu.memref_slice %arg6[%run_scoped3A_187, %dma_wait3A_205, %dma_wait3A_206] : memref<2x128x128xf32, #tpu.memory_space<vmem>> -> memref<1x128x128xf32, #tpu.memory_space<vmem>>
        %dma_wait3A_208 = tpu.memref_squeeze %dma_wait3A_207 : memref<1x128x128xf32, #tpu.memory_space<vmem>> -> memref<128x128xf32, #tpu.memory_space<vmem>>
        %dma_wait3A_209 = arith.constant 0 : i32
        %dma_wait3A_210 = tpu.memref_slice %arg8[%run_scoped3A_188, %dma_wait3A_209] : memref<2x128xi32, #tpu.memory_space<vmem>> -> memref<1x128xi32, #tpu.memory_space<vmem>>
        %dma_wait3A_211 = tpu.memref_squeeze %dma_wait3A_210 : memref<1x128xi32, #tpu.memory_space<vmem>> -> memref<128xi32, #tpu.memory_space<vmem>>
        %dma_wait3A_212 = arith.constant 0 : i32
        %dma_wait3A_213 = arith.constant 0 : i32
        %dma_wait3A_214 = tpu.memref_slice %arg5[%dma_wait3A_212, %dma_wait3A_213] : memref<10240x128xf32, #tpu.memory_space<vmem_shared>> -> memref<10240x128xf32, #tpu.memory_space<vmem_shared>>
        tpu.wait_indirect_dma semaphore(%run_scoped3A_194 : memref<!tpu.dma_semaphore, #tpu.memory_space<semaphore_mem>>) src(%dma_wait3A_208 : memref<128x128xf32, #tpu.memory_space<vmem>>) dst(%dma_wait3A_214 : memref<10240x128xf32, #tpu.memory_space<vmem_shared>>)
        tpu.yield
      }) : () -> ()
      %lt3A_189 = arith.constant 38 : i32
      %lt3A_190 = arith.cmpi slt, %scan3A_150, %lt3A_189 : i32
      %convert_element_type3A_191 = arith.extui %lt3A_190 : i1 to i32
      %cond3A_192 = arith.constant 0 : i32
      %cond3A_193 = arith.cmpi ne, %convert_element_type3A_191, %cond3A_192 : i32
      scf.if %cond3A_193 {
        %dma_wait3A_194 = arith.constant 1 : i32
        %dma_wait3A_195 = arith.constant 0 : i32
        %dma_wait3A_196 = tpu.memref_slice %arg7[%dma_wait3A_194, %dma_wait3A_195] : memref<2x128xi32, #tpu.memory_space<vmem>> -> memref<1x128xi32, #tpu.memory_space<vmem>>
        %dma_wait3A_197 = tpu.memref_squeeze %dma_wait3A_196 : memref<1x128xi32, #tpu.memory_space<vmem>> -> memref<128xi32, #tpu.memory_space<vmem>>
        %dma_wait3A_198 = arith.constant 0 : i32
        %dma_wait3A_199 = tpu.memref_slice %arg2[%dma_wait3A_198] : memref<640000xi32, #tpu.memory_space<hbm>> -> memref<128xi32, #tpu.memory_space<hbm>>
        %dma_wait3A_200 = arith.constant 0 : i32
        %dma_wait3A_201 = tpu.memref_slice %arg7[%dma_wait3A_194, %dma_wait3A_200] : memref<2x128xi32, #tpu.memory_space<vmem>> -> memref<1x128xi32, #tpu.memory_space<vmem>>
        %dma_wait3A_202 = tpu.memref_squeeze %dma_wait3A_201 : memref<1x128xi32, #tpu.memory_space<vmem>> -> memref<128xi32, #tpu.memory_space<vmem>>
        %dma_wait3A_203 = arith.constant 0 : i32
        %dma_wait3A_204 = tpu.memref_slice %arg2[%dma_wait3A_203] : memref<640000xi32, #tpu.memory_space<hbm>> -> memref<128xi32, #tpu.memory_space<hbm>>
        tpu.wait_dma2 semaphore(%arg12 : memref<!tpu.dma_semaphore, #tpu.memory_space<semaphore_mem>>) src(%dma_wait3A_204 : memref<128xi32, #tpu.memory_space<hbm>>) dst(%dma_wait3A_202 : memref<128xi32, #tpu.memory_space<vmem>>)
        %dma_wait3A_205 = arith.constant 1 : i32
        %dma_wait3A_206 = arith.constant 0 : i32
        %dma_wait3A_207 = tpu.memref_slice %arg8[%dma_wait3A_205, %dma_wait3A_206] : memref<2x128xi32, #tpu.memory_space<vmem>> -> memref<1x128xi32, #tpu.memory_space<vmem>>
        %dma_wait3A_208 = tpu.memref_squeeze %dma_wait3A_207 : memref<1x128xi32, #tpu.memory_space<vmem>> -> memref<128xi32, #tpu.memory_space<vmem>>
        %dma_wait3A_209 = arith.constant 0 : i32
        %dma_wait3A_210 = tpu.memref_slice %arg2[%dma_wait3A_209] : memref<640000xi32, #tpu.memory_space<hbm>> -> memref<128xi32, #tpu.memory_space<hbm>>
        %dma_wait3A_211 = arith.constant 0 : i32
        %dma_wait3A_212 = tpu.memref_slice %arg8[%dma_wait3A_205, %dma_wait3A_211] : memref<2x128xi32, #tpu.memory_space<vmem>> -> memref<1x128xi32, #tpu.memory_space<vmem>>
        %dma_wait3A_213 = tpu.memref_squeeze %dma_wait3A_212 : memref<1x128xi32, #tpu.memory_space<vmem>> -> memref<128xi32, #tpu.memory_space<vmem>>
        %dma_wait3A_214 = arith.constant 0 : i32
        %dma_wait3A_215 = tpu.memref_slice %arg2[%dma_wait3A_214] : memref<640000xi32, #tpu.memory_space<hbm>> -> memref<128xi32, #tpu.memory_space<hbm>>
        tpu.wait_dma2 semaphore(%arg12 : memref<!tpu.dma_semaphore, #tpu.memory_space<semaphore_mem>>) src(%dma_wait3A_215 : memref<128xi32, #tpu.memory_space<hbm>>) dst(%dma_wait3A_213 : memref<128xi32, #tpu.memory_space<vmem>>)
        %dma_start3A_216 = arith.constant 1 : i32
        %dma_start3A_217 = arith.constant 1 : i32
        %dma_start3A_218 = arith.constant 0 : i32
        %dma_start3A_219 = arith.constant 0 : i32
        %dma_start3A_220 = tpu.memref_slice %arg6[%dma_start3A_217, %dma_start3A_218, %dma_start3A_219] : memref<2x128x128xf32, #tpu.memory_space<vmem>> -> memref<1x128x128xf32, #tpu.memory_space<vmem>>
        %dma_start3A_221 = tpu.memref_squeeze %dma_start3A_220 : memref<1x128x128xf32, #tpu.memory_space<vmem>> -> memref<128x128xf32, #tpu.memory_space<vmem>>
        %dma_start3A_222 = arith.constant 0 : i32
        %dma_start3A_223 = tpu.memref_slice %arg7[%dma_start3A_216, %dma_start3A_222] : memref<2x128xi32, #tpu.memory_space<vmem>> -> memref<1x128xi32, #tpu.memory_space<vmem>>
        %dma_start3A_224 = tpu.memref_squeeze %dma_start3A_223 : memref<1x128xi32, #tpu.memory_space<vmem>> -> memref<128xi32, #tpu.memory_space<vmem>>
        %dma_start3A_225 = arith.constant 0 : i32
        %dma_start3A_226 = arith.constant 0 : i32
        %dma_start3A_227 = tpu.memref_slice %arg3[%dma_start3A_225, %dma_start3A_226] : memref<10240x128xf32, #tpu.memory_space<hbm>> -> memref<10240x128xf32, #tpu.memory_space<hbm>>
        tpu.enqueue_indirect_dma source(%dma_start3A_227 : memref<10240x128xf32, #tpu.memory_space<hbm>>) target(%dma_start3A_221 : memref<128x128xf32, #tpu.memory_space<vmem>>) offsets(%dma_start3A_224 : memref<128xi32, #tpu.memory_space<vmem>>) semaphore(%arg10 : memref<!tpu.dma_semaphore, #tpu.memory_space<semaphore_mem>>)
      } else {
      }
    }
    %scan3A_143 = arith.constant 39 : i32
    %lt3A = arith.constant 4 : i32
    %lt3A_144 = arith.cmpi slt, %add3A, %lt3A : i32
    %convert_element_type3A = arith.extui %lt3A_144 : i1 to i32
    %cond3A = arith.constant 0 : i32
    %cond3A_145 = arith.cmpi ne, %convert_element_type3A, %cond3A : i32
    scf.if %cond3A_145 {
      %add3A_150 = arith.constant 2496 : i32
      %add3A_151 = arith.addi %add3A_150, %add3A : i32
      %mul3A_152 = arith.constant 128 : i32
      %mul3A_153 = arith.muli %add3A_151, %mul3A_152 : i32
      %multiple_of3A_154 = tpu.assume_multiple %mul3A_153, 8 : i32
      %dma_start3A_155 = arith.constant 0 : i32
      %dma_start3A_156 = arith.constant 0 : i32
      %dma_start3A_157 = tpu.memref_slice %arg7[%dma_start3A_155, %dma_start3A_156] : memref<2x128xi32, #tpu.memory_space<vmem>> -> memref<1x128xi32, #tpu.memory_space<vmem>>
      %dma_start3A_158 = tpu.memref_squeeze %dma_start3A_157 : memref<1x128xi32, #tpu.memory_space<vmem>> -> memref<128xi32, #tpu.memory_space<vmem>>
      %dma_start3A_159 = tpu.memref_slice %arg2[%multiple_of3A_154] : memref<640000xi32, #tpu.memory_space<hbm>> -> memref<128xi32, #tpu.memory_space<hbm>>
      %dma_start3A_160 = arith.constant 0 : i32
      %dma_start3A_161 = tpu.memref_slice %arg7[%dma_start3A_155, %dma_start3A_160] : memref<2x128xi32, #tpu.memory_space<vmem>> -> memref<1x128xi32, #tpu.memory_space<vmem>>
      %dma_start3A_162 = tpu.memref_squeeze %dma_start3A_161 : memref<1x128xi32, #tpu.memory_space<vmem>> -> memref<128xi32, #tpu.memory_space<vmem>>
      %dma_start3A_163 = tpu.memref_slice %arg2[%multiple_of3A_154] : memref<640000xi32, #tpu.memory_space<hbm>> -> memref<128xi32, #tpu.memory_space<hbm>>
      tpu.enqueue_dma source(%dma_start3A_163 : memref<128xi32, #tpu.memory_space<hbm>>) target(%dma_start3A_162 : memref<128xi32, #tpu.memory_space<vmem>>) target_semaphore(%arg11 : memref<!tpu.dma_semaphore, #tpu.memory_space<semaphore_mem>>)
      %add3A_164 = arith.constant 320000 : i32
      %add3A_165 = arith.addi %add3A_164, %multiple_of3A_154 : i32
      %dma_start3A_166 = arith.constant 0 : i32
      %dma_start3A_167 = arith.constant 0 : i32
      %dma_start3A_168 = tpu.memref_slice %arg8[%dma_start3A_166, %dma_start3A_167] : memref<2x128xi32, #tpu.memory_space<vmem>> -> memref<1x128xi32, #tpu.memory_space<vmem>>
      %dma_start3A_169 = tpu.memref_squeeze %dma_start3A_168 : memref<1x128xi32, #tpu.memory_space<vmem>> -> memref<128xi32, #tpu.memory_space<vmem>>
      %dma_start3A_170 = tpu.memref_slice %arg2[%add3A_165] : memref<640000xi32, #tpu.memory_space<hbm>> -> memref<128xi32, #tpu.memory_space<hbm>>
      %dma_start3A_171 = arith.constant 0 : i32
      %dma_start3A_172 = tpu.memref_slice %arg8[%dma_start3A_166, %dma_start3A_171] : memref<2x128xi32, #tpu.memory_space<vmem>> -> memref<1x128xi32, #tpu.memory_space<vmem>>
      %dma_start3A_173 = tpu.memref_squeeze %dma_start3A_172 : memref<1x128xi32, #tpu.memory_space<vmem>> -> memref<128xi32, #tpu.memory_space<vmem>>
      %dma_start3A_174 = tpu.memref_slice %arg2[%add3A_165] : memref<640000xi32, #tpu.memory_space<hbm>> -> memref<128xi32, #tpu.memory_space<hbm>>
      tpu.enqueue_dma source(%dma_start3A_174 : memref<128xi32, #tpu.memory_space<hbm>>) target(%dma_start3A_173 : memref<128xi32, #tpu.memory_space<vmem>>) target_semaphore(%arg11 : memref<!tpu.dma_semaphore, #tpu.memory_space<semaphore_mem>>)
      %dma_wait3A_175 = arith.constant 0 : i32
      %dma_wait3A_176 = arith.constant 0 : i32
      %dma_wait3A_177 = tpu.memref_slice %arg7[%dma_wait3A_175, %dma_wait3A_176] : memref<2x128xi32, #tpu.memory_space<vmem>> -> memref<1x128xi32, #tpu.memory_space<vmem>>
      %dma_wait3A_178 = tpu.memref_squeeze %dma_wait3A_177 : memref<1x128xi32, #tpu.memory_space<vmem>> -> memref<128xi32, #tpu.memory_space<vmem>>
      %dma_wait3A_179 = arith.constant 0 : i32
      %dma_wait3A_180 = tpu.memref_slice %arg2[%dma_wait3A_179] : memref<640000xi32, #tpu.memory_space<hbm>> -> memref<128xi32, #tpu.memory_space<hbm>>
      %dma_wait3A_181 = arith.constant 0 : i32
      %dma_wait3A_182 = tpu.memref_slice %arg7[%dma_wait3A_175, %dma_wait3A_181] : memref<2x128xi32, #tpu.memory_space<vmem>> -> memref<1x128xi32, #tpu.memory_space<vmem>>
      %dma_wait3A_183 = tpu.memref_squeeze %dma_wait3A_182 : memref<1x128xi32, #tpu.memory_space<vmem>> -> memref<128xi32, #tpu.memory_space<vmem>>
      %dma_wait3A_184 = arith.constant 0 : i32
      %dma_wait3A_185 = tpu.memref_slice %arg2[%dma_wait3A_184] : memref<640000xi32, #tpu.memory_space<hbm>> -> memref<128xi32, #tpu.memory_space<hbm>>
      tpu.wait_dma2 semaphore(%arg11 : memref<!tpu.dma_semaphore, #tpu.memory_space<semaphore_mem>>) src(%dma_wait3A_185 : memref<128xi32, #tpu.memory_space<hbm>>) dst(%dma_wait3A_183 : memref<128xi32, #tpu.memory_space<vmem>>)
      %dma_wait3A_186 = arith.constant 0 : i32
      %dma_wait3A_187 = arith.constant 0 : i32
      %dma_wait3A_188 = tpu.memref_slice %arg8[%dma_wait3A_186, %dma_wait3A_187] : memref<2x128xi32, #tpu.memory_space<vmem>> -> memref<1x128xi32, #tpu.memory_space<vmem>>
      %dma_wait3A_189 = tpu.memref_squeeze %dma_wait3A_188 : memref<1x128xi32, #tpu.memory_space<vmem>> -> memref<128xi32, #tpu.memory_space<vmem>>
      %dma_wait3A_190 = arith.constant 0 : i32
      %dma_wait3A_191 = tpu.memref_slice %arg2[%dma_wait3A_190] : memref<640000xi32, #tpu.memory_space<hbm>> -> memref<128xi32, #tpu.memory_space<hbm>>
      %dma_wait3A_192 = arith.constant 0 : i32
      %dma_wait3A_193 = tpu.memref_slice %arg8[%dma_wait3A_186, %dma_wait3A_192] : memref<2x128xi32, #tpu.memory_space<vmem>> -> memref<1x128xi32, #tpu.memory_space<vmem>>
      %dma_wait3A_194 = tpu.memref_squeeze %dma_wait3A_193 : memref<1x128xi32, #tpu.memory_space<vmem>> -> memref<128xi32, #tpu.memory_space<vmem>>
      %dma_wait3A_195 = arith.constant 0 : i32
      %dma_wait3A_196 = tpu.memref_slice %arg2[%dma_wait3A_195] : memref<640000xi32, #tpu.memory_space<hbm>> -> memref<128xi32, #tpu.memory_space<hbm>>
      tpu.wait_dma2 semaphore(%arg11 : memref<!tpu.dma_semaphore, #tpu.memory_space<semaphore_mem>>) src(%dma_wait3A_196 : memref<128xi32, #tpu.memory_space<hbm>>) dst(%dma_wait3A_194 : memref<128xi32, #tpu.memory_space<vmem>>)
      %dma_start3A_197 = arith.constant 0 : i32
      %dma_start3A_198 = arith.constant 0 : i32
      %dma_start3A_199 = arith.constant 0 : i32
      %dma_start3A_200 = arith.constant 0 : i32
      %dma_start3A_201 = tpu.memref_slice %arg6[%dma_start3A_198, %dma_start3A_199, %dma_start3A_200] : memref<2x128x128xf32, #tpu.memory_space<vmem>> -> memref<1x128x128xf32, #tpu.memory_space<vmem>>
      %dma_start3A_202 = tpu.memref_squeeze %dma_start3A_201 : memref<1x128x128xf32, #tpu.memory_space<vmem>> -> memref<128x128xf32, #tpu.memory_space<vmem>>
      %dma_start3A_203 = arith.constant 0 : i32
      %dma_start3A_204 = tpu.memref_slice %arg7[%dma_start3A_197, %dma_start3A_203] : memref<2x128xi32, #tpu.memory_space<vmem>> -> memref<1x128xi32, #tpu.memory_space<vmem>>
      %dma_start3A_205 = tpu.memref_squeeze %dma_start3A_204 : memref<1x128xi32, #tpu.memory_space<vmem>> -> memref<128xi32, #tpu.memory_space<vmem>>
      %dma_start3A_206 = arith.constant 0 : i32
      %dma_start3A_207 = arith.constant 0 : i32
      %dma_start3A_208 = tpu.memref_slice %arg3[%dma_start3A_206, %dma_start3A_207] : memref<10240x128xf32, #tpu.memory_space<hbm>> -> memref<10240x128xf32, #tpu.memory_space<hbm>>
      tpu.enqueue_indirect_dma source(%dma_start3A_208 : memref<10240x128xf32, #tpu.memory_space<hbm>>) target(%dma_start3A_202 : memref<128x128xf32, #tpu.memory_space<vmem>>) offsets(%dma_start3A_205 : memref<128xi32, #tpu.memory_space<vmem>>) semaphore(%arg9 : memref<!tpu.dma_semaphore, #tpu.memory_space<semaphore_mem>>)
      %dma_wait3A_209 = arith.constant 0 : i32
      %dma_wait3A_210 = arith.constant 0 : i32
      %dma_wait3A_211 = arith.constant 0 : i32
      %dma_wait3A_212 = arith.constant 0 : i32
      %dma_wait3A_213 = tpu.memref_slice %arg6[%dma_wait3A_210, %dma_wait3A_211, %dma_wait3A_212] : memref<2x128x128xf32, #tpu.memory_space<vmem>> -> memref<1x128x128xf32, #tpu.memory_space<vmem>>
      %dma_wait3A_214 = tpu.memref_squeeze %dma_wait3A_213 : memref<1x128x128xf32, #tpu.memory_space<vmem>> -> memref<128x128xf32, #tpu.memory_space<vmem>>
      %dma_wait3A_215 = arith.constant 0 : i32
      %dma_wait3A_216 = tpu.memref_slice %arg7[%dma_wait3A_209, %dma_wait3A_215] : memref<2x128xi32, #tpu.memory_space<vmem>> -> memref<1x128xi32, #tpu.memory_space<vmem>>
      %dma_wait3A_217 = tpu.memref_squeeze %dma_wait3A_216 : memref<1x128xi32, #tpu.memory_space<vmem>> -> memref<128xi32, #tpu.memory_space<vmem>>
      %dma_wait3A_218 = arith.constant 0 : i32
      %dma_wait3A_219 = arith.constant 0 : i32
      %dma_wait3A_220 = tpu.memref_slice %arg3[%dma_wait3A_218, %dma_wait3A_219] : memref<10240x128xf32, #tpu.memory_space<hbm>> -> memref<10240x128xf32, #tpu.memory_space<hbm>>
      tpu.wait_indirect_dma semaphore(%arg9 : memref<!tpu.dma_semaphore, #tpu.memory_space<semaphore_mem>>) src(%dma_wait3A_220 : memref<10240x128xf32, #tpu.memory_space<hbm>>) dst(%dma_wait3A_214 : memref<128x128xf32, #tpu.memory_space<vmem>>)
      %run_scoped3A_221 = arith.constant 0 : i32
      %run_scoped3A_222 = arith.constant 0 : i32
      "tpu.region"() ({
        %run_scoped3A_223 = tpu.sem_alloc : memref<!tpu.dma_semaphore, #tpu.memory_space<semaphore_mem>>
        %dma_start3A_224 = arith.constant 0 : i32
        %dma_start3A_225 = arith.constant 0 : i32
        %dma_start3A_226 = tpu.memref_slice %arg6[%run_scoped3A_221, %dma_start3A_224, %dma_start3A_225] : memref<2x128x128xf32, #tpu.memory_space<vmem>> -> memref<1x128x128xf32, #tpu.memory_space<vmem>>
        %dma_start3A_227 = tpu.memref_squeeze %dma_start3A_226 : memref<1x128x128xf32, #tpu.memory_space<vmem>> -> memref<128x128xf32, #tpu.memory_space<vmem>>
        %dma_start3A_228 = arith.constant 0 : i32
        %dma_start3A_229 = tpu.memref_slice %arg8[%run_scoped3A_222, %dma_start3A_228] : memref<2x128xi32, #tpu.memory_space<vmem>> -> memref<1x128xi32, #tpu.memory_space<vmem>>
        %dma_start3A_230 = tpu.memref_squeeze %dma_start3A_229 : memref<1x128xi32, #tpu.memory_space<vmem>> -> memref<128xi32, #tpu.memory_space<vmem>>
        %dma_start3A_231 = arith.constant 0 : i32
        %dma_start3A_232 = arith.constant 0 : i32
        %dma_start3A_233 = tpu.memref_slice %arg5[%dma_start3A_231, %dma_start3A_232] : memref<10240x128xf32, #tpu.memory_space<vmem_shared>> -> memref<10240x128xf32, #tpu.memory_space<vmem_shared>>
        tpu.enqueue_indirect_dma source(%dma_start3A_227 : memref<128x128xf32, #tpu.memory_space<vmem>>) target(%dma_start3A_233 : memref<10240x128xf32, #tpu.memory_space<vmem_shared>>) offsets(%dma_start3A_230 : memref<128xi32, #tpu.memory_space<vmem>>) semaphore(%run_scoped3A_223 : memref<!tpu.dma_semaphore, #tpu.memory_space<semaphore_mem>>) {add = true}
        %dma_wait3A_234 = arith.constant 0 : i32
        %dma_wait3A_235 = arith.constant 0 : i32
        %dma_wait3A_236 = tpu.memref_slice %arg6[%run_scoped3A_221, %dma_wait3A_234, %dma_wait3A_235] : memref<2x128x128xf32, #tpu.memory_space<vmem>> -> memref<1x128x128xf32, #tpu.memory_space<vmem>>
        %dma_wait3A_237 = tpu.memref_squeeze %dma_wait3A_236 : memref<1x128x128xf32, #tpu.memory_space<vmem>> -> memref<128x128xf32, #tpu.memory_space<vmem>>
        %dma_wait3A_238 = arith.constant 0 : i32
        %dma_wait3A_239 = tpu.memref_slice %arg8[%run_scoped3A_222, %dma_wait3A_238] : memref<2x128xi32, #tpu.memory_space<vmem>> -> memref<1x128xi32, #tpu.memory_space<vmem>>
        %dma_wait3A_240 = tpu.memref_squeeze %dma_wait3A_239 : memref<1x128xi32, #tpu.memory_space<vmem>> -> memref<128xi32, #tpu.memory_space<vmem>>
        %dma_wait3A_241 = arith.constant 0 : i32
        %dma_wait3A_242 = arith.constant 0 : i32
        %dma_wait3A_243 = tpu.memref_slice %arg5[%dma_wait3A_241, %dma_wait3A_242] : memref<10240x128xf32, #tpu.memory_space<vmem_shared>> -> memref<10240x128xf32, #tpu.memory_space<vmem_shared>>
        tpu.wait_indirect_dma semaphore(%run_scoped3A_223 : memref<!tpu.dma_semaphore, #tpu.memory_space<semaphore_mem>>) src(%dma_wait3A_237 : memref<128x128xf32, #tpu.memory_space<vmem>>) dst(%dma_wait3A_243 : memref<10240x128xf32, #tpu.memory_space<vmem_shared>>)
        tpu.yield
      }) : () -> ()
    } else {
    }
    %barrier3A_146 = arith.constant 0 : index
    tpu.barrier barrier_id(%barrier3A_146)
    %mul3A_147 = arith.constant 10240 : i32
    %mul3A_148 = arith.muli %arg0, %mul3A_147 : i32
    %add3A_149 = arith.addi %mul3A_148, %mul3A_8 : i32
    "tpu.region"() ({
      %run_scoped3A_150 = tpu.sem_alloc : memref<!tpu.dma_semaphore, #tpu.memory_space<semaphore_mem>>
      %dma_start3A_151 = arith.constant 0 : i32
      %dma_start3A_152 = tpu.memref_slice %arg4[%add3A_149, %dma_start3A_151] : memref<20480x128xf32, #tpu.memory_space<hbm>> -> memref<640x128xf32, #tpu.memory_space<hbm>>
      %dma_start3A_153 = arith.constant 0 : i32
      %dma_start3A_154 = tpu.memref_slice %arg5[%mul3A_8, %dma_start3A_153] : memref<10240x128xf32, #tpu.memory_space<vmem_shared>> -> memref<640x128xf32, #tpu.memory_space<vmem_shared>>
      tpu.enqueue_dma source(%dma_start3A_154 : memref<640x128xf32, #tpu.memory_space<vmem_shared>>) target(%dma_start3A_152 : memref<640x128xf32, #tpu.memory_space<hbm>>) target_semaphore(%run_scoped3A_150 : memref<!tpu.dma_semaphore, #tpu.memory_space<semaphore_mem>>)
      %dma_wait3A_155 = arith.constant 0 : i32
      %dma_wait3A_156 = tpu.memref_slice %arg4[%add3A_149, %dma_wait3A_155] : memref<20480x128xf32, #tpu.memory_space<hbm>> -> memref<640x128xf32, #tpu.memory_space<hbm>>
      %dma_wait3A_157 = arith.constant 0 : i32
      %dma_wait3A_158 = tpu.memref_slice %arg5[%mul3A_8, %dma_wait3A_157] : memref<10240x128xf32, #tpu.memory_space<vmem_shared>> -> memref<640x128xf32, #tpu.memory_space<vmem_shared>>
      tpu.wait_dma2 semaphore(%run_scoped3A_150 : memref<!tpu.dma_semaphore, #tpu.memory_space<semaphore_mem>>) src(%dma_wait3A_158 : memref<640x128xf32, #tpu.memory_space<vmem_shared>>) dst(%dma_wait3A_156 : memref<640x128xf32, #tpu.memory_space<hbm>>)
      tpu.yield
    }) : () -> ()
    return
  }
}

module attributes {stable_mosaic.version = 14 : i64} {
  func.func @_tc_prep_body(%arg0: i32, %arg1: memref<1024x32xf32, #tpu.memory_space<vmem>>, %arg2: memref<1024x128xf32, #tpu.memory_space<vmem>>, %arg3: memref<128x128xf32, #tpu.memory_space<vmem>>, %arg4: memref<1024x128xf32, #tpu.memory_space<vmem>>, %arg5: memref<1024x1xf32, #tpu.memory_space<vmem>>) attributes {dimension_semantics = [#tpu.dimension_semantics<arbitrary>], iteration_bounds = array<i64: 10>, scalar_prefetch = 0 : i64, scratch_operands = 0 : i64, tpu.core_type = #tpu.core_type<tc>, window_params = [{transform_indices = @transform_0, window_bounds = array<i64: 1024, 32>}, {transform_indices = @transform_1, window_bounds = array<i64: 1024, 128>}, {pipeline_mode = #tpu.pipeline_mode<synchronous>, transform_indices = @transform_2, window_bounds = array<i64: 128, 128>}, {transform_indices = @transform_3, window_bounds = array<i64: 1024, 128>}, {transform_indices = @transform_4, window_bounds = array<i64: 1024, 1>}]} {
    %get3A = arith.constant 0 : index
    %get3A_0 = arith.constant 0 : index
    %get3A_1 = vector.load %arg1[%get3A, %get3A_0] : memref<1024x32xf32, #tpu.memory_space<vmem>>, vector<1024x32xf32>
    %reduce_sum3A = arith.constant dense<0.000000e+00> : vector<1024xf32>
    %reduce_sum3A_2 = vector.multi_reduction <add>, %get3A_1, %reduce_sum3A [1] : vector<1024x32xf32> to vector<1024xf32>
    %broadcast_in_dim3A = vector.shape_cast %reduce_sum3A_2 : vector<1024xf32> to vector<1024x1xf32>
    %add3A = arith.constant 1.000000e+00 : f32
    %add3A_3 = vector.broadcast %add3A : f32 to vector<1024x1xf32>
    %add3A_4 = arith.addf %broadcast_in_dim3A, %add3A_3 : vector<1024x1xf32>
    %rsqrt3A = math.rsqrt %add3A_4 : vector<1024x1xf32>
    %get3A_5 = arith.constant 0 : index
    %get3A_6 = arith.constant 0 : index
    %get3A_7 = vector.load %arg2[%get3A_5, %get3A_6] : memref<1024x128xf32, #tpu.memory_space<vmem>>, vector<1024x128xf32>
    %get3A_8 = arith.constant 0 : index
    %get3A_9 = arith.constant 0 : index
    %get3A_10 = vector.load %arg3[%get3A_8, %get3A_9] : memref<128x128xf32, #tpu.memory_space<vmem>>, vector<128x128xf32>
    %dot_general3A = arith.constant dense<0.000000e+00> : vector<1024x128xf32>
    %dot_general3A_11 = tpu.matmul %get3A_7, %get3A_10, %dot_general3A {dimension_numbers = #tpu.dot_dimension_numbers<[1], [0], [0], [1], [0, 0, 1, 1], [], []>, transpose_lhs_hint = false} : vector<1024x128xf32>, vector<128x128xf32>, vector<1024x128xf32> -> vector<1024x128xf32>
    %mul3A = vector.broadcast %rsqrt3A : vector<1024x1xf32> to vector<1024x128xf32>
    %mul3A_12 = arith.mulf %mul3A, %dot_general3A_11 : vector<1024x128xf32>
    %swap3A = arith.constant 0 : index
    %swap3A_13 = arith.constant 0 : index
    %swap3A_14 = vector.load %arg4[%swap3A, %swap3A_13] : memref<1024x128xf32, #tpu.memory_space<vmem>>, vector<1024x128xf32>
    tpu.vector_store %arg4[%swap3A, %swap3A_13], %mul3A_12 {strides = array<i32>} : memref<1024x128xf32, #tpu.memory_space<vmem>>, vector<1024x128xf32>,
    %swap3A_15 = arith.constant 0 : index
    %swap3A_16 = arith.constant 0 : index
    %swap3A_17 = vector.load %arg5[%swap3A_15, %swap3A_16] : memref<1024x1xf32, #tpu.memory_space<vmem>>, vector<1024x1xf32>
    tpu.vector_store %arg5[%swap3A_15, %swap3A_16], %rsqrt3A {strides = array<i32>} : memref<1024x1xf32, #tpu.memory_space<vmem>>, vector<1024x1xf32>,
    return
  }
  func.func @transform_0(%arg0: i32) -> (i32, i32) {
    %c0_i32 = arith.constant 0 : i32
    %c0_i32_0 = arith.constant 0 : i32
    return %arg0, %c0_i32 : i32, i32
  }
  func.func @transform_1(%arg0: i32) -> (i32, i32) {
    %c0_i32 = arith.constant 0 : i32
    %c0_i32_0 = arith.constant 0 : i32
    return %arg0, %c0_i32 : i32, i32
  }
  func.func @transform_2(%arg0: i32) -> (i32, i32) {
    %c0_i32 = arith.constant 0 : i32
    %c0_i32_0 = arith.constant 0 : i32
    %c0_i32_1 = arith.constant 0 : i32
    return %c0_i32, %c0_i32_0 : i32, i32
  }
  func.func @transform_3(%arg0: i32) -> (i32, i32) {
    %c0_i32 = arith.constant 0 : i32
    %c0_i32_0 = arith.constant 0 : i32
    return %arg0, %c0_i32 : i32, i32
  }
  func.func @transform_4(%arg0: i32) -> (i32, i32) {
    %c0_i32 = arith.constant 0 : i32
    %c0_i32_0 = arith.constant 0 : i32
    return %arg0, %c0_i32 : i32, i32
  }
}

module attributes {stable_mosaic.version = 14 : i64} {
  func.func @_tc_pool_body(%arg0: i32, %arg1: memref<1024x128xf32, #tpu.memory_space<vmem>>, %arg2: memref<1024x128xf32, #tpu.memory_space<vmem>>, %arg3: memref<1024x128xf32, #tpu.memory_space<vmem>>, %arg4: memref<1024x128xf32, #tpu.memory_space<vmem>>, %arg5: memref<1024x128xf32, #tpu.memory_space<vmem>>, %arg6: memref<1024x1xf32, #tpu.memory_space<vmem>>, %arg7: memref<1024x1xi32, #tpu.memory_space<vmem>>, %arg8: memref<1x128xf32, #tpu.memory_space<vmem>>, %arg9: memref<128x128xf32, #tpu.memory_space<vmem>>, %arg10: memref<1x128xf32, #tpu.memory_space<vmem>>, %arg11: memref<128x40xf32, #tpu.memory_space<vmem>>, %arg12: memref<1x40xf32, #tpu.memory_space<vmem>>, %arg13: memref<128x40xf32, #tpu.memory_space<vmem>>, %arg14: memref<128x128xf32, #tpu.memory_space<vmem>>, %arg15: memref<1x128xf32, #tpu.memory_space<vmem>>) attributes {dimension_semantics = [#tpu.dimension_semantics<arbitrary>], iteration_bounds = array<i64: 10>, scalar_prefetch = 0 : i64, scratch_operands = 2 : i64, tpu.core_type = #tpu.core_type<tc>, window_params = [{transform_indices = @transform_0, window_bounds = array<i64: 1024, 128>}, {transform_indices = @transform_1, window_bounds = array<i64: 1024, 128>}, {transform_indices = @transform_2, window_bounds = array<i64: 1024, 128>}, {transform_indices = @transform_3, window_bounds = array<i64: 1024, 128>}, {transform_indices = @transform_4, window_bounds = array<i64: 1024, 128>}, {transform_indices = @transform_5, window_bounds = array<i64: 1024, 1>}, {transform_indices = @transform_6, window_bounds = array<i64: 1024, 1>}, {pipeline_mode = #tpu.pipeline_mode<synchronous>, transform_indices = @transform_7, window_bounds = array<i64: 1, 128>}, {pipeline_mode = #tpu.pipeline_mode<synchronous>, transform_indices = @transform_8, window_bounds = array<i64: 128, 128>}, {pipeline_mode = #tpu.pipeline_mode<synchronous>, transform_indices = @transform_9, window_bounds = array<i64: 1, 128>}, {pipeline_mode = #tpu.pipeline_mode<synchronous>, transform_indices = @transform_10, window_bounds = array<i64: 128, 40>}, {pipeline_mode = #tpu.pipeline_mode<synchronous>, transform_indices = @transform_11, window_bounds = array<i64: 1, 40>}, {pipeline_mode = #tpu.pipeline_mode<synchronous>, transform_indices = @transform_12, window_bounds = array<i64: 128, 40>}]} {
    %eq3A = arith.constant 0 : i32
    %eq3A_0 = arith.cmpi eq, %arg0, %eq3A : i32
    %convert_element_type3A = arith.extui %eq3A_0 : i1 to i32
    %cond3A = arith.constant 0 : i32
    %cond3A_1 = arith.cmpi ne, %convert_element_type3A, %cond3A : i32
    scf.if %cond3A_1 {
      %broadcast_in_dim3A_64 = arith.constant 0.000000e+00 : f32
      %broadcast_in_dim3A_65 = vector.broadcast %broadcast_in_dim3A_64 : f32 to vector<128x128xf32>
      %swap3A_66 = arith.constant 0 : index
      %swap3A_67 = arith.constant 0 : index
      %swap3A_68 = vector.load %arg14[%swap3A_66, %swap3A_67] : memref<128x128xf32, #tpu.memory_space<vmem>>, vector<128x128xf32>
      tpu.vector_store %arg14[%swap3A_66, %swap3A_67], %broadcast_in_dim3A_65 {strides = array<i32>} : memref<128x128xf32, #tpu.memory_space<vmem>>, vector<128x128xf32>,
      %broadcast_in_dim3A_69 = arith.constant 0.000000e+00 : f32
      %broadcast_in_dim3A_70 = vector.broadcast %broadcast_in_dim3A_69 : f32 to vector<1x128xf32>
      %swap3A_71 = arith.constant 0 : index
      %swap3A_72 = arith.constant 0 : index
      %swap3A_73 = vector.load %arg15[%swap3A_71, %swap3A_72] : memref<1x128xf32, #tpu.memory_space<vmem>>, vector<1x128xf32>
      tpu.vector_store %arg15[%swap3A_71, %swap3A_72], %broadcast_in_dim3A_70 {strides = array<i32>} : memref<1x128xf32, #tpu.memory_space<vmem>>, vector<1x128xf32>,
    } else {
    }
    %get3A = arith.constant 0 : index
    %get3A_2 = arith.constant 0 : index
    %get3A_3 = vector.load %arg6[%get3A, %get3A_2] : memref<1024x1xf32, #tpu.memory_space<vmem>>, vector<1024x1xf32>
    %get3A_4 = arith.constant 0 : index
    %get3A_5 = arith.constant 0 : index
    %get3A_6 = vector.load %arg1[%get3A_4, %get3A_5] : memref<1024x128xf32, #tpu.memory_space<vmem>>, vector<1024x128xf32>
    %get3A_7 = arith.constant 0 : index
    %get3A_8 = arith.constant 0 : index
    %get3A_9 = vector.load %arg2[%get3A_7, %get3A_8] : memref<1024x128xf32, #tpu.memory_space<vmem>>, vector<1024x128xf32>
    %add3A = arith.addf %get3A_6, %get3A_9 : vector<1024x128xf32>
    %get3A_10 = arith.constant 0 : index
    %get3A_11 = arith.constant 0 : index
    %get3A_12 = vector.load %arg3[%get3A_10, %get3A_11] : memref<1024x128xf32, #tpu.memory_space<vmem>>, vector<1024x128xf32>
    %add3A_13 = arith.addf %add3A, %get3A_12 : vector<1024x128xf32>
    %mul3A = vector.broadcast %get3A_3 : vector<1024x1xf32> to vector<1024x128xf32>
    %mul3A_14 = arith.mulf %mul3A, %add3A_13 : vector<1024x128xf32>
    %get3A_15 = arith.constant 0 : index
    %get3A_16 = arith.constant 0 : index
    %get3A_17 = vector.load %arg8[%get3A_15, %get3A_16] : memref<1x128xf32, #tpu.memory_space<vmem>>, vector<1x128xf32>
    %get3A_18 = vector.shape_cast %get3A_17 : vector<1x128xf32> to vector<128xf32>
    %broadcast_in_dim3A = vector.shape_cast %get3A_18 : vector<128xf32> to vector<1x128xf32>
    %add3A_19 = vector.broadcast %broadcast_in_dim3A : vector<1x128xf32> to vector<1024x128xf32>
    %add3A_20 = arith.addf %mul3A_14, %add3A_19 : vector<1024x128xf32>
    %max3A = arith.constant 0.000000e+00 : f32
    %max3A_21 = vector.broadcast %max3A : f32 to vector<1024x128xf32>
    %max3A_22 = arith.maximumf %add3A_20, %max3A_21 : vector<1024x128xf32>
    %mul3A_23 = vector.broadcast %get3A_3 : vector<1024x1xf32> to vector<1024x128xf32>
    %mul3A_24 = arith.mulf %mul3A_23, %max3A_22 : vector<1024x128xf32>
    %iota3A = tpu.iota {dimensions = array<i32: 1>} : vector<1024x128xi32>
    %get3A_25 = arith.constant 0 : index
    %get3A_26 = arith.constant 0 : index
    %get3A_27 = vector.load %arg7[%get3A_25, %get3A_26] : memref<1024x1xi32, #tpu.memory_space<vmem>>, vector<1024x1xi32>
    %eq3A_28 = vector.broadcast %get3A_27 : vector<1024x1xi32> to vector<1024x128xi32>
    %eq3A_29 = arith.cmpi eq, %eq3A_28, %iota3A : vector<1024x128xi32>
    %jit3A = arith.constant 1.000000e+00 : f32
    %jit3A_30 = arith.constant 0.000000e+00 : f32
    %broadcast_in_dim3A_31 = vector.broadcast %jit3A : f32 to vector<1024x128xf32>
    %broadcast_in_dim3A_32 = vector.broadcast %jit3A_30 : f32 to vector<1024x128xf32>
    %select_n3A = arith.select %eq3A_29, %broadcast_in_dim3A_31, %broadcast_in_dim3A_32 : vector<1024x128xi1>, vector<1024x128xf32>
    %get3A_33 = arith.constant 0 : index
    %get3A_34 = arith.constant 0 : index
    %get3A_35 = vector.load %arg4[%get3A_33, %get3A_34] : memref<1024x128xf32, #tpu.memory_space<vmem>>, vector<1024x128xf32>
    %get3A_36 = arith.constant 0 : index
    %get3A_37 = arith.constant 0 : index
    %get3A_38 = vector.load %arg5[%get3A_36, %get3A_37] : memref<1024x128xf32, #tpu.memory_space<vmem>>, vector<1024x128xf32>
    %add3A_39 = arith.addf %get3A_35, %get3A_38 : vector<1024x128xf32>
    %mul3A_40 = vector.broadcast %get3A_3 : vector<1024x1xf32> to vector<1024x128xf32>
    %mul3A_41 = arith.mulf %select_n3A, %mul3A_40 : vector<1024x128xf32>
    %add3A_42 = arith.addf %add3A_39, %mul3A_41 : vector<1024x128xf32>
    %get3A_43 = arith.constant 0 : index
    %get3A_44 = arith.constant 0 : index
    %get3A_45 = vector.load %arg14[%get3A_43, %get3A_44] : memref<128x128xf32, #tpu.memory_space<vmem>>, vector<128x128xf32>
    %dot_general3A = arith.constant dense<0.000000e+00> : vector<128x128xf32>
    %dot_general3A_46 = tpu.matmul %add3A_42, %mul3A_24, %dot_general3A {dimension_numbers = #tpu.dot_dimension_numbers<[0], [0], [1], [1], [0, 1, 1, 1], [], []>, transpose_lhs_hint = true} : vector<1024x128xf32>, vector<1024x128xf32>, vector<128x128xf32> -> vector<128x128xf32>
    %add3A_47 = arith.addf %get3A_45, %dot_general3A_46 : vector<128x128xf32>
    %swap3A = arith.constant 0 : index
    %swap3A_48 = arith.constant 0 : index
    %swap3A_49 = vector.load %arg14[%swap3A, %swap3A_48] : memref<128x128xf32, #tpu.memory_space<vmem>>, vector<128x128xf32>
    tpu.vector_store %arg14[%swap3A, %swap3A_48], %add3A_47 {strides = array<i32>} : memref<128x128xf32, #tpu.memory_space<vmem>>, vector<128x128xf32>,
    %get3A_50 = arith.constant 0 : index
    %get3A_51 = arith.constant 0 : index
    %get3A_52 = vector.load %arg15[%get3A_50, %get3A_51] : memref<1x128xf32, #tpu.memory_space<vmem>>, vector<1x128xf32>
    %reduce_sum3A = arith.constant dense<0.000000e+00> : vector<128xf32>
    %reduce_sum3A_53 = vector.multi_reduction <add>, %select_n3A, %reduce_sum3A [0] : vector<1024x128xf32> to vector<128xf32>
    %broadcast_in_dim3A_54 = vector.shape_cast %reduce_sum3A_53 : vector<128xf32> to vector<1x128xf32>
    %add3A_55 = arith.addf %get3A_52, %broadcast_in_dim3A_54 : vector<1x128xf32>
    %swap3A_56 = arith.constant 0 : index
    %swap3A_57 = arith.constant 0 : index
    %swap3A_58 = vector.load %arg15[%swap3A_56, %swap3A_57] : memref<1x128xf32, #tpu.memory_space<vmem>>, vector<1x128xf32>
    tpu.vector_store %arg15[%swap3A_56, %swap3A_57], %add3A_55 {strides = array<i32>} : memref<1x128xf32, #tpu.memory_space<vmem>>, vector<1x128xf32>,
    %eq3A_59 = arith.constant 9 : i32
    %eq3A_60 = arith.cmpi eq, %arg0, %eq3A_59 : i32
    %convert_element_type3A_61 = arith.extui %eq3A_60 : i1 to i32
    %cond3A_62 = arith.constant 0 : i32
    %cond3A_63 = arith.cmpi ne, %convert_element_type3A_61, %cond3A_62 : i32
    scf.if %cond3A_63 {
      %get3A_64 = arith.constant 0 : index
      %get3A_65 = arith.constant 0 : index
      %get3A_66 = vector.load %arg15[%get3A_64, %get3A_65] : memref<1x128xf32, #tpu.memory_space<vmem>>, vector<1x128xf32>
      %get3A_67 = vector.shape_cast %get3A_66 : vector<1x128xf32> to vector<128xf32>
      %get3A_68 = arith.constant 0 : index
      %get3A_69 = arith.constant 0 : index
      %get3A_70 = vector.load %arg14[%get3A_68, %get3A_69] : memref<128x128xf32, #tpu.memory_space<vmem>>, vector<128x128xf32>
      %max3A_71 = arith.constant 1.000000e+00 : f32
      %max3A_72 = vector.broadcast %max3A_71 : f32 to vector<128xf32>
      %max3A_73 = arith.maximumf %get3A_67, %max3A_72 : vector<128xf32>
      %broadcast_in_dim3A_74 = vector.shape_cast %max3A_73 : vector<128xf32> to vector<128x1xf32>
      %div3A = vector.broadcast %broadcast_in_dim3A_74 : vector<128x1xf32> to vector<128x128xf32>
      %div3A_75 = arith.divf %get3A_70, %div3A : vector<128x128xf32>
      %get3A_76 = arith.constant 0 : index
      %get3A_77 = arith.constant 0 : index
      %get3A_78 = vector.load %arg9[%get3A_76, %get3A_77] : memref<128x128xf32, #tpu.memory_space<vmem>>, vector<128x128xf32>
      %get3A_79 = arith.constant 0 : index
      %get3A_80 = arith.constant 0 : index
      %get3A_81 = vector.load %arg11[%get3A_79, %get3A_80] : memref<128x40xf32, #tpu.memory_space<vmem>>, vector<128x40xf32>
      %dot_general3A_82 = arith.constant dense<0.000000e+00> : vector<128x40xf32>
      %dot_general3A_83 = tpu.matmul %get3A_78, %get3A_81, %dot_general3A_82 {dimension_numbers = #tpu.dot_dimension_numbers<[1], [0], [0], [1], [0, 0, 1, 1], [], []>, transpose_lhs_hint = false} : vector<128x128xf32>, vector<128x40xf32>, vector<128x40xf32> -> vector<128x40xf32>
      %get3A_84 = arith.constant 0 : index
      %get3A_85 = arith.constant 0 : index
      %get3A_86 = vector.load %arg10[%get3A_84, %get3A_85] : memref<1x128xf32, #tpu.memory_space<vmem>>, vector<1x128xf32>
      %get3A_87 = arith.constant 0 : index
      %get3A_88 = arith.constant 0 : index
      %get3A_89 = vector.load %arg11[%get3A_87, %get3A_88] : memref<128x40xf32, #tpu.memory_space<vmem>>, vector<128x40xf32>
      %dot_general3A_90 = arith.constant dense<0.000000e+00> : vector<1x40xf32>
      %dot_general3A_91 = tpu.matmul %get3A_86, %get3A_89, %dot_general3A_90 {dimension_numbers = #tpu.dot_dimension_numbers<[1], [0], [0], [1], [0, 0, 1, 1], [], []>, transpose_lhs_hint = false} : vector<1x128xf32>, vector<128x40xf32>, vector<1x40xf32> -> vector<1x40xf32>
      %gt3A = arith.constant 0.000000e+00 : f32
      %gt3A_92 = vector.broadcast %gt3A : f32 to vector<128xf32>
      %gt3A_93 = arith.cmpf ogt, %get3A_67, %gt3A_92 : vector<128xf32>
      %jit3A_94 = arith.constant 1.000000e+00 : f32
      %jit3A_95 = arith.constant 0.000000e+00 : f32
      %broadcast_in_dim3A_96 = vector.broadcast %jit3A_94 : f32 to vector<128xf32>
      %broadcast_in_dim3A_97 = vector.broadcast %jit3A_95 : f32 to vector<128xf32>
      %select_n3A_98 = arith.select %gt3A_93, %broadcast_in_dim3A_96, %broadcast_in_dim3A_97 : vector<128xi1>, vector<128xf32>
      %dot_general3A_99 = arith.constant dense<0.000000e+00> : vector<128x40xf32>
      %dot_general3A_100 = tpu.matmul %div3A_75, %dot_general3A_83, %dot_general3A_99 {dimension_numbers = #tpu.dot_dimension_numbers<[1], [0], [0], [1], [0, 0, 1, 1], [], []>, transpose_lhs_hint = false} : vector<128x128xf32>, vector<128x40xf32>, vector<128x40xf32> -> vector<128x40xf32>
      %broadcast_in_dim3A_101 = vector.shape_cast %select_n3A_98 : vector<128xf32> to vector<128x1xf32>
      %mul3A_102 = vector.broadcast %broadcast_in_dim3A_101 : vector<128x1xf32> to vector<128x40xf32>
      %mul3A_103 = vector.broadcast %dot_general3A_91 : vector<1x40xf32> to vector<128x40xf32>
      %mul3A_104 = arith.mulf %mul3A_102, %mul3A_103 : vector<128x40xf32>
      %add3A_105 = arith.addf %dot_general3A_100, %mul3A_104 : vector<128x40xf32>
      %get3A_106 = arith.constant 0 : index
      %get3A_107 = arith.constant 0 : index
      %get3A_108 = vector.load %arg12[%get3A_106, %get3A_107] : memref<1x40xf32, #tpu.memory_space<vmem>>, vector<1x40xf32>
      %add3A_109 = vector.broadcast %get3A_108 : vector<1x40xf32> to vector<128x40xf32>
      %add3A_110 = arith.addf %add3A_105, %add3A_109 : vector<128x40xf32>
      %swap3A_111 = arith.constant 0 : index
      %swap3A_112 = arith.constant 0 : index
      %swap3A_113 = vector.load %arg13[%swap3A_111, %swap3A_112] : memref<128x40xf32, #tpu.memory_space<vmem>>, vector<128x40xf32>
      tpu.vector_store %arg13[%swap3A_111, %swap3A_112], %add3A_110 {strides = array<i32>} : memref<128x40xf32, #tpu.memory_space<vmem>>, vector<128x40xf32>,
    } else {
    }
    return
  }
  func.func @transform_0(%arg0: i32) -> (i32, i32) {
    %c0_i32 = arith.constant 0 : i32
    %c0_i32_0 = arith.constant 0 : i32
    return %arg0, %c0_i32 : i32, i32
  }
  func.func @transform_1(%arg0: i32) -> (i32, i32) {
    %add3A = arith.constant 10 : i32
    %add3A_0 = arith.addi %arg0, %add3A : i32
    %c0_i32 = arith.constant 0 : i32
    %c0_i32_1 = arith.constant 0 : i32
    return %add3A_0, %c0_i32 : i32, i32
  }
  func.func @transform_2(%arg0: i32) -> (i32, i32) {
    %c0_i32 = arith.constant 0 : i32
    %c0_i32_0 = arith.constant 0 : i32
    return %arg0, %c0_i32 : i32, i32
  }
  func.func @transform_3(%arg0: i32) -> (i32, i32) {
    %c0_i32 = arith.constant 0 : i32
    %c0_i32_0 = arith.constant 0 : i32
    return %arg0, %c0_i32 : i32, i32
  }
  func.func @transform_4(%arg0: i32) -> (i32, i32) {
    %add3A = arith.constant 10 : i32
    %add3A_0 = arith.addi %arg0, %add3A : i32
    %c0_i32 = arith.constant 0 : i32
    %c0_i32_1 = arith.constant 0 : i32
    return %add3A_0, %c0_i32 : i32, i32
  }
  func.func @transform_5(%arg0: i32) -> (i32, i32) {
    %c0_i32 = arith.constant 0 : i32
    %c0_i32_0 = arith.constant 0 : i32
    return %arg0, %c0_i32 : i32, i32
  }
  func.func @transform_6(%arg0: i32) -> (i32, i32) {
    %c0_i32 = arith.constant 0 : i32
    %c0_i32_0 = arith.constant 0 : i32
    return %arg0, %c0_i32 : i32, i32
  }
  func.func @transform_7(%arg0: i32) -> (i32, i32) {
    %c0_i32 = arith.constant 0 : i32
    %c0_i32_0 = arith.constant 0 : i32
    %c0_i32_1 = arith.constant 0 : i32
    return %c0_i32, %c0_i32_0 : i32, i32
  }
  func.func @transform_8(%arg0: i32) -> (i32, i32) {
    %c0_i32 = arith.constant 0 : i32
    %c0_i32_0 = arith.constant 0 : i32
    %c0_i32_1 = arith.constant 0 : i32
    return %c0_i32, %c0_i32_0 : i32, i32
  }
  func.func @transform_9(%arg0: i32) -> (i32, i32) {
    %c0_i32 = arith.constant 0 : i32
    %c0_i32_0 = arith.constant 0 : i32
    %c0_i32_1 = arith.constant 0 : i32
    return %c0_i32, %c0_i32_0 : i32, i32
  }
  func.func @transform_10(%arg0: i32) -> (i32, i32) {
    %c0_i32 = arith.constant 0 : i32
    %c0_i32_0 = arith.constant 0 : i32
    %c0_i32_1 = arith.constant 0 : i32
    return %c0_i32, %c0_i32_0 : i32, i32
  }
  func.func @transform_11(%arg0: i32) -> (i32, i32) {
    %c0_i32 = arith.constant 0 : i32
    %c0_i32_0 = arith.constant 0 : i32
    %c0_i32_1 = arith.constant 0 : i32
    return %c0_i32, %c0_i32_0 : i32, i32
  }
  func.func @transform_12(%arg0: i32) -> (i32, i32) {
    %c0_i32 = arith.constant 0 : i32
    %c0_i32_0 = arith.constant 0 : i32
    %c0_i32_1 = arith.constant 0 : i32
    return %c0_i32, %c0_i32_0 : i32, i32
  }
}

</mosaic_0001>

<sc_bundles>
// kernel: kernel.10.cloned.1.call-start
scs
__scs_entry_jumppad:
0x0: {  	(pc) =	sbr.rel $0x88, $3  }
0x1: {  	(tag) =	ssettag $0x0;
	lr =	simm.s32 $0x1  }
0x2: {  	[smem:$0x3F98] =	sst lr;
	_ =	strace $0xD0000000  }
0x3: {  	_ = 	snop  }
0x4: {  	_ = 	snop  }
0x5: {  	_ = 	snop  }
0x6: {  	_ = 	snop  }
0x7: {  	_ = 	snop  }
__scs_overlays_trampoline_lowered:
0x8: {  	[smem:$0x3FA7] =	sst s0  }
0x9: {  	[smem:$0x3FA8] =	sst s1  }
0xa: {  	[smem:$0x3FA9] =	sst s2  }
0xb: {  	[smem:$0x3FAA] =	sst s3  }
0xc: {  	[smem:$0x3FAB] =	sst s4  }
0xd: {  	[smem:$0x3FAC] =	sst s5  }
0xe: {  	[smem:$0x3FAD] =	sst s6  }
0xf: {  	[smem:$0x3FAE] =	sst s7  }
0x10: {  	[smem:$0x3FAF] =	sst s8  }
0x11: {  	[smem:$0x3FB0] =	sst s9;
	s0 =	simm.s32 @!p0 $0x0  }
0x12: {  	s1 =	sld [smem:$0x3F96];
	s0 =	simm.s32 @p0 $0x1  }
0x13: {  	[smem:$0x3FB1] =	sst s0;
	s0 =	simm.s32 @!p1 $0x0  }
0x14: {  	s2 =	sld [smem:$0x3F95];
	s0 =	simm.s32 @p1 $0x1  }
0x15: {  	[smem:$0x3FB2] =	sst s0;
	s0 =	simm.s32 @!p2 $0x0  }
0x16: {  	s3 =	sld [smem:$0x3FDB];
	s0 =	simm.s32 @p2 $0x1  }
0x17: {  	s4 =	simm.s32 $0x1BF5;
	[smem:$0x3FB4] =	sst s0  }
0x18: {  	s0 =	sld [smem:$0x3F97];
	_ =	swait.ge [sflag:s4], $0x0  }
0x19: {  	s7 =	sld [smem:$0x3F98]  }
0x1a: {  	s8 =	sadd.s32 $0xFFFFE003, lr  }
0x1b: {  	s9 =	sadd.s32 $0xFFFFFEF7, lr;
	s5 =	simm.s32 $0xFFFFFFFF;
	p2 =	slt.u32 s8, $0xFFFFF086  }
0x1c: {  	p1 =	slt.u32 s9, $0xF7A;
	s5 =	simm.s32 @!p2 $0x0  }
0x1d: {  	s5 =	simm.s32 @p1 $0x1;
	p0 =	seq.s32 s7, s2  }
0x1e: {  	s7 =	smul.u32 @!p0 $0xF7A, s2;
	p2 =	seq.s32 @!p0 s5, $0x0  }
0x1f: {  	s9 =	smul.u32 $0xF7A, s1;
	s8 =	simm.s32 @!p0 $0x1BF5;
	p2 =	por !p2, p0  }
0x20: {  	[sflag:s8] =	ssyncset.s32 @!p0 $0xFFFFF086;
	s6 =	sadd.s32 @!p0 s3, s7;
	s7 =	simm.s32 @!p0 $0x108  }
0x21: {  	s3 =	sadd.s32 s3, s9;
	s6 =	sadd.s32 @!p0 $0x88, s6;
	s7 =	simm.s32 @p2 $0x1082  }
0x22: {  	[simem:s7], [sflag:s8] =	dma.local @!p0 [hbm:s6], $0xF7A  }
0x23: {  	s9 =	sor.u32 $0xD0000000, s2;
	s6 =	simm.s32 $0x108;
	_ =	swait.ge @!p0 [sflag:s8], $0x0  }
0x24: {  	s3 =	sadd.s32 $0x88, s3;
	s6 =	simm.s32 @!p1 $0x1082;
	[sflag:s4] =	ssyncset.s32 $0xFFFFF086  }
0x25: {  	[simem:s6], [sflag:s4] =	dma.local [hbm:s3], $0xF7A  }
0x26: {  	[smem:$0x3F98] =	sst s1;
	(tag) =	ssettag s2;
	_ =	strace s9  }
0x27: {  	s1 =	sld [smem:$0x3FA8]  }
0x28: {  	s2 =	sld [smem:$0x3FA9]  }
0x29: {  	s4 =	sld [smem:$0x3FAB]  }
0x2a: {  	p0 =	seq.s32 s5, $0x0;
	s5 =	sld [smem:$0x3FAC]  }
0x2b: {  	s6 =	sld [smem:$0x3FAD]  }
0x2c: {  	s7 =	sld [smem:$0x3FAE]  }
0x2d: {  	s3 =	simm.s32 $0x108;
	s8 =	sld [smem:$0x3FAF]  }
0x2e: {  	s3 =	simm.s32 @!p0 $0x1082;
	s9 =	sld [smem:$0x3FB0]  }
0x2f: {  	lr =	sadd.s32 s0, s3;
	s0 =	sld [smem:$0x3FA7]  }
0x30: {  	s3 =	sld [smem:$0x3FAA]  }
0x31: {  	[smem:$0x3FB3] =	sst s10  }
0x32: {  	s10 =	sld [smem:$0x3FB1];
	_ =	sdelay $0x3  }
0x33: {  	p0 =	seq.s32 s10, $0x1;
	s10 =	sld [smem:$0x3FB3];
	_ =	sdelay $0x3  }
0x34: {  	[smem:$0x3FB3] =	sst s10  }
0x35: {  	s10 =	sld [smem:$0x3FB2];
	_ =	sdelay $0x3  }
0x36: {  	p1 =	seq.s32 s10, $0x1;
	s10 =	sld [smem:$0x3FB3];
	_ =	sdelay $0x3  }
0x37: {  	[smem:$0x3FB3] =	sst s10  }
0x38: {  	s10 =	sld [smem:$0x3FB4]  }
0x39: {  	_ = 	snop;
	(pc) =	sbr.ind lr, $3  }
0x3a: {  	_ = 	snop  }
0x3b: {  	_ = 	snop  }
0x3c: {  	p2 =	seq.s32 s10, $0x1;
	s10 =	sld [smem:$0x3FB3]  }
0x3d: {  	_ =	shalt  }
0x3e: {  	_ =	shalt  }
0x3f: {  	_ =	shalt  }
0x40: {  	_ =	shalt  }
0x41: {  	_ =	shalt  }
0x42: {  	_ =	shalt  }
0x43: {  	_ =	shalt  }
0x44: {  	_ =	shalt  }
0x45: {  	_ =	shalt  }
0x46: {  	_ =	shalt  }
0x47: {  	_ =	shalt  }
0x48: {  	_ =	shalt  }
0x49: {  	_ =	shalt  }
0x4a: {  	_ =	shalt  }
0x4b: {  	_ =	shalt  }
0x4c: {  	_ =	shalt  }
0x4d: {  	_ =	shalt  }
0x4e: {  	_ =	shalt  }
0x4f: {  	_ =	shalt  }
0x50: {  	_ =	shalt  }
0x51: {  	_ =	shalt  }
0x52: {  	_ =	shalt  }
0x53: {  	_ =	shalt  }
0x54: {  	_ =	shalt  }
0x55: {  	_ =	shalt  }
0x56: {  	_ =	shalt  }
0x57: {  	_ =	shalt  }
0x58: {  	_ =	shalt  }
0x59: {  	_ =	shalt  }
0x5a: {  	_ =	shalt  }
0x5b: {  	_ =	shalt  }
0x5c: {  	_ =	shalt  }
0x5d: {  	_ =	shalt  }
0x5e: {  	_ =	shalt  }
0x5f: {  	_ =	shalt  }
0x60: {  	_ =	shalt  }
0x61: {  	_ =	shalt  }
0x62: {  	_ =	shalt  }
0x63: {  	_ =	shalt  }
0x64: {  	_ =	shalt  }
0x65: {  	_ =	shalt  }
0x66: {  	_ =	shalt  }
0x67: {  	_ =	shalt  }
0x68: {  	_ =	shalt  }
0x69: {  	_ =	shalt  }
0x6a: {  	_ =	shalt  }
0x6b: {  	_ =	shalt  }
0x6c: {  	_ =	shalt  }
0x6d: {  	_ =	shalt  }
0x6e: {  	_ =	shalt  }
0x6f: {  	_ =	shalt  }
0x70: {  	_ =	shalt  }
0x71: {  	_ =	shalt  }
0x72: {  	_ =	shalt  }
0x73: {  	_ =	shalt  }
0x74: {  	_ =	shalt  }
0x75: {  	_ =	shalt  }
0x76: {  	_ =	shalt  }
0x77: {  	_ =	shalt  }
0x78: {  	_ =	shalt  }
0x79: {  	_ =	shalt  }
0x7a: {  	_ =	shalt  }
0x7b: {  	_ =	shalt  }
0x7c: {  	_ =	shalt  }
0x7d: {  	_ =	shalt  }
0x7e: {  	_ =	shalt  }
0x7f: {  	_ =	shalt  }
0x80: {  	_ =	shalt  }
0x81: {  	_ =	shalt  }
0x82: {  	_ =	shalt  }
0x83: {  	_ =	shalt  }
0x84: {  	_ =	shalt  }
0x85: {  	_ =	shalt  }
0x86: {  	_ =	shalt  }
0x87: {  	_ =	shalt  }
.Lfunc_end0:
.L_simem_size_0:
called_computation.1_lowered:
.L_overlay_start_0:
0x88: {  	s2 =	sld [smem:$0x3FD9]  }
0x89: {  	s3 =	sld [smem:$0x3FFE];
	_ =	sdelay $0x1  }
0x8a: {  	s1 =	srdreg.scid  }
0x8b: {  	s0 =	sand.u32 $0x1, s1  }
0x8c: {  	s17 =	sshll.u32 s0, $0xA;
	s2 =	sadd.s32 s3, s2  }
0x8d: {  	s2 =	sadd.s32 s2, s17  }
0x8e: {  	[smem:$0x3FBF] =	sst s2  }
0x8f: {  	_ = 	snop  }
0x90: {  	(tm) =	ssettm $0x1  }
0x91: {  	s18 =	sld [smem:$0x3FFB];
	_ =	sdelay $0x3  }
0x92: {  	_ =	strace s18  }
0x93: {  	s2 =	sld [smem:$0x3FFC];
	_ =	sdelay $0x3  }
0x94: {  	_ =	strace s2  }
0x95: {  	s2 =	sld [smem:$0x3FFD];
	_ =	sdelay $0x3  }
0x96: {  	_ =	strace s2  }
0x97: {  	_ =	strace $0x8FFFFFFF  }
0x98: {  	s19 =	sld [smem:$0x3FDB];
	_ =	sdelay $0x1  }
0x99: {  	s20 =	simm.s32 $_scs_section_size  }
0x9a: {  	s4 =	simm.s32 $_size__tile_overlayer_lowered;
	s5 =	simm.s32 $_tile_overlayer_lowered  }
0x9b: {  	s6 =	simm.s32 $0x1BFF;
	s21 =	sshll.u32 s5, $0x1;
	s3 =	sadd.s32 s20, s19  }
0x9c: {  	s22 =	simm.s32 $0x0;
	s4 =	sshll.u32 s4, $0x1;
	s5 =	sadd.s32 s21, s3  }
0x9d: {  	[timem:s22], [sflag:s6] =	dma.local [hbm:s5], s4  }
0x9e: {  	_ =	swait.ge [sflag:s6], s4  }
0x9f: {  	s4 =	ssub.s32 $0x0, s4;
	[sflag:s6] =	ssyncset.done $0x0  }
0xa0: {  	[sflag:s6] =	ssyncadd.s32 s4;
	_ =	sdelay $0x1  }
0xa1: {  	s23 =	simm.s32 $0x1B8B  }
0xa2: {  	_ =	swait.ge [sflag:s23], $0x1  }
0xa3: {  	[sflag:s23] =	ssyncset.done $0x0  }
0xa4: {  	[sflag:s23] =	ssyncadd.s32 $0xFFFFFFFF  }
0xa5: {  	s4 =	sld [smem:$0x0]  }
0xa6: {  	s5 =	sand.u32 $0xFFFFFFFE, s1  }
0xa7: {  	p0 =	sne.s32 s1, s5  }
0xa8: {  	s5 =	sshll.u32 @p0 s5, $0xE  }
0xa9: {  	s5 =	sadd.s32 @p0 $0x11B8D, s5;
	s6 =	sshll.u32 @p0 s4, $0x11  }
0xaa: {  	s5 =	sor.u32 @p0 s6, s5  }
0xab: {  	[sflag:s5] =	ssyncadd.remote.s32 @p0 $0x1;
	_ =	sdelay $0x1  }
0xac: {  	s5 =	simm.s32 @p0 $0x1B8D  }
0xad: {  	_ =	swait.eq @p0 [sflag:s5], $0x1  }
0xae: {  	[sflag:s5] =	ssyncadd.s32 @p0 $0xFFFFFFFF  }
0xaf: {  	s6 =	sshll.u32 @!p0 s1, $0xE  }
0xb0: {  	s6 =	sor.u32 @!p0 $0x4000, s6;
	s5 =	simm.s32 @!p0 $0x1B8D  }
0xb1: {  	s4 =	sshll.u32 @!p0 s4, $0x11;
	s6 =	sadd.s32 @!p0 $0x11B8D, s6;
	_ =	swait.eq @!p0 [sflag:s5], $0x1  }
0xb2: {  	s4 =	sor.u32 @!p0 s4, s6;
	[sflag:s5] =	ssyncadd.s32 @!p0 $0xFFFFFFFF  }
0xb3: {  	s25 =	simm.s32 $0x1B8E;
	s24 =	sld [smem:$0x3FFE];
	[sflag:s4] =	ssyncadd.remote.s32 @!p0 $0x1  }
0xb4: {  	s26 =	simm.s32 $execute0_lowered;
	[smem:$0x3FD2] =	sst s25  }
0xb5: {  	s5 =	sshll.u32 s26, $0x1;
	_ =	strace $0x8000004C;
	[dreg:$0x1] =	wrdreg $0xFFFFFFFF  }
0xb6: {  	s28 =	simm.s32 $_size_execute0_lowered;
	s3 =	sadd.s32 s3, s5;
	[dreg:$0x0] =	wrdreg $0x0  }
0xb7: {  	s5 =	sshll.u32 s28, $0x1;
	[dreg:$0x2] =	wrdreg s3  }
0xb8: {  	[dreg:$0x3] =	wrdreg s5  }
0xb9: {  	[dreg:$0x4] =	wrdreg $0xC0  }
0xba: {  	_ =	task [dreg:s22], $0x5FFFF  }
0xbb: {  	[dreg:$0x1] =	wrdreg $0xFFFFFFFF  }
0xbc: {  	[dreg:$0x0] =	wrdreg $0x60  }
0xbd: {  	[dreg:$0x2] =	wrdreg s24  }
0xbe: {  	[dreg:$0x3] =	wrdreg $0x0  }
0xbf: {  	[dreg:$0x4] =	wrdreg $0x9  }
0xc0: {  	_ =	task.clear_ibuf [dreg:s22], $0x5FFFF;
	_ =	strace $0x9000004C  }
0xc1: {  	s29 =	simm.s32 $0x9;
	_ =	strace $0x8000004E  }
0xc2: {  	_ =	swait.ge [sflag:s29], $0x1  }
0xc3: {  	[sflag:s29] =	ssyncadd.s32 $0xFFFFFFFF  }
0xc4: {  	_ =	strace $0x9000004E  }
0xc5: {  	_ =	sfence  }
0xc6: {  	s30 =	sld [smem:$0x0];
	_ =	sdelay $0x2  }
0xc7: {  	s31 =	sshll.u32 s1, $0xD;
	s1 =	sshrl.u32 s1, $0x2  }
0xc8: {  	s4 =	sand.u32 $0x4000, s31;
	s1 =	sadd.s32 s1, s30  }
0xc9: {  	s0 =	sor.u32 s4, s0;
	s1 =	sshll.u32 s1, $0x11  }
0xca: {  	s0 =	sor.u32 s1, s0  }
0xcb: {  	s0 =	sadd.s32 $0x8F2B, s0  }
0xcc: {  	[sflag:s0] =	ssyncadd.remote.s32 $0x1  }
0xcd: {  	_ =	sfence.sel $0xFFFF  }
0xce: {  	[dreg:$0x0] =	wrdreg $0xFFFFFFFF;
	(pc) =	sbr.abs _section_cstart, $3  }
0xcf: {  	[dreg:$0x1] =	wrdreg $0xFFFFFFFF  }
0xd0: {  	_ =	task.clear_ibuf [dreg:s22], $0x2FFFF;
	_ =	strace $0x9FFFFFFF  }
0xd1: {  	(tm) =	ssettm $0x7FFFFFFF  }
tec
execute0_lowered:
.L_overlay_start_1:
0x0: {  	(tag) =	ssettag $0x1  }
0x1: {  	s0 =	rddreg [dreg:$0x0]  }
0x2: {  	s2 =	rddreg [dreg:$0x1];
	s3 =	simm.s32 $0x0  }
0x3: {  	s1 =	srdreg.scid;
	s12 =	stileid.u32;
	s28 =	simm.s32 $0x1C080  }
0x4: {  	s29 =	simm.s32 $0x1C180;
	s30 =	simm.s32 $0x3;
	s31 =	simm.s32 $0x80  }
0x5: {  	[smem:$0x7FF] =	sst s3;
	s1 =	sand.u32 $0x1, s1;
	s6 =	smul.u32 $0x2800, s12  }
0x6: {  	s4 =	sadd.s32 $0x2A00, s0;
	s5 =	sadd.s32 $0x16400, s0;
	s9 =	smul.u32 $0x50000, s12  }
0x7: {  	s8 =	sshll.u32 s12, $0x1;
	s21 =	smul.u32 $0x4E00, s12;
	p0 =	sgt.u32 s12, $0x1  }
0x8: {  	_ =	strace $0x8000004D;
	s7 =	smul.u32 $0x28000, s1;
	s16 =	ssub.s32 $0x2, s1  }
0x9: {  	s8 =	sor.u32 s1, s8;
	s1 =	smul.u32 $0x2700, s1;
	s10 =	sshrl.u32 s16, $0x1  }
0xa: {  	s9 =	sshrl.u32 s9, $0x2;
	s11 =	smul.u32 $0x2700, s8;
	s8 =	sshll.u32 s8, $0x4  }
0xb: {  	s6 =	sadd.s32 s6, s7;
	s7 =	ssub.s32 s16, s10;
	s8 =	sadd.s32 s8, s4  }
0xc: {  	s24 =	sadd.s32 s1, s21;
	s0 =	sadd.s32 s6, s0;
	s6 =	sadd.s32 s9, s2  }
0xd: {  	s18 =	sshrl.u32 s11, $0x3;
	s15 =	sadd.s32 $0x9C00, s8;
	s16 =	sadd.s32 $0x13840, s8  }
0xe: {  	s1 =	sadd.s32 $0x180, s24;
	s25 =	sadd.s32 $0x4E380, s24;
	s26 =	sadd.s32 $0x4E300, s24  }
0xf: {  	s9 =	sadd.s32 $0x4000, s6;
	s17 =	sadd.s32 $0x8000, s6;
	s19 =	sadd.s32 $0xC000, s6  }
0x10: {  	s20 =	sadd.s32 $0x10000, s6;
	s11 =	sadd.s32 s4, s18;
	[dreg:$0x3] =	wrdreg s9  }
0x11: {  	s18 =	smax.u32 s7, $0x1;
	s1 =	sshrl.u32 s1, $0x3;
	[dreg:$0x4] =	wrdreg s17  }
0x12: {  	s7 =	sshrl.u32 s25, $0x3;
	s8 =	sshrl.u32 s26, $0x3;
	[dreg:$0x5] =	wrdreg s19  }
0x13: {  	s25 =	simm.s32 $0x1C000;
	s26 =	simm.s32 $0x1C100;
	[dreg:$0x6] =	wrdreg s20  }
0x14: {  	s9 =	sadd.s32 $0x9C40, s11;
	s22 =	sadd.s32 $0x10, s11;
	s23 =	sadd.s32 $0x9C50, s11  }
0x15: {  	s17 =	sadd.s32 $0x8EA00, s0;
	s19 =	sadd.s32 s1, s4;
	s20 =	sadd.s32 s7, s4  }
0x16: {  	s21 =	sadd.s32 s8, s4;
	s0 =	simm.s32 $0x4;
	[dreg:$0x7] =	wrdreg s9  }
0x17: {  	s1 =	simm.s32 $0x18000;
	s7 =	simm.s32 $0x1;
	[dreg:$0x8] =	wrdreg s22  }
0x18: {  	s8 =	simm.s32 $0x2;
	[dreg:$0x9] =	wrdreg s23;
	s22 =	sadd.s32 $0x100, s24  }
0x19: {  	v0 =	vimm.f32 $0.0e+00;
	s23 =	simm.s32 $0x14000;
	s24 =	simm.s32 $0x5;
	s9 =	simm.s32 $0x0  }
.LBB2_1:
0x1a: {  	s10 =	simm.s32 $0x0;
	s12 =	simm.s32 $0x200  }
.LBB2_2:
0x1b: {  	p1 =	sne.s32 s12, $0xFE00;
	[tilespmem:s10+$0x14070] =	vst v0  }
0x1c: {  	[tilespmem:s10+$0x14000] =	vst v0  }
0x1d: {  	[tilespmem:s10+$0x14010] =	vst v0  }
.Ltmp0:
0x1e: {  	[tilespmem:s10+$0x14020] =	vst v0;
	(pc) =	sbr.rel @p1 .LBB2_2-.Ltmp0, $4  }
0x1f: {  	[tilespmem:s10+$0x14030] =	vst v0  }
0x20: {  	[tilespmem:s10+$0x14040] =	vst v0  }
0x21: {  	[tilespmem:s10+$0x14050] =	vst v0  }
0x22: {  	[tilespmem:s10+$0x14060] =	vst v0;
	s10 =	sshra.s32 s12, $0x2;
	s12 =	sadd.s32 $0x200, s12  }
0x23: {  	[tilespmem:s10+$0x14070] =	vst v0  }
0x24: {  	[tilespmem:s10+$0x14000] =	vst v0  }
0x25: {  	[tilespmem:s10+$0x14010] =	vst v0  }
0x26: {  	[tilespmem:s10+$0x14020] =	vst v0  }
0x27: {  	[tilespmem:s10+$0x14030] =	vst v0  }
0x28: {  	[tilespmem:s10+$0x14040] =	vst v0  }
0x29: {  	[tilespmem:s10+$0x14050] =	vst v0  }
0x2a: {  	[tilespmem:s10+$0x14060] =	vst v0  }
0x2b: {  	[spmem:s6] =	stream.linear.scatter [tilespmem:s23], [sflag:$0x5], $0x4000, $0x38;
	[tilespmem:$0x1C200] =	vst v63  }
0x2c: {  	_ =	swait.ge [sflag:s24], $0x4000  }
0x2d: {  	[sflag:s24] =	ssyncset.done $0x0  }
0x2e: {  	s13 =	rddreg [dreg:$0x3];
	[sflag:s24] =	ssyncadd.s32 $0xFFFFC000  }
0x2f: {  	[spmem:s13] =	stream.linear.scatter [tilespmem:s23], [sflag:$0x5], $0x4000, $0x38;
	[tilespmem:$0x1C200] =	vst v63  }
0x30: {  	_ =	swait.ge [sflag:s24], $0x4000  }
0x31: {  	[sflag:s24] =	ssyncset.done $0x0  }
0x32: {  	s14 =	rddreg [dreg:$0x4];
	[sflag:s24] =	ssyncadd.s32 $0xFFFFC000  }
0x33: {  	[spmem:s14] =	stream.linear.scatter [tilespmem:s23], [sflag:$0x5], $0x4000, $0x38;
	[tilespmem:$0x1C200] =	vst v63  }
0x34: {  	_ =	swait.ge [sflag:s24], $0x4000  }
0x35: {  	[sflag:s24] =	ssyncset.done $0x0  }
0x36: {  	s12 =	rddreg [dreg:$0x5];
	[sflag:s24] =	ssyncadd.s32 $0xFFFFC000  }
0x37: {  	[spmem:s12] =	stream.linear.scatter [tilespmem:s23], [sflag:$0x5], $0x4000, $0x38;
	[tilespmem:$0x1C200] =	vst v63  }
0x38: {  	_ =	swait.ge [sflag:s24], $0x4000  }
0x39: {  	[sflag:s24] =	ssyncset.done $0x0  }
0x3a: {  	s13 =	rddreg [dreg:$0x6];
	[sflag:s24] =	ssyncadd.s32 $0xFFFFC000  }
0x3b: {  	[spmem:s13] =	stream.linear.scatter [tilespmem:s23], [sflag:$0x5], $0x4000, $0x38;
	[tilespmem:$0x1C200] =	vst v63  }
0x3c: {  	_ =	swait.ge [sflag:s24], $0x4000  }
0x3d: {  	[sflag:s24] =	ssyncset.done $0x0  }
0x3e: {  	s10 =	simm.s32 $0x0;
	[sflag:s24] =	ssyncadd.s32 $0xFFFFC000  }
0x3f: {  	[tilespmem:s25], [sflag:$0x3] =	stream.linear.gather [hbm4b:s11+s10], $0x80, $0x38;
	[tilespmem:$0x1C200] =	vst v63  }
0x40: {  	s12 =	rddreg [dreg:$0x7]  }
0x41: {  	[tilespmem:s26], [sflag:$0x3] =	stream.linear.gather [hbm4b:s12+s10], $0x80, $0x38;
	[tilespmem:$0x1C200] =	vst v63  }
0x42: {  	s14 =	rddreg [dreg:$0x8]  }
0x43: {  	[tilespmem:s28], [sflag:$0x4] =	stream.linear.gather [hbm4b:s14+s10], $0x80, $0x38;
	[tilespmem:$0x1C200] =	vst v63  }
0x44: {  	s13 =	rddreg [dreg:$0x9]  }
0x45: {  	[tilespmem:s29], [sflag:$0x4] =	stream.linear.gather [hbm4b:s13+s10], $0x80, $0x38;
	[tilespmem:$0x1C200] =	vst v63  }
0x46: {  	_ =	swait.ge [sflag:s30], $0x80  }
0x47: {  	[sflag:s30] =	ssyncset.done $0x0  }
0x48: {  	[sflag:s30] =	ssyncadd.s32 $0xFFFFFF80  }
0x49: {  	_ =	swait.ge [sflag:s30], $0x80  }
0x4a: {  	[sflag:s30] =	ssyncset.done $0x0  }
0x4b: {  	[sflag:s30] =	ssyncadd.s32 $0xFFFFFF80  }
0x4c: {  	[tilespmem:s23], [sflag:$0x1] =	stream.indirect.gather [hbm4b:s5+s31], $0x80, s25, s31, $0xb8;
	[tilespmem:$0x1C200] =	vst v63  }
0x4d: {  	_ =	swait.ge [sflag:s0], $0x80  }
0x4e: {  	[sflag:s0] =	ssyncset.done $0x0  }
0x4f: {  	[sflag:s0] =	ssyncadd.s32 $0xFFFFFF80  }
0x50: {  	_ =	swait.ge [sflag:s0], $0x80  }
0x51: {  	[sflag:s0] =	ssyncset.done $0x0  }
0x52: {  	[sflag:s0] =	ssyncadd.s32 $0xFFFFFF80  }
0x53: {  	[tilespmem:s1], [sflag:$0x2] =	stream.indirect.gather [hbm4b:s5+s31], $0x80, s28, s31, $0xb8;
	[tilespmem:$0x1C200] =	vst v63  }
0x54: {  	[bflag:$0x0] =	sbarrier.arrive $0xFFFF  }
0x55: {  	_ =	swait.ge [sflag:s7], $0x4000  }
0x56: {  	s14 =	sshrl.u32 s22, $0x3;
	[sflag:s7] =	ssyncset.done $0x0  }
0x57: {  	s10 =	sadd.s32 s4, s14;
	[sflag:s7] =	ssyncadd.s32 $0xFFFFC000  }
0x58: {  	[tilespmem:s25], [sflag:$0x3] =	stream.linear.gather [hbm4b:s10+s3], $0x80, $0x38;
	[tilespmem:$0x1C200] =	vst v63  }
0x59: {  	s12 =	sadd.s32 $0x0, s21  }
0x5a: {  	[tilespmem:s26], [sflag:$0x3] =	stream.linear.gather [hbm4b:s12+s3], $0x80, $0x38;
	[tilespmem:$0x1C200] =	vst v63  }
0x5b: {  	_ = 	snop  }
0x5c: {  	[spmem:s2] =	stream.indirect.scatter.add.f32 [tilespmem:s23], [sflag:$0x5], $0x80, s26, s31, $0xb8;
	[tilespmem:$0x1C200] =	vst v63  }
0x5d: {  	_ =	swait.ge [sflag:s24], $0x4000  }
0x5e: {  	[sflag:s24] =	ssyncset.done $0x0  }
0x5f: {  	[sflag:s24] =	ssyncadd.s32 $0xFFFFC000  }
0x60: {  	_ =	swait.ge [sflag:s8], $0x4000  }
0x61: {  	[sflag:s8] =	ssyncset.done $0x0  }
0x62: {  	s13 =	sadd.s32 $0x0, s19;
	[sflag:s8] =	ssyncadd.s32 $0xFFFFC000  }
0x63: {  	[tilespmem:s28], [sflag:$0x4] =	stream.linear.gather [hbm4b:s13+s3], $0x80, $0x38;
	[tilespmem:$0x1C200] =	vst v63  }
0x64: {  	s14 =	sadd.s32 $0x0, s20  }
0x65: {  	[tilespmem:s29], [sflag:$0x4] =	stream.linear.gather [hbm4b:s14+s3], $0x80, $0x38;
	[tilespmem:$0x1C200] =	vst v63  }
0x66: {  	_ =	swait.ge [sflag:s30], $0x80  }
0x67: {  	[sflag:s30] =	ssyncset.done $0x0  }
0x68: {  	[sflag:s30] =	ssyncadd.s32 $0xFFFFFF80  }
0x69: {  	_ =	swait.ge [sflag:s30], $0x80  }
0x6a: {  	[sflag:s30] =	ssyncset.done $0x0  }
0x6b: {  	[sflag:s30] =	ssyncadd.s32 $0xFFFFFF80  }
0x6c: {  	[tilespmem:s23], [sflag:$0x1] =	stream.indirect.gather [hbm4b:s5+s31], $0x80, s25, s31, $0xb8;
	[tilespmem:$0x1C200] =	vst v63  }
0x6d: {  	_ = 	snop  }
0x6e: {  	[spmem:s2] =	stream.indirect.scatter.add.f32 [tilespmem:s1], [sflag:$0x5], $0x80, s29, s31, $0xb8;
	[tilespmem:$0x1C200] =	vst v63  }
0x6f: {  	_ =	swait.ge [sflag:s24], $0x4000  }
0x70: {  	[sflag:s24] =	ssyncset.done $0x0  }
0x71: {  	[sflag:s24] =	ssyncadd.s32 $0xFFFFC000  }
0x72: {  	_ =	swait.ge [sflag:s0], $0x80  }
0x73: {  	[sflag:s0] =	ssyncset.done $0x0  }
0x74: {  	[sflag:s0] =	ssyncadd.s32 $0xFFFFFF80  }
0x75: {  	_ =	swait.ge [sflag:s0], $0x80  }
0x76: {  	[sflag:s0] =	ssyncset.done $0x0  }
0x77: {  	s10 =	simm.s32 $0x20;
	s12 =	sadd.s32 $0x100, s22;
	[sflag:s0] =	ssyncadd.s32 $0xFFFFFF80  }
.LBB2_4:
0x78: {  	[tilespmem:s1], [sflag:$0x2] =	stream.indirect.gather [hbm4b:s5+s31], $0x80, s28, s31, $0xb8;
	[tilespmem:$0x1C200] =	vst v63  }
0x79: {  	s13 =	smov.u32 s10  }
0x7a: {  	p1 =	sne.s32 s10, $0x4A0;
	s10 =	sadd.s32 $0x20, s10;
	_ =	swait.ge [sflag:s7], $0x4000  }
0x7b: {  	s14 =	sshrl.u32 s12, $0x3;
	[sflag:s7] =	ssyncset.done $0x0  }
0x7c: {  	s14 =	sadd.s32 s4, s14;
	[sflag:s7] =	ssyncadd.s32 $0xFFFFC000  }
0x7d: {  	[tilespmem:s25], [sflag:$0x3] =	stream.linear.gather [hbm4b:s14+s3], $0x80, $0x38;
	[tilespmem:$0x1C200] =	vst v63  }
0x7e: {  	s14 =	sadd.s32 s13, s21  }
0x7f: {  	[tilespmem:s26], [sflag:$0x3] =	stream.linear.gather [hbm4b:s14+s3], $0x80, $0x38;
	[tilespmem:$0x1C200] =	vst v63  }
0x80: {  	_ = 	snop  }
0x81: {  	[spmem:s2] =	stream.indirect.scatter.add.f32 [tilespmem:s23], [sflag:$0x5], $0x80, s26, s31, $0xb8;
	[tilespmem:$0x1C200] =	vst v63  }
0x82: {  	_ =	swait.ge [sflag:s24], $0x4000  }
0x83: {  	[sflag:s24] =	ssyncset.done $0x0  }
0x84: {  	[sflag:s24] =	ssyncadd.s32 $0xFFFFC000  }
0x85: {  	_ =	swait.ge [sflag:s8], $0x4000  }
0x86: {  	[sflag:s8] =	ssyncset.done $0x0  }
0x87: {  	s14 =	sadd.s32 s13, s19;
	[sflag:s8] =	ssyncadd.s32 $0xFFFFC000  }
0x88: {  	[tilespmem:s28], [sflag:$0x4] =	stream.linear.gather [hbm4b:s14+s3], $0x80, $0x38;
	[tilespmem:$0x1C200] =	vst v63  }
0x89: {  	s13 =	sadd.s32 s13, s20  }
0x8a: {  	[tilespmem:s29], [sflag:$0x4] =	stream.linear.gather [hbm4b:s13+s3], $0x80, $0x38;
	[tilespmem:$0x1C200] =	vst v63  }
0x8b: {  	_ =	swait.ge [sflag:s30], $0x80  }
0x8c: {  	[sflag:s30] =	ssyncset.done $0x0  }
0x8d: {  	[sflag:s30] =	ssyncadd.s32 $0xFFFFFF80  }
0x8e: {  	_ =	swait.ge [sflag:s30], $0x80  }
0x8f: {  	[sflag:s30] =	ssyncset.done $0x0  }
0x90: {  	[sflag:s30] =	ssyncadd.s32 $0xFFFFFF80  }
0x91: {  	[tilespmem:s23], [sflag:$0x1] =	stream.indirect.gather [hbm4b:s5+s31], $0x80, s25, s31, $0xb8;
	[tilespmem:$0x1C200] =	vst v63  }
0x92: {  	_ = 	snop  }
0x93: {  	[spmem:s2] =	stream.indirect.scatter.add.f32 [tilespmem:s1], [sflag:$0x5], $0x80, s29, s31, $0xb8;
	[tilespmem:$0x1C200] =	vst v63  }
0x94: {  	_ =	swait.ge [sflag:s24], $0x4000  }
0x95: {  	[sflag:s24] =	ssyncset.done $0x0  }
0x96: {  	[sflag:s24] =	ssyncadd.s32 $0xFFFFC000  }
0x97: {  	_ =	swait.ge [sflag:s0], $0x80  }
.Ltmp1:
0x98: {  	[sflag:s0] =	ssyncset.done $0x0;
	(pc) =	sbr.rel @p1 .LBB2_4-.Ltmp1, $4  }
0x99: {  	[sflag:s0] =	ssyncadd.s32 $0xFFFFFF80  }
0x9a: {  	_ =	swait.ge [sflag:s0], $0x80  }
0x9b: {  	[sflag:s0] =	ssyncset.done $0x0  }
0x9c: {  	s12 =	sadd.s32 $0x100, s12;
	[sflag:s0] =	ssyncadd.s32 $0xFFFFFF80  }
0x9d: {  	[tilespmem:s1], [sflag:$0x2] =	stream.indirect.gather [hbm4b:s5+s31], $0x80, s28, s31, $0xb8;
	[tilespmem:$0x1C200] =	vst v63  }
0x9e: {  	_ =	swait.ge [sflag:s7], $0x4000  }
0x9f: {  	[sflag:s7] =	ssyncset.done $0x0  }
0xa0: {  	[sflag:s7] =	ssyncadd.s32 $0xFFFFC000  }
0xa1: {  	[spmem:s2] =	stream.indirect.scatter.add.f32 [tilespmem:s23], [sflag:$0x5], $0x80, s26, s31, $0xb8;
	[tilespmem:$0x1C200] =	vst v63  }
0xa2: {  	_ =	swait.ge [sflag:s24], $0x4000  }
0xa3: {  	[sflag:s24] =	ssyncset.done $0x0  }
0xa4: {  	[sflag:s24] =	ssyncadd.s32 $0xFFFFC000  }
0xa5: {  	_ =	swait.ge [sflag:s8], $0x4000  }
0xa6: {  	[sflag:s8] =	ssyncset.done $0x0  }
0xa7: {  	[sflag:s8] =	ssyncadd.s32 $0xFFFFC000  }
0xa8: {  	[spmem:s2] =	stream.indirect.scatter.add.f32 [tilespmem:s1], [sflag:$0x5], $0x80, s29, s31, $0xb8;
	[tilespmem:$0x1C200] =	vst v63  }
0xa9: {  	_ =	swait.ge [sflag:s24], $0x4000  }
0xaa: {  	[sflag:s24] =	ssyncset.done $0x0  }
0xab: {  	s10 =	simm.s32 @!p0 $0x0;
	s12 =	simm.s32 @!p0 $0x1C000;
	[sflag:s24] =	ssyncadd.s32 $0xFFFFC000  }
0xac: {  	[tilespmem:s12], [sflag:$0x3] =	stream.linear.gather @!p0 [hbm4b:s15+s10], $0x80, $0x38;
	[tilespmem:$0x1C200] =	vst v63  }
0xad: {  	s13 =	simm.s32 @!p0 $0x1C100  }
0xae: {  	[tilespmem:s13], [sflag:$0x3] =	stream.linear.gather @!p0 [hbm4b:s16+s10], $0x80, $0x38;
	[tilespmem:$0x1C200] =	vst v63  }
0xaf: {  	s10 =	simm.s32 @!p0 $0x3  }
0xb0: {  	_ =	swait.ge @!p0 [sflag:s10], $0x80  }
0xb1: {  	[sflag:s10] =	ssyncset.done @!p0 $0x0  }
0xb2: {  	[sflag:s10] =	ssyncadd.s32 @!p0 $0xFFFFFF80  }
0xb3: {  	_ =	swait.ge @!p0 [sflag:s10], $0x80  }
0xb4: {  	[sflag:s10] =	ssyncset.done @!p0 $0x0  }
0xb5: {  	s14 =	simm.s32 @!p0 $0x14000;
	[sflag:s10] =	ssyncadd.s32 @!p0 $0xFFFFFF80;
	s10 =	simm.s32 @!p0 $0x80  }
0xb6: {  	[tilespmem:s14], [sflag:$0x1] =	stream.indirect.gather @!p0 [hbm4b:s5+s10], $0x80, s12, s10, $0xb8;
	[tilespmem:$0x1C200] =	vst v63  }
0xb7: {  	s12 =	simm.s32 @!p0 $0x1  }
0xb8: {  	_ =	swait.ge @!p0 [sflag:s12], $0x4000  }
0xb9: {  	[sflag:s12] =	ssyncset.done @!p0 $0x0  }
0xba: {  	[sflag:s12] =	ssyncadd.s32 @!p0 $0xFFFFC000  }
0xbb: {  	[spmem:s2] =	stream.indirect.scatter.add.f32 @!p0 [tilespmem:s14], [sflag:$0x5], $0x80, s13, s10, $0xb8;
	[tilespmem:$0x1C200] =	vst v63  }
0xbc: {  	s10 =	simm.s32 @!p0 $0x5  }
0xbd: {  	s9 =	sadd.s32 $0x1, s9;
	_ =	swait.ge @!p0 [sflag:s10], $0x4000  }
0xbe: {  	p1 =	sne.s32 s9, s18;
	s13 =	stileid.u32;
	[sflag:s10] =	ssyncset.done @!p0 $0x0  }
0xbf: {  	s14 =	sshrl.u32 s6, $0x3;
	[sflag:s10] =	ssyncadd.s32 @!p0 $0xFFFFC000;
	s10 =	sshll.u32 s13, $0x6  }
.Ltmp2:
0xc0: {  	[bflag:$0x0] =	sbarrier.arrive $0xFFFF;
	s10 =	sor.u32 $0x1C05, s10;
	(pc) =	sbr.rel @p1 .LBB2_1-.Ltmp2, $4  }
0xc1: {  	[hbm:s17], [sflag:s10] =	dma.local [spmem:s14], $0x2800  }
0xc2: {  	_ =	swait.ge [sflag:s24], $0x2800  }
0xc3: {  	[sflag:s24] =	ssyncset.done $0x0  }
0xc4: {  	[sflag:s24] =	ssyncadd.s32 $0xFFFFD800  }
0xc5: {  	_ =	sfence.sel $0x180000  }
0xc6: {  	[bflag:$0x0] =	sbarrier.arrive $0xFFFF  }
0xc7: {  	_ =	strace $0x9000004D  }
0xc8: {  	s0 =	stileid.u32;
	[bflag:$0x2] =	sbarrier.arrive $0xFFFF  }
0xc9: {  	p0 =	sne.s32 s0, $0x0;
	s0 =	rddreg [dreg:$0x2]  }
0xca: {  	s0 =	sadd.s32 @!p0 $0x100000, s0  }
0xcb: {  	[sflag:s0] =	ssyncadd.tile.s32 @!p0 $0x1;
	_ =	shalt  }
.Lfunc_end2:
_tile_overlayer_lowered:
.L_overlay_start_2:
0xcc: {  	(tag) =	ssettag $0x2  }
0xcd: {  	s0 =	rddreg [dreg:$0x0];
	s2 =	stileid.u32  }
0xce: {  	s1 =	rddreg [dreg:$0x1];
	p0 =	sne.s32 s2, $0x0  }
0xcf: {  	s3 =	rddreg [dreg:$0x2];
	[bflag:$0x3] =	sbarrier.arrive $0xFFFF;
	s2 =	simm.s32 @!p0 $0x1C05  }
0xd0: {  	[timem:s3], [sflag:s2] =	dma.local @!p0 [hbm:s0], s1  }
0xd1: {  	s0 =	simm.s32 @!p0 $0x5  }
0xd2: {  	_ =	swait.ge @!p0 [sflag:s0], s1  }
0xd3: {  	s1 =	ssub.s32 @!p0 $0x0, s1;
	[sflag:s0] =	ssyncset.done @!p0 $0x0  }
0xd4: {  	[sflag:s0] =	ssyncadd.s32 @!p0 s1  }
0xd5: {  	[bflag:$0x3] =	sbarrier.arrive $0xFFFF  }
0xd6: {  	_ =	shalt  }

// kernel: kernel.13.cloned.1.call-start
scs
__scs_entry_jumppad:
0x0: {  	(pc) =	sbr.rel $0x88, $3  }
0x1: {  	(tag) =	ssettag $0x0;
	lr =	simm.s32 $0x1  }
0x2: {  	[smem:$0x3F98] =	sst lr;
	_ =	strace $0xD0000000  }
0x3: {  	_ = 	snop  }
0x4: {  	_ = 	snop  }
0x5: {  	_ = 	snop  }
0x6: {  	_ = 	snop  }
0x7: {  	_ = 	snop  }
__scs_overlays_trampoline_lowered:
0x8: {  	[smem:$0x3FA7] =	sst s0  }
0x9: {  	[smem:$0x3FA8] =	sst s1  }
0xa: {  	[smem:$0x3FA9] =	sst s2  }
0xb: {  	[smem:$0x3FAA] =	sst s3  }
0xc: {  	[smem:$0x3FAB] =	sst s4  }
0xd: {  	[smem:$0x3FAC] =	sst s5  }
0xe: {  	[smem:$0x3FAD] =	sst s6  }
0xf: {  	[smem:$0x3FAE] =	sst s7  }
0x10: {  	[smem:$0x3FAF] =	sst s8  }
0x11: {  	[smem:$0x3FB0] =	sst s9;
	s0 =	simm.s32 @!p0 $0x0  }
0x12: {  	s1 =	sld [smem:$0x3F96];
	s0 =	simm.s32 @p0 $0x1  }
0x13: {  	[smem:$0x3FB1] =	sst s0;
	s0 =	simm.s32 @!p1 $0x0  }
0x14: {  	s2 =	sld [smem:$0x3F95];
	s0 =	simm.s32 @p1 $0x1  }
0x15: {  	[smem:$0x3FB2] =	sst s0;
	s0 =	simm.s32 @!p2 $0x0  }
0x16: {  	s3 =	sld [smem:$0x3FDB];
	s0 =	simm.s32 @p2 $0x1  }
0x17: {  	s4 =	simm.s32 $0x1BF5;
	[smem:$0x3FB4] =	sst s0  }
0x18: {  	s0 =	sld [smem:$0x3F97];
	_ =	swait.ge [sflag:s4], $0x0  }
0x19: {  	s7 =	sld [smem:$0x3F98]  }
0x1a: {  	s8 =	sadd.s32 $0xFFFFE003, lr  }
0x1b: {  	s9 =	sadd.s32 $0xFFFFFEF7, lr;
	s5 =	simm.s32 $0xFFFFFFFF;
	p2 =	slt.u32 s8, $0xFFFFF086  }
0x1c: {  	p1 =	slt.u32 s9, $0xF7A;
	s5 =	simm.s32 @!p2 $0x0  }
0x1d: {  	s5 =	simm.s32 @p1 $0x1;
	p0 =	seq.s32 s7, s2  }
0x1e: {  	s7 =	smul.u32 @!p0 $0xF7A, s2;
	p2 =	seq.s32 @!p0 s5, $0x0  }
0x1f: {  	s9 =	smul.u32 $0xF7A, s1;
	s8 =	simm.s32 @!p0 $0x1BF5;
	p2 =	por !p2, p0  }
0x20: {  	[sflag:s8] =	ssyncset.s32 @!p0 $0xFFFFF086;
	s6 =	sadd.s32 @!p0 s3, s7;
	s7 =	simm.s32 @!p0 $0x108  }
0x21: {  	s3 =	sadd.s32 s3, s9;
	s6 =	sadd.s32 @!p0 $0x88, s6;
	s7 =	simm.s32 @p2 $0x1082  }
0x22: {  	[simem:s7], [sflag:s8] =	dma.local @!p0 [hbm:s6], $0xF7A  }
0x23: {  	s9 =	sor.u32 $0xD0000000, s2;
	s6 =	simm.s32 $0x108;
	_ =	swait.ge @!p0 [sflag:s8], $0x0  }
0x24: {  	s3 =	sadd.s32 $0x88, s3;
	s6 =	simm.s32 @!p1 $0x1082;
	[sflag:s4] =	ssyncset.s32 $0xFFFFF086  }
0x25: {  	[simem:s6], [sflag:s4] =	dma.local [hbm:s3], $0xF7A  }
0x26: {  	[smem:$0x3F98] =	sst s1;
	(tag) =	ssettag s2;
	_ =	strace s9  }
0x27: {  	s1 =	sld [smem:$0x3FA8]  }
0x28: {  	s2 =	sld [smem:$0x3FA9]  }
0x29: {  	s4 =	sld [smem:$0x3FAB]  }
0x2a: {  	p0 =	seq.s32 s5, $0x0;
	s5 =	sld [smem:$0x3FAC]  }
0x2b: {  	s6 =	sld [smem:$0x3FAD]  }
0x2c: {  	s7 =	sld [smem:$0x3FAE]  }
0x2d: {  	s3 =	simm.s32 $0x108;
	s8 =	sld [smem:$0x3FAF]  }
0x2e: {  	s3 =	simm.s32 @!p0 $0x1082;
	s9 =	sld [smem:$0x3FB0]  }
0x2f: {  	lr =	sadd.s32 s0, s3;
	s0 =	sld [smem:$0x3FA7]  }
0x30: {  	s3 =	sld [smem:$0x3FAA]  }
0x31: {  	[smem:$0x3FB3] =	sst s10  }
0x32: {  	s10 =	sld [smem:$0x3FB1];
	_ =	sdelay $0x3  }
0x33: {  	p0 =	seq.s32 s10, $0x1;
	s10 =	sld [smem:$0x3FB3];
	_ =	sdelay $0x3  }
0x34: {  	[smem:$0x3FB3] =	sst s10  }
0x35: {  	s10 =	sld [smem:$0x3FB2];
	_ =	sdelay $0x3  }
0x36: {  	p1 =	seq.s32 s10, $0x1;
	s10 =	sld [smem:$0x3FB3];
	_ =	sdelay $0x3  }
0x37: {  	[smem:$0x3FB3] =	sst s10  }
0x38: {  	s10 =	sld [smem:$0x3FB4]  }
0x39: {  	_ = 	snop;
	(pc) =	sbr.ind lr, $3  }
0x3a: {  	_ = 	snop  }
0x3b: {  	_ = 	snop  }
0x3c: {  	p2 =	seq.s32 s10, $0x1;
	s10 =	sld [smem:$0x3FB3]  }
0x3d: {  	_ =	shalt  }
0x3e: {  	_ =	shalt  }
0x3f: {  	_ =	shalt  }
0x40: {  	_ =	shalt  }
0x41: {  	_ =	shalt  }
0x42: {  	_ =	shalt  }
0x43: {  	_ =	shalt  }
0x44: {  	_ =	shalt  }
0x45: {  	_ =	shalt  }
0x46: {  	_ =	shalt  }
0x47: {  	_ =	shalt  }
0x48: {  	_ =	shalt  }
0x49: {  	_ =	shalt  }
0x4a: {  	_ =	shalt  }
0x4b: {  	_ =	shalt  }
0x4c: {  	_ =	shalt  }
0x4d: {  	_ =	shalt  }
0x4e: {  	_ =	shalt  }
0x4f: {  	_ =	shalt  }
0x50: {  	_ =	shalt  }
0x51: {  	_ =	shalt  }
0x52: {  	_ =	shalt  }
0x53: {  	_ =	shalt  }
0x54: {  	_ =	shalt  }
0x55: {  	_ =	shalt  }
0x56: {  	_ =	shalt  }
0x57: {  	_ =	shalt  }
0x58: {  	_ =	shalt  }
0x59: {  	_ =	shalt  }
0x5a: {  	_ =	shalt  }
0x5b: {  	_ =	shalt  }
0x5c: {  	_ =	shalt  }
0x5d: {  	_ =	shalt  }
0x5e: {  	_ =	shalt  }
0x5f: {  	_ =	shalt  }
0x60: {  	_ =	shalt  }
0x61: {  	_ =	shalt  }
0x62: {  	_ =	shalt  }
0x63: {  	_ =	shalt  }
0x64: {  	_ =	shalt  }
0x65: {  	_ =	shalt  }
0x66: {  	_ =	shalt  }
0x67: {  	_ =	shalt  }
0x68: {  	_ =	shalt  }
0x69: {  	_ =	shalt  }
0x6a: {  	_ =	shalt  }
0x6b: {  	_ =	shalt  }
0x6c: {  	_ =	shalt  }
0x6d: {  	_ =	shalt  }
0x6e: {  	_ =	shalt  }
0x6f: {  	_ =	shalt  }
0x70: {  	_ =	shalt  }
0x71: {  	_ =	shalt  }
0x72: {  	_ =	shalt  }
0x73: {  	_ =	shalt  }
0x74: {  	_ =	shalt  }
0x75: {  	_ =	shalt  }
0x76: {  	_ =	shalt  }
0x77: {  	_ =	shalt  }
0x78: {  	_ =	shalt  }
0x79: {  	_ =	shalt  }
0x7a: {  	_ =	shalt  }
0x7b: {  	_ =	shalt  }
0x7c: {  	_ =	shalt  }
0x7d: {  	_ =	shalt  }
0x7e: {  	_ =	shalt  }
0x7f: {  	_ =	shalt  }
0x80: {  	_ =	shalt  }
0x81: {  	_ =	shalt  }
0x82: {  	_ =	shalt  }
0x83: {  	_ =	shalt  }
0x84: {  	_ =	shalt  }
0x85: {  	_ =	shalt  }
0x86: {  	_ =	shalt  }
0x87: {  	_ =	shalt  }
.Lfunc_end0:
.L_simem_size_0:
called_computation.2_lowered:
.L_overlay_start_0:
0x88: {  	s2 =	sld [smem:$0x3FD9]  }
0x89: {  	s3 =	sld [smem:$0x3FFE];
	_ =	sdelay $0x1  }
0x8a: {  	s1 =	srdreg.scid  }
0x8b: {  	s0 =	sand.u32 $0x1, s1  }
0x8c: {  	s17 =	sshll.u32 s0, $0xA;
	s2 =	sadd.s32 s3, s2  }
0x8d: {  	s2 =	sadd.s32 s2, s17  }
0x8e: {  	[smem:$0x3FBF] =	sst s2  }
0x8f: {  	_ = 	snop  }
0x90: {  	s2 =	sld [smem:$0x3FC7];
	(tm) =	ssettm $0x1  }
0x91: {  	s18 =	sld [smem:$0x3FFB];
	_ =	sdelay $0x3  }
0x92: {  	_ =	strace s18  }
0x93: {  	s3 =	sld [smem:$0x3FFC];
	_ =	sdelay $0x3  }
0x94: {  	_ =	strace s3  }
0x95: {  	s3 =	sld [smem:$0x3FFD];
	_ =	sdelay $0x3  }
0x96: {  	_ =	strace s3  }
0x97: {  	_ =	strace $0x8FFFFFFF  }
0x98: {  	s19 =	sld [smem:$0x3FDB];
	_ =	sdelay $0x1  }
0x99: {  	s4 =	simm.s32 $_scs_section_size  }
0x9a: {  	s5 =	simm.s32 $_size__tile_overlayer_lowered;
	s6 =	simm.s32 $_tile_overlayer_lowered  }
0x9b: {  	s22 =	simm.s32 $0x1BFF;
	s21 =	sshll.u32 s6, $0x1;
	s3 =	sadd.s32 s4, s19  }
0x9c: {  	s7 =	simm.s32 $0x0;
	s20 =	sshll.u32 s5, $0x1;
	s5 =	sadd.s32 s21, s3  }
0x9d: {  	[timem:s7], [sflag:s22] =	dma.local [hbm:s5], s20  }
0x9e: {  	_ =	swait.ge [sflag:s22], s20  }
0x9f: {  	s4 =	ssub.s32 $0x0, s20;
	[sflag:s22] =	ssyncset.done $0x0  }
0xa0: {  	[sflag:s22] =	ssyncadd.s32 s4;
	_ =	sdelay $0x1  }
0xa1: {  	s23 =	simm.s32 $0x1B8B  }
0xa2: {  	_ =	swait.ge [sflag:s23], $0x1  }
0xa3: {  	[sflag:s23] =	ssyncset.done $0x0  }
0xa4: {  	s25 =	simm.s32 $0x1B8E;
	s24 =	sld [smem:$0x3FFE];
	[sflag:s23] =	ssyncadd.s32 $0xFFFFFFFF  }
0xa5: {  	s26 =	simm.s32 $execute0_lowered;
	[smem:$0x3FD2] =	sst s25  }
0xa6: {  	s5 =	sshll.u32 s26, $0x1;
	_ =	strace $0x80000049;
	[dreg:$0x1] =	wrdreg $0xFFFFFFFF  }
0xa7: {  	s28 =	simm.s32 $_size_execute0_lowered;
	s3 =	sadd.s32 s3, s5;
	[dreg:$0x0] =	wrdreg $0x0  }
0xa8: {  	s5 =	sshll.u32 s28, $0x1;
	[dreg:$0x2] =	wrdreg s3  }
0xa9: {  	[dreg:$0x3] =	wrdreg s5  }
0xaa: {  	[dreg:$0x4] =	wrdreg $0xC0  }
0xab: {  	_ =	task [dreg:s7], $0x5FFFF  }
0xac: {  	[dreg:$0x1] =	wrdreg $0xFFFFFFFF  }
0xad: {  	[dreg:$0x0] =	wrdreg $0x60  }
0xae: {  	[dreg:$0x2] =	wrdreg s24  }
0xaf: {  	[dreg:$0x3] =	wrdreg s2  }
0xb0: {  	[dreg:$0x4] =	wrdreg $0x0  }
0xb1: {  	[dreg:$0x5] =	wrdreg $0xA  }
0xb2: {  	_ =	task.clear_ibuf [dreg:s7], $0x6FFFF;
	_ =	strace $0x90000049  }
0xb3: {  	s29 =	simm.s32 $0xA;
	_ =	strace $0x8000004B  }
0xb4: {  	_ =	swait.ge [sflag:s29], $0x1  }
0xb5: {  	[sflag:s29] =	ssyncadd.s32 $0xFFFFFFFF  }
0xb6: {  	_ =	strace $0x9000004B  }
0xb7: {  	_ =	sfence  }
0xb8: {  	s30 =	sld [smem:$0x0];
	_ =	sdelay $0x2  }
0xb9: {  	s31 =	sshll.u32 s1, $0xD;
	s1 =	sshrl.u32 s1, $0x2  }
0xba: {  	s3 =	sand.u32 $0x4000, s31;
	s1 =	sadd.s32 s1, s30  }
0xbb: {  	s0 =	sor.u32 s3, s0;
	s1 =	sshll.u32 s1, $0x11  }
0xbc: {  	s0 =	sor.u32 s1, s0  }
0xbd: {  	s0 =	sadd.s32 $0x8F2B, s0  }
0xbe: {  	[sflag:s0] =	ssyncadd.remote.s32 $0x1  }
0xbf: {  	_ =	sfence.sel $0xFFFF  }
0xc0: {  	[dreg:$0x0] =	wrdreg $0xFFFFFFFF;
	(pc) =	sbr.abs _section_cstart, $3  }
0xc1: {  	[dreg:$0x1] =	wrdreg $0xFFFFFFFF  }
0xc2: {  	_ =	task.clear_ibuf [dreg:s7], $0x2FFFF;
	_ =	strace $0x9FFFFFFF  }
0xc3: {  	(tm) =	ssettm $0x7FFFFFFF  }
tec
execute0_lowered:
.L_overlay_start_1:
0x0: {  	(tag) =	ssettag $0x1  }
0x1: {  	s0 =	rddreg [dreg:$0x0]  }
0x2: {  	s3 =	rddreg [dreg:$0x2];
	s1 =	srdreg.scid  }
0x3: {  	s26 =	stileid.u32;
	s4 =	simm.s32 $0x0;
	s28 =	simm.s32 $0x80  }
0x4: {  	s29 =	simm.s32 $0x1B000;
	s30 =	simm.s32 $0x1B100;
	s31 =	simm.s32 $0x1B080  }
0x5: {  	s1 =	sand.u32 $0x1, s1;
	s2 =	smul.u32 $0x14000, s26;
	[smem:$0x7FF] =	sst s4  }
0x6: {  	s16 =	sadd.s32 $0x2A00, s0;
	s7 =	sadd.s32 $0x3E400, s0;
	s23 =	sshll.u32 s26, $0x5  }
0x7: {  	s17 =	smul.u32 $0x9C0, s26;
	p0 =	sgt.u32 s26, $0x1;
	s26 =	simm.s32 $0x1AF80  }
0x8: {  	s5 =	smul.u32 $0x140000, s1;
	_ =	strace $0x8000004A;
	s6 =	ssub.s32 $0x2, s1  }
0x9: {  	[dreg:$0x4] =	wrdreg s7;
	s15 =	sshll.u32 s1, $0x4;
	s1 =	smul.u32 $0x4E0, s1  }
0xa: {  	s21 =	sshrl.u32 s6, $0x1;
	s25 =	sadd.s32 s17, s16;
	s17 =	simm.s32 $0x0  }
0xb: {  	s5 =	sadd.s32 s2, s5;
	s22 =	ssub.s32 s6, s21;
	s6 =	sadd.s32 s2, s3  }
0xc: {  	s20 =	sadd.s32 s1, s25;
	s21 =	simm.s32 $0x18F00;
	s25 =	simm.s32 $0x1AF00  }
0xd: {  	s5 =	sshrl.u32 s5, $0x3;
	s2 =	sadd.s32 $0x2000, s6;
	s8 =	sadd.s32 $0x4000, s6  }
0xe: {  	s9 =	sadd.s32 $0x6000, s6;
	s10 =	sadd.s32 $0x8000, s6;
	s11 =	sadd.s32 $0xA000, s6  }
0xf: {  	s12 =	sadd.s32 $0xC000, s6;
	s13 =	sadd.s32 $0xE000, s6;
	s14 =	sadd.s32 $0x10000, s6  }
0x10: {  	s19 =	smax.u32 s22, $0x1;
	s22 =	simm.s32 $0x3;
	s0 =	sadd.s32 s5, s0  }
.Ltmp0:
0x11: {  	[dreg:$0x5] =	wrdreg s2;
	s2 =	sor.u32 s15, s23;
	(pc) =	sbr.rel .LBB2_1-.Ltmp0, $4  }
0x12: {  	s15 =	sadd.s32 $0x12000, s6;
	s23 =	simm.s32 $0x14000;
	s2 =	sadd.s32 s2, s16  }
0x13: {  	s18 =	sadd.s32 $0x3EA00, s0;
	s0 =	simm.s32 $0x1B180;
	s24 =	sadd.s32 $0x9C00, s2  }
0x14: {  	s16 =	simm.s32 $0x2;
	s2 =	sadd.s32 $0x13840, s2;
	[dreg:$0x6] =	wrdreg s24  }
0x15: {  	v0 =	vimm.f32 $0.0e+00;
	[dreg:$0x7] =	wrdreg s2;
	s24 =	simm.s32 $0x16780;
	s2 =	simm.s32 $0x1  }
.LBB2_7:
0x16: {  	s1 =	stileid.u32;
	s17 =	sadd.s32 $0x1, s17  }
0x17: {  	[bflag:$0x0] =	sbarrier.arrive $0xFFFF;
	s1 =	sshll.u32 s1, $0x6;
	p1 =	sne.s32 s17, s19  }
.Ltmp1:
0x18: {  	s5 =	sshrl.u32 s6, $0x3;
	s1 =	sor.u32 $0x1C03, s1;
	(pc) =	sbr.rel @!p1 .LBB2_8-.Ltmp1, $4  }
0x19: {  	[hbm:s18], [sflag:s1] =	dma.local [spmem:s5], $0x2800  }
0x1a: {  	_ =	swait.ge [sflag:s22], $0x2800  }
0x1b: {  	[sflag:s22] =	ssyncset.done $0x0  }
0x1c: {  	[sflag:s22] =	ssyncadd.s32 $0xFFFFD800  }
.LBB2_1:
0x1d: {  	s1 =	simm.s32 $0x40;
	s5 =	simm.s32 $0x0  }
.LBB2_2:
0x1e: {  	p1 =	sne.s32 s1, $0x7FC0;
	[tilespmem:s5+$0x18F00] =	vst v0;
	s5 =	smov.u32 s1;
	s1 =	sadd.s32 $0x40, s1  }
.Ltmp2:
0x1f: {  	(pc) =	sbr.rel @p1 .LBB2_2-.Ltmp2, $2  }
0x20: {  	_ =	sdelay $0x2  }
0x21: {  	s5 =	sshra.s32 s5, $0x2  }
0x22: {  	[tilespmem:s5+$0x18F00] =	vst v0  }
0x23: {  	[spmem:s6] =	stream.linear.scatter [tilespmem:s21], [sflag:$0x3], $0x2000, $0x38;
	[tilespmem:$0x1B200] =	vst v63  }
0x24: {  	_ =	swait.ge [sflag:s22], $0x2000  }
0x25: {  	[sflag:s22] =	ssyncset.done $0x0  }
0x26: {  	s1 =	rddreg [dreg:$0x5];
	[sflag:s22] =	ssyncadd.s32 $0xFFFFE000  }
0x27: {  	[spmem:s1] =	stream.linear.scatter [tilespmem:s21], [sflag:$0x3], $0x2000, $0x38;
	[tilespmem:$0x1B200] =	vst v63  }
0x28: {  	_ =	swait.ge [sflag:s22], $0x2000  }
0x29: {  	[sflag:s22] =	ssyncset.done $0x0  }
0x2a: {  	[sflag:s22] =	ssyncadd.s32 $0xFFFFE000  }
0x2b: {  	[spmem:s8] =	stream.linear.scatter [tilespmem:s21], [sflag:$0x3], $0x2000, $0x38;
	[tilespmem:$0x1B200] =	vst v63  }
0x2c: {  	_ =	swait.ge [sflag:s22], $0x2000  }
0x2d: {  	[sflag:s22] =	ssyncset.done $0x0  }
0x2e: {  	[sflag:s22] =	ssyncadd.s32 $0xFFFFE000  }
0x2f: {  	[spmem:s9] =	stream.linear.scatter [tilespmem:s21], [sflag:$0x3], $0x2000, $0x38;
	[tilespmem:$0x1B200] =	vst v63  }
0x30: {  	_ =	swait.ge [sflag:s22], $0x2000  }
0x31: {  	[sflag:s22] =	ssyncset.done $0x0  }
0x32: {  	[sflag:s22] =	ssyncadd.s32 $0xFFFFE000  }
0x33: {  	[spmem:s10] =	stream.linear.scatter [tilespmem:s21], [sflag:$0x3], $0x2000, $0x38;
	[tilespmem:$0x1B200] =	vst v63  }
0x34: {  	_ =	swait.ge [sflag:s22], $0x2000  }
0x35: {  	[sflag:s22] =	ssyncset.done $0x0  }
0x36: {  	[sflag:s22] =	ssyncadd.s32 $0xFFFFE000  }
0x37: {  	[spmem:s11] =	stream.linear.scatter [tilespmem:s21], [sflag:$0x3], $0x2000, $0x38;
	[tilespmem:$0x1B200] =	vst v63  }
0x38: {  	_ =	swait.ge [sflag:s22], $0x2000  }
0x39: {  	[sflag:s22] =	ssyncset.done $0x0  }
0x3a: {  	[sflag:s22] =	ssyncadd.s32 $0xFFFFE000  }
0x3b: {  	[spmem:s12] =	stream.linear.scatter [tilespmem:s21], [sflag:$0x3], $0x2000, $0x38;
	[tilespmem:$0x1B200] =	vst v63  }
0x3c: {  	_ =	swait.ge [sflag:s22], $0x2000  }
0x3d: {  	[sflag:s22] =	ssyncset.done $0x0  }
0x3e: {  	[sflag:s22] =	ssyncadd.s32 $0xFFFFE000  }
0x3f: {  	[spmem:s13] =	stream.linear.scatter [tilespmem:s21], [sflag:$0x3], $0x2000, $0x38;
	[tilespmem:$0x1B200] =	vst v63  }
0x40: {  	_ =	swait.ge [sflag:s22], $0x2000  }
0x41: {  	[sflag:s22] =	ssyncset.done $0x0  }
0x42: {  	[sflag:s22] =	ssyncadd.s32 $0xFFFFE000  }
0x43: {  	[spmem:s14] =	stream.linear.scatter [tilespmem:s21], [sflag:$0x3], $0x2000, $0x38;
	[tilespmem:$0x1B200] =	vst v63  }
0x44: {  	_ =	swait.ge [sflag:s22], $0x2000  }
0x45: {  	[sflag:s22] =	ssyncset.done $0x0  }
0x46: {  	[sflag:s22] =	ssyncadd.s32 $0xFFFFE000  }
0x47: {  	[spmem:s15] =	stream.linear.scatter [tilespmem:s21], [sflag:$0x3], $0x2000, $0x38;
	[tilespmem:$0x1B200] =	vst v63  }
0x48: {  	_ =	swait.ge [sflag:s22], $0x2000  }
0x49: {  	[sflag:s22] =	ssyncset.done $0x0  }
0x4a: {  	[sflag:s22] =	ssyncadd.s32 $0xFFFFE000  }
0x4b: {  	s1 =	simm.s32 $0x0;
	s7 =	rddreg [dreg:$0x1]  }
0x4c: {  	[tilespmem:s23], [sflag:$0x3] =	stream.linear.gather [hbm4b:s7+s1], $0x2780, $0x38;
	[tilespmem:$0x1B200] =	vst v63  }
0x4d: {  	_ =	swait.ge [sflag:s22], $0x2780  }
0x4e: {  	[sflag:s22] =	ssyncset.done $0x0  }
0x4f: {  	s7 =	rddreg [dreg:$0x4];
	[sflag:s22] =	ssyncadd.s32 $0xFFFFD880  }
0x50: {  	[tilespmem:s24], [sflag:$0x3] =	stream.linear.gather [hbm4b:s7+s1], $0x2710, $0x38;
	[tilespmem:$0x1B200] =	vst v63  }
0x51: {  	_ =	swait.ge [sflag:s22], $0x2710  }
0x52: {  	[sflag:s22] =	ssyncset.done $0x0  }
0x53: {  	[sflag:s22] =	ssyncadd.s32 $0xFFFFD8F0  }
0x54: {  	[bflag:$0x0] =	sbarrier.arrive $0xFFFF  }
.LBB2_4:
0x55: {  	p1 =	seq.s32 s1, $0x0  }
0x56: {  	s5 =	simm.s32 @!p1 $0x1  }
0x57: {  	_ =	swait.ge @!p1 [sflag:s5], $0x80  }
0x58: {  	[sflag:s5] =	ssyncset.done @!p1 $0x0  }
0x59: {  	[sflag:s5] =	ssyncadd.s32 @!p1 $0xFFFFFF80;
	s5 =	sadd.s32 s1, s20  }
0x5a: {  	[tilespmem:s25], [sflag:$0x3] =	stream.linear.gather [hbm4b:s5+s4], $0x80, $0x38;
	[tilespmem:$0x1B200] =	vst v63  }
0x5b: {  	_ =	swait.ge [sflag:s22], $0x80  }
0x5c: {  	[sflag:s22] =	ssyncset.done $0x0  }
0x5d: {  	s7 =	sadd.s32 $0x9C40, s5;
	[sflag:s22] =	ssyncadd.s32 $0xFFFFFF80  }
0x5e: {  	[tilespmem:s26], [sflag:$0x3] =	stream.linear.gather [hbm4b:s7+s4], $0x80, $0x38;
	[tilespmem:$0x1B200] =	vst v63  }
0x5f: {  	_ =	swait.ge [sflag:s22], $0x80  }
0x60: {  	[sflag:s22] =	ssyncset.done $0x0  }
0x61: {  	[sflag:s22] =	ssyncadd.s32 $0xFFFFFF80  }
0x62: {  	v1 =	vld [tilespmem:$0x1AF80];
	_ =	sdelay $0x5  }
0x63: {  	v2 =	vld [tilespmem:$0x1AF00]  }
0x64: {  	v4 =	vld [tilespmem:$0x1AF90]  }
0x65: {  	v3 =	vld.idx.msk [tilespmem:v1+s23+$0x0], $0xffff  }
0x66: {  	v1 =	vld.idx.msk [tilespmem:v1+s24+$0x0], $0xffff;
	_ =	sdelay $0x3  }
0x67: {  	v2 =	vshll.u32 v2, $0x7  }
0x68: {  	v2 =	vadd.s32 v3, v2;
	[tilespmem:$0x1B100] =	vst v1;
	v1 =	vld [tilespmem:$0x1AF10]  }
0x69: {  	v3 =	vld [tilespmem:$0x1AFA0];
	[tilespmem:$0x1B000] =	vst v2  }
0x6a: {  	v2 =	vld.idx.msk [tilespmem:v4+s23+$0x0], $0xffff  }
0x6b: {  	v4 =	vld.idx.msk [tilespmem:v4+s24+$0x0], $0xffff;
	_ =	sdelay $0x3  }
0x6c: {  	v1 =	vshll.u32 v1, $0x7  }
0x6d: {  	v57 =	vld [tilespmem:$0x1AFB0];
	v1 =	vadd.s32 v2, v1;
	[tilespmem:$0x1B110] =	vst v4  }
0x6e: {  	[tilespmem:$0x1B010] =	vst v1;
	v1 =	vld [tilespmem:$0x1AF20]  }
0x6f: {  	v2 =	vld.idx.msk [tilespmem:v3+s23+$0x0], $0xffff  }
0x70: {  	v3 =	vld.idx.msk [tilespmem:v3+s24+$0x0], $0xffff;
	_ =	sdelay $0x3  }
0x71: {  	v1 =	vshll.u32 v1, $0x7  }
0x72: {  	v1 =	vadd.s32 v2, v1;
	[tilespmem:$0x1B120] =	vst v3;
	v3 =	vld [tilespmem:$0x1AFC0]  }
0x73: {  	[tilespmem:$0x1B020] =	vst v1;
	v1 =	vld [tilespmem:$0x1AF30]  }
0x74: {  	v2 =	vld.idx.msk [tilespmem:v57+s23+$0x0], $0xffff  }
0x75: {  	v4 =	vld.idx.msk [tilespmem:v57+s24+$0x0], $0xffff;
	_ =	sdelay $0x3  }
0x76: {  	v1 =	vshll.u32 v1, $0x7  }
0x77: {  	v58 =	vld [tilespmem:$0x1AFD0];
	v1 =	vadd.s32 v2, v1;
	[tilespmem:$0x1B130] =	vst v4  }
0x78: {  	[tilespmem:$0x1B030] =	vst v1;
	v1 =	vld [tilespmem:$0x1AF40]  }
0x79: {  	v2 =	vld.idx.msk [tilespmem:v3+s23+$0x0], $0xffff  }
0x7a: {  	v3 =	vld.idx.msk [tilespmem:v3+s24+$0x0], $0xffff;
	_ =	sdelay $0x3  }
0x7b: {  	v1 =	vshll.u32 v1, $0x7  }
0x7c: {  	v1 =	vadd.s32 v2, v1;
	[tilespmem:$0x1B140] =	vst v3;
	v3 =	vld [tilespmem:$0x1AFE0]  }
0x7d: {  	[tilespmem:$0x1B040] =	vst v1;
	v1 =	vld [tilespmem:$0x1AF50]  }
0x7e: {  	v2 =	vld.idx.msk [tilespmem:v58+s23+$0x0], $0xffff  }
0x7f: {  	v4 =	vld.idx.msk [tilespmem:v58+s24+$0x0], $0xffff;
	_ =	sdelay $0x3  }
0x80: {  	v1 =	vshll.u32 v1, $0x7  }
0x81: {  	v59 =	vld [tilespmem:$0x1AFF0];
	v1 =	vadd.s32 v2, v1;
	[tilespmem:$0x1B150] =	vst v4  }
0x82: {  	[tilespmem:$0x1B050] =	vst v1;
	v1 =	vld [tilespmem:$0x1AF60]  }
0x83: {  	v2 =	vld.idx.msk [tilespmem:v3+s23+$0x0], $0xffff  }
0x84: {  	v3 =	vld.idx.msk [tilespmem:v3+s24+$0x0], $0xffff;
	_ =	sdelay $0x3  }
0x85: {  	v1 =	vshll.u32 v1, $0x7  }
0x86: {  	v1 =	vadd.s32 v2, v1;
	[tilespmem:$0x1B160] =	vst v3  }
0x87: {  	[tilespmem:$0x1B060] =	vst v1;
	v1 =	vld [tilespmem:$0x1AF70]  }
0x88: {  	v2 =	vld.idx.msk [tilespmem:v59+s23+$0x0], $0xffff  }
0x89: {  	v3 =	vld.idx.msk [tilespmem:v59+s24+$0x0], $0xffff;
	_ =	sdelay $0x3  }
0x8a: {  	v1 =	vshll.u32 v1, $0x7  }
0x8b: {  	v1 =	vadd.s32 v2, v1;
	[tilespmem:$0x1B170] =	vst v3  }
0x8c: {  	s7 =	simm.s32 @!p1 $0x2;
	[tilespmem:$0x1B070] =	vst v1  }
0x8d: {  	[spmem:s3] =	stream.indirect.scatter.add.f32 [tilespmem:s30], [sflag:$0x1], $0x1, s29, s28, $0xb8;
	[tilespmem:$0x1B200] =	vst v63  }
0x8e: {  	_ =	swait.ge @!p1 [sflag:s7], $0x80  }
0x8f: {  	[sflag:s7] =	ssyncset.done @!p1 $0x0  }
0x90: {  	[sflag:s7] =	ssyncadd.s32 @!p1 $0xFFFFFF80;
	s7 =	sadd.s32 $0x10, s5  }
0x91: {  	[tilespmem:s25], [sflag:$0x3] =	stream.linear.gather [hbm4b:s7+s4], $0x80, $0x38;
	[tilespmem:$0x1B200] =	vst v63  }
0x92: {  	_ =	swait.ge [sflag:s22], $0x80  }
0x93: {  	[sflag:s22] =	ssyncset.done $0x0  }
0x94: {  	s5 =	sadd.s32 $0x9C50, s5;
	[sflag:s22] =	ssyncadd.s32 $0xFFFFFF80  }
0x95: {  	[tilespmem:s26], [sflag:$0x3] =	stream.linear.gather [hbm4b:s5+s4], $0x80, $0x38;
	[tilespmem:$0x1B200] =	vst v63  }
0x96: {  	_ =	swait.ge [sflag:s22], $0x80  }
0x97: {  	[sflag:s22] =	ssyncset.done $0x0  }
0x98: {  	[sflag:s22] =	ssyncadd.s32 $0xFFFFFF80  }
0x99: {  	v1 =	vld [tilespmem:$0x1AF80];
	_ =	sdelay $0x5  }
0x9a: {  	v2 =	vld [tilespmem:$0x1AF00]  }
0x9b: {  	v60 =	vld [tilespmem:$0x1AF90]  }
0x9c: {  	v3 =	vld.idx.msk [tilespmem:v1+s23+$0x0], $0xffff  }
0x9d: {  	v1 =	vld.idx.msk [tilespmem:v1+s24+$0x0], $0xffff;
	_ =	sdelay $0x3  }
0x9e: {  	v2 =	vshll.u32 v2, $0x7  }
0x9f: {  	v2 =	vadd.s32 v3, v2;
	[tilespmem:$0x1B180] =	vst v1;
	v1 =	vld [tilespmem:$0x1AF10]  }
0xa0: {  	v3 =	vld [tilespmem:$0x1AFA0];
	[tilespmem:$0x1B080] =	vst v2  }
0xa1: {  	v2 =	vld.idx.msk [tilespmem:v60+s23+$0x0], $0xffff  }
0xa2: {  	v4 =	vld.idx.msk [tilespmem:v60+s24+$0x0], $0xffff;
	_ =	sdelay $0x3  }
0xa3: {  	v1 =	vshll.u32 v1, $0x7  }
0xa4: {  	v61 =	vld [tilespmem:$0x1AFB0];
	v1 =	vadd.s32 v2, v1;
	[tilespmem:$0x1B190] =	vst v4  }
0xa5: {  	[tilespmem:$0x1B090] =	vst v1;
	v1 =	vld [tilespmem:$0x1AF20]  }
0xa6: {  	v2 =	vld.idx.msk [tilespmem:v3+s23+$0x0], $0xffff  }
0xa7: {  	v3 =	vld.idx.msk [tilespmem:v3+s24+$0x0], $0xffff;
	_ =	sdelay $0x3  }
0xa8: {  	v1 =	vshll.u32 v1, $0x7  }
0xa9: {  	v1 =	vadd.s32 v2, v1;
	[tilespmem:$0x1B1A0] =	vst v3;
	v3 =	vld [tilespmem:$0x1AFC0]  }
0xaa: {  	[tilespmem:$0x1B0A0] =	vst v1;
	v1 =	vld [tilespmem:$0x1AF30]  }
0xab: {  	v2 =	vld.idx.msk [tilespmem:v61+s23+$0x0], $0xffff  }
0xac: {  	v4 =	vld.idx.msk [tilespmem:v61+s24+$0x0], $0xffff;
	_ =	sdelay $0x3  }
0xad: {  	v1 =	vshll.u32 v1, $0x7  }
0xae: {  	v62 =	vld [tilespmem:$0x1AFD0];
	v1 =	vadd.s32 v2, v1;
	[tilespmem:$0x1B1B0] =	vst v4  }
0xaf: {  	[tilespmem:$0x1B0B0] =	vst v1;
	v1 =	vld [tilespmem:$0x1AF40]  }
0xb0: {  	v2 =	vld.idx.msk [tilespmem:v3+s23+$0x0], $0xffff  }
0xb1: {  	v3 =	vld.idx.msk [tilespmem:v3+s24+$0x0], $0xffff;
	_ =	sdelay $0x3  }
0xb2: {  	v1 =	vshll.u32 v1, $0x7  }
0xb3: {  	v1 =	vadd.s32 v2, v1;
	[tilespmem:$0x1B1C0] =	vst v3;
	v3 =	vld [tilespmem:$0x1AFE0]  }
0xb4: {  	[tilespmem:$0x1B0C0] =	vst v1;
	v1 =	vld [tilespmem:$0x1AF50]  }
0xb5: {  	v2 =	vld.idx.msk [tilespmem:v62+s23+$0x0], $0xffff  }
0xb6: {  	v4 =	vld.idx.msk [tilespmem:v62+s24+$0x0], $0xffff;
	_ =	sdelay $0x3  }
0xb7: {  	v1 =	vshll.u32 v1, $0x7  }
0xb8: {  	v63 =	vld [tilespmem:$0x1AFF0];
	v1 =	vadd.s32 v2, v1;
	[tilespmem:$0x1B1D0] =	vst v4  }
0xb9: {  	[tilespmem:$0x1B0D0] =	vst v1;
	v1 =	vld [tilespmem:$0x1AF60]  }
0xba: {  	v2 =	vld.idx.msk [tilespmem:v3+s23+$0x0], $0xffff  }
0xbb: {  	v3 =	vld.idx.msk [tilespmem:v3+s24+$0x0], $0xffff;
	_ =	sdelay $0x3  }
0xbc: {  	v1 =	vshll.u32 v1, $0x7  }
0xbd: {  	v1 =	vadd.s32 v2, v1;
	[tilespmem:$0x1B1E0] =	vst v3  }
0xbe: {  	[tilespmem:$0x1B0E0] =	vst v1;
	v1 =	vld [tilespmem:$0x1AF70]  }
0xbf: {  	v2 =	vld.idx.msk [tilespmem:v63+s23+$0x0], $0xffff  }
0xc0: {  	v3 =	vld.idx.msk [tilespmem:v63+s24+$0x0], $0xffff  }
0xc1: {  	s1 =	sadd.s32 $0x20, s1  }
0xc2: {  	p1 =	sne.s32 s1, $0x4E0  }
.Ltmp3:
0xc3: {  	_ = 	snop;
	(pc) =	sbr.rel @p1 .LBB2_4-.Ltmp3, $4  }
0xc4: {  	v1 =	vshll.u32 v1, $0x7  }
0xc5: {  	v1 =	vadd.s32 v2, v1;
	[tilespmem:$0x1B1F0] =	vst v3  }
0xc6: {  	[tilespmem:$0x1B0F0] =	vst v1  }
0xc7: {  	[spmem:s3] =	stream.indirect.scatter.add.f32 [tilespmem:s0], [sflag:$0x2], $0x1, s31, s28, $0xb8;
	[tilespmem:$0x1B200] =	vst v63  }
0xc8: {  	_ =	swait.ge [sflag:s2], $0x80  }
.Ltmp4:
0xc9: {  	[sflag:s2] =	ssyncset.done $0x0;
	(pc) =	sbr.rel @p0 .LBB2_7-.Ltmp4, $4  }
0xca: {  	[sflag:s2] =	ssyncadd.s32 $0xFFFFFF80  }
0xcb: {  	_ =	swait.ge [sflag:s16], $0x80  }
0xcc: {  	[sflag:s16] =	ssyncset.done $0x0  }
0xcd: {  	[sflag:s16] =	ssyncadd.s32 $0xFFFFFF80  }
0xce: {  	s1 =	rddreg [dreg:$0x6]  }
0xcf: {  	[tilespmem:s25], [sflag:$0x3] =	stream.linear.gather [hbm4b:s1+s4], $0x80, $0x38;
	[tilespmem:$0x1B200] =	vst v63  }
0xd0: {  	_ =	swait.ge [sflag:s22], $0x80  }
0xd1: {  	[sflag:s22] =	ssyncset.done $0x0  }
0xd2: {  	s7 =	rddreg [dreg:$0x7];
	[sflag:s22] =	ssyncadd.s32 $0xFFFFFF80  }
0xd3: {  	[tilespmem:s26], [sflag:$0x3] =	stream.linear.gather [hbm4b:s7+s4], $0x80, $0x38;
	[tilespmem:$0x1B200] =	vst v63  }
0xd4: {  	_ =	swait.ge [sflag:s22], $0x80  }
0xd5: {  	[sflag:s22] =	ssyncset.done $0x0  }
0xd6: {  	[sflag:s22] =	ssyncadd.s32 $0xFFFFFF80  }
0xd7: {  	v1 =	vld [tilespmem:$0x1AF80];
	_ =	sdelay $0x5  }
0xd8: {  	v2 =	vld [tilespmem:$0x1AF00]  }
0xd9: {  	v4 =	vld [tilespmem:$0x1AF90]  }
0xda: {  	v3 =	vld.idx.msk [tilespmem:v1+s23+$0x0], $0xffff  }
0xdb: {  	v1 =	vld.idx.msk [tilespmem:v1+s24+$0x0], $0xffff;
	_ =	sdelay $0x3  }
0xdc: {  	v2 =	vshll.u32 v2, $0x7  }
0xdd: {  	v2 =	vadd.s32 v3, v2;
	[tilespmem:$0x1B100] =	vst v1;
	v1 =	vld [tilespmem:$0x1AF10]  }
0xde: {  	v3 =	vld [tilespmem:$0x1AFA0];
	[tilespmem:$0x1B000] =	vst v2  }
0xdf: {  	v2 =	vld.idx.msk [tilespmem:v4+s23+$0x0], $0xffff  }
0xe0: {  	v4 =	vld.idx.msk [tilespmem:v4+s24+$0x0], $0xffff;
	_ =	sdelay $0x3  }
0xe1: {  	v1 =	vshll.u32 v1, $0x7  }
0xe2: {  	v61 =	vld [tilespmem:$0x1AFB0];
	v1 =	vadd.s32 v2, v1;
	[tilespmem:$0x1B110] =	vst v4  }
0xe3: {  	[tilespmem:$0x1B010] =	vst v1;
	v1 =	vld [tilespmem:$0x1AF20]  }
0xe4: {  	v2 =	vld.idx.msk [tilespmem:v3+s23+$0x0], $0xffff  }
0xe5: {  	v3 =	vld.idx.msk [tilespmem:v3+s24+$0x0], $0xffff;
	_ =	sdelay $0x3  }
0xe6: {  	v1 =	vshll.u32 v1, $0x7  }
0xe7: {  	v1 =	vadd.s32 v2, v1;
	[tilespmem:$0x1B120] =	vst v3;
	v3 =	vld [tilespmem:$0x1AFC0]  }
0xe8: {  	[tilespmem:$0x1B020] =	vst v1;
	v1 =	vld [tilespmem:$0x1AF30]  }
0xe9: {  	v2 =	vld.idx.msk [tilespmem:v61+s23+$0x0], $0xffff  }
0xea: {  	v4 =	vld.idx.msk [tilespmem:v61+s24+$0x0], $0xffff;
	_ =	sdelay $0x3  }
0xeb: {  	v1 =	vshll.u32 v1, $0x7  }
0xec: {  	v62 =	vld [tilespmem:$0x1AFD0];
	v1 =	vadd.s32 v2, v1;
	[tilespmem:$0x1B130] =	vst v4  }
0xed: {  	[tilespmem:$0x1B030] =	vst v1;
	v1 =	vld [tilespmem:$0x1AF40]  }
0xee: {  	v2 =	vld.idx.msk [tilespmem:v3+s23+$0x0], $0xffff  }
0xef: {  	v3 =	vld.idx.msk [tilespmem:v3+s24+$0x0], $0xffff;
	_ =	sdelay $0x3  }
0xf0: {  	v1 =	vshll.u32 v1, $0x7  }
0xf1: {  	v1 =	vadd.s32 v2, v1;
	[tilespmem:$0x1B140] =	vst v3;
	v3 =	vld [tilespmem:$0x1AFE0]  }
0xf2: {  	[tilespmem:$0x1B040] =	vst v1;
	v1 =	vld [tilespmem:$0x1AF50]  }
0xf3: {  	v2 =	vld.idx.msk [tilespmem:v62+s23+$0x0], $0xffff  }
0xf4: {  	v4 =	vld.idx.msk [tilespmem:v62+s24+$0x0], $0xffff;
	_ =	sdelay $0x3  }
0xf5: {  	v1 =	vshll.u32 v1, $0x7  }
0xf6: {  	v63 =	vld [tilespmem:$0x1AFF0];
	v1 =	vadd.s32 v2, v1;
	[tilespmem:$0x1B150] =	vst v4  }
0xf7: {  	[tilespmem:$0x1B050] =	vst v1;
	v1 =	vld [tilespmem:$0x1AF60]  }
0xf8: {  	v2 =	vld.idx.msk [tilespmem:v3+s23+$0x0], $0xffff  }
0xf9: {  	v3 =	vld.idx.msk [tilespmem:v3+s24+$0x0], $0xffff;
	_ =	sdelay $0x3  }
0xfa: {  	v1 =	vshll.u32 v1, $0x7  }
0xfb: {  	v1 =	vadd.s32 v2, v1;
	[tilespmem:$0x1B160] =	vst v3  }
0xfc: {  	[tilespmem:$0x1B060] =	vst v1;
	v1 =	vld [tilespmem:$0x1AF70]  }
0xfd: {  	v2 =	vld.idx.msk [tilespmem:v63+s23+$0x0], $0xffff  }
0xfe: {  	v3 =	vld.idx.msk [tilespmem:v63+s24+$0x0], $0xffff;
	_ =	sdelay $0x3  }
0xff: {  	v1 =	vshll.u32 v1, $0x7  }
0x100: {  	v1 =	vadd.s32 v2, v1;
	[tilespmem:$0x1B170] =	vst v3  }
.Ltmp5:
0x101: {  	[tilespmem:$0x1B070] =	vst v1;
	(pc) =	sbr.rel .LBB2_7-.Ltmp5, $4  }
0x102: {  	[spmem:s3] =	stream.indirect.scatter.add.f32 [tilespmem:s30], [sflag:$0x1], $0x1, s29, s28, $0xb8;
	[tilespmem:$0x1B200] =	vst v63  }
0x103: {  	_ =	swait.ge [sflag:s2], $0x80  }
0x104: {  	[sflag:s2] =	ssyncset.done $0x0  }
0x105: {  	[sflag:s2] =	ssyncadd.s32 $0xFFFFFF80  }
.LBB2_8:
0x106: {  	_ =	sfence.sel $0x180000  }
0x107: {  	[bflag:$0x0] =	sbarrier.arrive $0xFFFF  }
0x108: {  	_ =	strace $0x9000004A  }
0x109: {  	s0 =	stileid.u32;
	[bflag:$0x2] =	sbarrier.arrive $0xFFFF  }
0x10a: {  	p0 =	sne.s32 s0, $0x0;
	s0 =	rddreg [dreg:$0x3]  }
0x10b: {  	s0 =	sadd.s32 @!p0 $0x100000, s0  }
0x10c: {  	[sflag:s0] =	ssyncadd.tile.s32 @!p0 $0x1;
	_ =	shalt  }
.Lfunc_end2:
_tile_overlayer_lowered:
.L_overlay_start_2:
0x10d: {  	(tag) =	ssettag $0x2  }
0x10e: {  	s0 =	rddreg [dreg:$0x0];
	s2 =	stileid.u32  }
0x10f: {  	s1 =	rddreg [dreg:$0x1];
	p0 =	sne.s32 s2, $0x0  }
0x110: {  	s3 =	rddreg [dreg:$0x2];
	[bflag:$0x3] =	sbarrier.arrive $0xFFFF;
	s2 =	simm.s32 @!p0 $0x1C03  }
0x111: {  	[timem:s3], [sflag:s2] =	dma.local @!p0 [hbm:s0], s1  }
0x112: {  	s0 =	simm.s32 @!p0 $0x3  }
0x113: {  	_ =	swait.ge @!p0 [sflag:s0], s1  }
0x114: {  	s1 =	ssub.s32 @!p0 $0x0, s1;
	[sflag:s0] =	ssyncset.done @!p0 $0x0  }
0x115: {  	[sflag:s0] =	ssyncadd.s32 @!p0 s1  }
0x116: {  	[bflag:$0x3] =	sbarrier.arrive $0xFFFF  }
0x117: {  	_ =	shalt  }

// kernel: kernel.7.cloned.1.call-start
scs
__scs_entry_jumppad:
0x0: {  	(pc) =	sbr.rel $0x88, $3  }
0x1: {  	(tag) =	ssettag $0x0;
	lr =	simm.s32 $0x1  }
0x2: {  	[smem:$0x3F98] =	sst lr;
	_ =	strace $0xD0000000  }
0x3: {  	_ = 	snop  }
0x4: {  	_ = 	snop  }
0x5: {  	_ = 	snop  }
0x6: {  	_ = 	snop  }
0x7: {  	_ = 	snop  }
__scs_overlays_trampoline_lowered:
0x8: {  	[smem:$0x3FA7] =	sst s0  }
0x9: {  	[smem:$0x3FA8] =	sst s1  }
0xa: {  	[smem:$0x3FA9] =	sst s2  }
0xb: {  	[smem:$0x3FAA] =	sst s3  }
0xc: {  	[smem:$0x3FAB] =	sst s4  }
0xd: {  	[smem:$0x3FAC] =	sst s5  }
0xe: {  	[smem:$0x3FAD] =	sst s6  }
0xf: {  	[smem:$0x3FAE] =	sst s7  }
0x10: {  	[smem:$0x3FAF] =	sst s8  }
0x11: {  	[smem:$0x3FB0] =	sst s9;
	s0 =	simm.s32 @!p0 $0x0  }
0x12: {  	s1 =	sld [smem:$0x3F96];
	s0 =	simm.s32 @p0 $0x1  }
0x13: {  	[smem:$0x3FB1] =	sst s0;
	s0 =	simm.s32 @!p1 $0x0  }
0x14: {  	s2 =	sld [smem:$0x3F95];
	s0 =	simm.s32 @p1 $0x1  }
0x15: {  	[smem:$0x3FB2] =	sst s0;
	s0 =	simm.s32 @!p2 $0x0  }
0x16: {  	s3 =	sld [smem:$0x3FDB];
	s0 =	simm.s32 @p2 $0x1  }
0x17: {  	s4 =	simm.s32 $0x1BF5;
	[smem:$0x3FB4] =	sst s0  }
0x18: {  	s0 =	sld [smem:$0x3F97];
	_ =	swait.ge [sflag:s4], $0x0  }
0x19: {  	s7 =	sld [smem:$0x3F98]  }
0x1a: {  	s8 =	sadd.s32 $0xFFFFE003, lr  }
0x1b: {  	s9 =	sadd.s32 $0xFFFFFEF7, lr;
	s5 =	simm.s32 $0xFFFFFFFF;
	p2 =	slt.u32 s8, $0xFFFFF086  }
0x1c: {  	p1 =	slt.u32 s9, $0xF7A;
	s5 =	simm.s32 @!p2 $0x0  }
0x1d: {  	s5 =	simm.s32 @p1 $0x1;
	p0 =	seq.s32 s7, s2  }
0x1e: {  	s7 =	smul.u32 @!p0 $0xF7A, s2;
	p2 =	seq.s32 @!p0 s5, $0x0  }
0x1f: {  	s9 =	smul.u32 $0xF7A, s1;
	s8 =	simm.s32 @!p0 $0x1BF5;
	p2 =	por !p2, p0  }
0x20: {  	[sflag:s8] =	ssyncset.s32 @!p0 $0xFFFFF086;
	s6 =	sadd.s32 @!p0 s3, s7;
	s7 =	simm.s32 @!p0 $0x108  }
0x21: {  	s3 =	sadd.s32 s3, s9;
	s6 =	sadd.s32 @!p0 $0x88, s6;
	s7 =	simm.s32 @p2 $0x1082  }
0x22: {  	[simem:s7], [sflag:s8] =	dma.local @!p0 [hbm:s6], $0xF7A  }
0x23: {  	s9 =	sor.u32 $0xD0000000, s2;
	s6 =	simm.s32 $0x108;
	_ =	swait.ge @!p0 [sflag:s8], $0x0  }
0x24: {  	s3 =	sadd.s32 $0x88, s3;
	s6 =	simm.s32 @!p1 $0x1082;
	[sflag:s4] =	ssyncset.s32 $0xFFFFF086  }
0x25: {  	[simem:s6], [sflag:s4] =	dma.local [hbm:s3], $0xF7A  }
0x26: {  	[smem:$0x3F98] =	sst s1;
	(tag) =	ssettag s2;
	_ =	strace s9  }
0x27: {  	s1 =	sld [smem:$0x3FA8]  }
0x28: {  	s2 =	sld [smem:$0x3FA9]  }
0x29: {  	s4 =	sld [smem:$0x3FAB]  }
0x2a: {  	p0 =	seq.s32 s5, $0x0;
	s5 =	sld [smem:$0x3FAC]  }
0x2b: {  	s6 =	sld [smem:$0x3FAD]  }
0x2c: {  	s7 =	sld [smem:$0x3FAE]  }
0x2d: {  	s3 =	simm.s32 $0x108;
	s8 =	sld [smem:$0x3FAF]  }
0x2e: {  	s3 =	simm.s32 @!p0 $0x1082;
	s9 =	sld [smem:$0x3FB0]  }
0x2f: {  	lr =	sadd.s32 s0, s3;
	s0 =	sld [smem:$0x3FA7]  }
0x30: {  	s3 =	sld [smem:$0x3FAA]  }
0x31: {  	[smem:$0x3FB3] =	sst s10  }
0x32: {  	s10 =	sld [smem:$0x3FB1];
	_ =	sdelay $0x3  }
0x33: {  	p0 =	seq.s32 s10, $0x1;
	s10 =	sld [smem:$0x3FB3];
	_ =	sdelay $0x3  }
0x34: {  	[smem:$0x3FB3] =	sst s10  }
0x35: {  	s10 =	sld [smem:$0x3FB2];
	_ =	sdelay $0x3  }
0x36: {  	p1 =	seq.s32 s10, $0x1;
	s10 =	sld [smem:$0x3FB3];
	_ =	sdelay $0x3  }
0x37: {  	[smem:$0x3FB3] =	sst s10  }
0x38: {  	s10 =	sld [smem:$0x3FB4]  }
0x39: {  	_ = 	snop;
	(pc) =	sbr.ind lr, $3  }
0x3a: {  	_ = 	snop  }
0x3b: {  	_ = 	snop  }
0x3c: {  	p2 =	seq.s32 s10, $0x1;
	s10 =	sld [smem:$0x3FB3]  }
0x3d: {  	_ =	shalt  }
0x3e: {  	_ =	shalt  }
0x3f: {  	_ =	shalt  }
0x40: {  	_ =	shalt  }
0x41: {  	_ =	shalt  }
0x42: {  	_ =	shalt  }
0x43: {  	_ =	shalt  }
0x44: {  	_ =	shalt  }
0x45: {  	_ =	shalt  }
0x46: {  	_ =	shalt  }
0x47: {  	_ =	shalt  }
0x48: {  	_ =	shalt  }
0x49: {  	_ =	shalt  }
0x4a: {  	_ =	shalt  }
0x4b: {  	_ =	shalt  }
0x4c: {  	_ =	shalt  }
0x4d: {  	_ =	shalt  }
0x4e: {  	_ =	shalt  }
0x4f: {  	_ =	shalt  }
0x50: {  	_ =	shalt  }
0x51: {  	_ =	shalt  }
0x52: {  	_ =	shalt  }
0x53: {  	_ =	shalt  }
0x54: {  	_ =	shalt  }
0x55: {  	_ =	shalt  }
0x56: {  	_ =	shalt  }
0x57: {  	_ =	shalt  }
0x58: {  	_ =	shalt  }
0x59: {  	_ =	shalt  }
0x5a: {  	_ =	shalt  }
0x5b: {  	_ =	shalt  }
0x5c: {  	_ =	shalt  }
0x5d: {  	_ =	shalt  }
0x5e: {  	_ =	shalt  }
0x5f: {  	_ =	shalt  }
0x60: {  	_ =	shalt  }
0x61: {  	_ =	shalt  }
0x62: {  	_ =	shalt  }
0x63: {  	_ =	shalt  }
0x64: {  	_ =	shalt  }
0x65: {  	_ =	shalt  }
0x66: {  	_ =	shalt  }
0x67: {  	_ =	shalt  }
0x68: {  	_ =	shalt  }
0x69: {  	_ =	shalt  }
0x6a: {  	_ =	shalt  }
0x6b: {  	_ =	shalt  }
0x6c: {  	_ =	shalt  }
0x6d: {  	_ =	shalt  }
0x6e: {  	_ =	shalt  }
0x6f: {  	_ =	shalt  }
0x70: {  	_ =	shalt  }
0x71: {  	_ =	shalt  }
0x72: {  	_ =	shalt  }
0x73: {  	_ =	shalt  }
0x74: {  	_ =	shalt  }
0x75: {  	_ =	shalt  }
0x76: {  	_ =	shalt  }
0x77: {  	_ =	shalt  }
0x78: {  	_ =	shalt  }
0x79: {  	_ =	shalt  }
0x7a: {  	_ =	shalt  }
0x7b: {  	_ =	shalt  }
0x7c: {  	_ =	shalt  }
0x7d: {  	_ =	shalt  }
0x7e: {  	_ =	shalt  }
0x7f: {  	_ =	shalt  }
0x80: {  	_ =	shalt  }
0x81: {  	_ =	shalt  }
0x82: {  	_ =	shalt  }
0x83: {  	_ =	shalt  }
0x84: {  	_ =	shalt  }
0x85: {  	_ =	shalt  }
0x86: {  	_ =	shalt  }
0x87: {  	_ =	shalt  }
.Lfunc_end0:
.L_simem_size_0:
called_computation_lowered:
.L_overlay_start_0:
0x88: {  	s2 =	sld [smem:$0x3FD9]  }
0x89: {  	s3 =	sld [smem:$0x3FFE];
	_ =	sdelay $0x1  }
0x8a: {  	s1 =	srdreg.scid  }
0x8b: {  	s0 =	sand.u32 $0x1, s1  }
0x8c: {  	s16 =	sshll.u32 s0, $0xA;
	s2 =	sadd.s32 s3, s2  }
0x8d: {  	s2 =	sadd.s32 s2, s16  }
0x8e: {  	[smem:$0x3FBF] =	sst s2  }
0x8f: {  	_ = 	snop  }
0x90: {  	(tm) =	ssettm $0x1  }
0x91: {  	s17 =	sld [smem:$0x3FFB];
	_ =	sdelay $0x3  }
0x92: {  	_ =	strace s17  }
0x93: {  	s2 =	sld [smem:$0x3FFC];
	_ =	sdelay $0x3  }
0x94: {  	_ =	strace s2  }
0x95: {  	s2 =	sld [smem:$0x3FFD];
	_ =	sdelay $0x3  }
0x96: {  	_ =	strace s2  }
0x97: {  	_ =	strace $0x8FFFFFFF  }
0x98: {  	s18 =	sld [smem:$0x3FDB];
	_ =	sdelay $0x1  }
0x99: {  	s19 =	simm.s32 $_scs_section_size  }
0x9a: {  	s4 =	simm.s32 $_size__tile_overlayer_lowered;
	s5 =	simm.s32 $_tile_overlayer_lowered  }
0x9b: {  	s22 =	simm.s32 $0x1BFF;
	s21 =	sshll.u32 s5, $0x1;
	s2 =	sadd.s32 s19, s18  }
0x9c: {  	s6 =	simm.s32 $0x0;
	s20 =	sshll.u32 s4, $0x1;
	s4 =	sadd.s32 s21, s2  }
0x9d: {  	[timem:s6], [sflag:s22] =	dma.local [hbm:s4], s20  }
0x9e: {  	_ =	swait.ge [sflag:s22], s20  }
0x9f: {  	s3 =	ssub.s32 $0x0, s20;
	[sflag:s22] =	ssyncset.done $0x0  }
0xa0: {  	[sflag:s22] =	ssyncadd.s32 s3;
	_ =	sdelay $0x1  }
0xa1: {  	s23 =	simm.s32 $0x1B8B  }
0xa2: {  	_ =	swait.ge [sflag:s23], $0x1  }
0xa3: {  	[sflag:s23] =	ssyncset.done $0x0  }
0xa4: {  	s25 =	simm.s32 $0x1B8E;
	s24 =	sld [smem:$0x3FFE];
	[sflag:s23] =	ssyncadd.s32 $0xFFFFFFFF  }
0xa5: {  	s26 =	simm.s32 $execute0_lowered;
	[smem:$0x3FD2] =	sst s25  }
0xa6: {  	s4 =	sshll.u32 s26, $0x1;
	_ =	strace $0x80000046;
	[dreg:$0x1] =	wrdreg $0xFFFFFFFF  }
0xa7: {  	s28 =	simm.s32 $_size_execute0_lowered;
	s2 =	sadd.s32 s2, s4;
	[dreg:$0x0] =	wrdreg $0x0  }
0xa8: {  	s4 =	sshll.u32 s28, $0x1;
	[dreg:$0x2] =	wrdreg s2  }
0xa9: {  	[dreg:$0x3] =	wrdreg s4  }
0xaa: {  	[dreg:$0x4] =	wrdreg $0xC0  }
0xab: {  	_ =	task [dreg:s6], $0x5FFFF  }
0xac: {  	[dreg:$0x1] =	wrdreg $0xFFFFFFFF  }
0xad: {  	[dreg:$0x0] =	wrdreg $0x60  }
0xae: {  	[dreg:$0x2] =	wrdreg s24  }
0xaf: {  	[dreg:$0x3] =	wrdreg $0x9  }
0xb0: {  	_ =	task.clear_ibuf [dreg:s6], $0x4FFFF;
	_ =	strace $0x90000046  }
0xb1: {  	s29 =	simm.s32 $0x9;
	_ =	strace $0x80000048  }
0xb2: {  	_ =	swait.ge [sflag:s29], $0x1  }
0xb3: {  	[sflag:s29] =	ssyncadd.s32 $0xFFFFFFFF  }
0xb4: {  	_ =	strace $0x90000048  }
0xb5: {  	_ =	sfence  }
0xb6: {  	s30 =	sld [smem:$0x0];
	_ =	sdelay $0x2  }
0xb7: {  	s31 =	sshll.u32 s1, $0xD;
	s1 =	sshrl.u32 s1, $0x2  }
0xb8: {  	s3 =	sand.u32 $0x4000, s31;
	s1 =	sadd.s32 s1, s30  }
0xb9: {  	s0 =	sor.u32 s3, s0;
	s1 =	sshll.u32 s1, $0x11  }
0xba: {  	s0 =	sor.u32 s1, s0  }
0xbb: {  	s0 =	sadd.s32 $0x8F2B, s0  }
0xbc: {  	[sflag:s0] =	ssyncadd.remote.s32 $0x1  }
0xbd: {  	_ =	sfence.sel $0xFFFF  }
0xbe: {  	[dreg:$0x0] =	wrdreg $0xFFFFFFFF;
	(pc) =	sbr.abs _section_cstart, $3  }
0xbf: {  	[dreg:$0x1] =	wrdreg $0xFFFFFFFF  }
0xc0: {  	_ =	task.clear_ibuf [dreg:s6], $0x2FFFF;
	_ =	strace $0x9FFFFFFF  }
0xc1: {  	(tm) =	ssettm $0x7FFFFFFF  }
tec
execute0_lowered:
.L_overlay_start_1:
0x0: {  	(tag) =	ssettag $0x1  }
0x1: {  	s1 =	srdreg.scid;
	s0 =	stileid.u32  }
0x2: {  	s3 =	rddreg [dreg:$0x0];
	s10 =	simm.s32 $0x2780;
	s11 =	simm.s32 $0x1  }
0x3: {  	s12 =	simm.s32 $0x80;
	s13 =	simm.s32 $0x400;
	s14 =	simm.s32 $0x0  }
0x4: {  	s4 =	sand.u32 $0x1, s1;
	s2 =	sshll.u32 s0, $0x1;
	s1 =	rddreg [dreg:$0x1]  }
0x5: {  	s6 =	sshrl.u32 s0, $0x2;
	s5 =	sor.u32 s4, s2;
	s2 =	simm.s32 $0x0  }
0x6: {  	s6 =	smul.u32 $0x13C00, s6;
	s4 =	ssub.s32 $0x2, s4;
	s7 =	sshll.u32 s5, $0x7  }
0x7: {  	[smem:$0x7FF] =	sst s2;
	s5 =	smul.u32 $0x2710, s5;
	s7 =	sand.u32 $0x380, s7  }
0x8: {  	s31 =	sshrl.u32 s4, $0x1;
	_ =	strace $0x80000047;
	s6 =	sor.u32 s6, s7  }
0x9: {  	s4 =	ssub.s32 s4, s31;
	s5 =	sshrl.u32 s5, $0x3;
	s6 =	sshrl.u32 s6, $0x3  }
0xa: {  	s4 =	smax.u32 s4, $0x1;
	s9 =	sadd.s32 s5, s3;
	s3 =	sadd.s32 s6, s3  }
0xb: {  	s5 =	sadd.s32 $0xC640, s9;
	s6 =	sadd.s32 $0xC73A, s9;
	s7 =	sadd.s32 $0xC834, s9  }
0xc: {  	v0 =	vimm.f32 $0.0e+00;
	v1 =	vimm.f32 $1.000000000e+00;
	s8 =	sadd.s32 $0xC92E, s9;
	s9 =	sadd.s32 $0xCA28, s9;
	s3 =	sadd.s32 $0x16400, s3  }
.LBB2_1:
0xd: {  	s15 =	simm.s32 $0x40;
	s16 =	simm.s32 $0x0  }
.LBB2_2:
0xe: {  	p0 =	sne.s32 s15, $0x9C00;
	[tilespmem:s16+$0x0] =	vst v0;
	s16 =	smov.u32 s15;
	s15 =	sadd.s32 $0x40, s15  }
.Ltmp0:
0xf: {  	(pc) =	sbr.rel @p0 .LBB2_2-.Ltmp0, $2  }
0x10: {  	_ =	sdelay $0x2  }
0x11: {  	s16 =	sshra.s32 s16, $0x2  }
0x12: {  	[tilespmem:s16+$0x0] =	vst v0;
	s15 =	simm.s32 $0x0  }
0x13: {  	[tilespmem:s10], [sflag:$0x1] =	stream.linear.gather [hbm4b:s5+s15], $0x7D0, $0x38;
	[tilespmem:$0x2F80] =	vst v63  }
0x14: {  	_ =	swait.ge [sflag:s11], $0x7D0  }
0x15: {  	[sflag:s11] =	ssyncset.done $0x0  }
0x16: {  	s16 =	simm.s32 $0x0;
	s15 =	simm.s32 $0x40;
	[sflag:s11] =	ssyncadd.s32 $0xFFFFF830  }
.LBB2_4:
0x17: {  	p0 =	sne.s32 s15, $0x1F00;
	v2 =	vld [tilespmem:s16+$0x2780];
	_ =	sdelay $0x3  }
.Ltmp1:
0x18: {  	(pc) =	sbr.rel @p0 .LBB2_4-.Ltmp1, $2  }
0x19: {  	_ =	sdelay $0x2  }
0x1a: {  	s16 =	sshra.s32 s15, $0x2;
	s15 =	sadd.s32 $0x40, s15;
	[tilespmem:v2+s2+$0x0] =	vst.idx.add.f32.msk $0xffff, v1  }
0x1b: {  	v2 =	vld [tilespmem:s16+$0x2780];
	_ =	sdelay $0x7  }
0x1c: {  	s15 =	simm.s32 $0x0;
	[tilespmem:v2+s2+$0x0] =	vst.idx.add.f32.msk $0xffff, v1  }
0x1d: {  	[tilespmem:s10], [sflag:$0x1] =	stream.linear.gather [hbm4b:s6+s15], $0x7D0, $0x38;
	[tilespmem:$0x2F80] =	vst v63  }
0x1e: {  	_ =	swait.ge [sflag:s11], $0x7D0  }
0x1f: {  	[sflag:s11] =	ssyncset.done $0x0  }
0x20: {  	s16 =	simm.s32 $0x0;
	s15 =	simm.s32 $0x40;
	[sflag:s11] =	ssyncadd.s32 $0xFFFFF830  }
.LBB2_6:
0x21: {  	p0 =	sne.s32 s15, $0x1F00;
	v2 =	vld [tilespmem:s16+$0x2780];
	_ =	sdelay $0x3  }
.Ltmp2:
0x22: {  	(pc) =	sbr.rel @p0 .LBB2_6-.Ltmp2, $2  }
0x23: {  	_ =	sdelay $0x2  }
0x24: {  	s16 =	sshra.s32 s15, $0x2;
	s15 =	sadd.s32 $0x40, s15;
	[tilespmem:v2+s2+$0x0] =	vst.idx.add.f32.msk $0xffff, v1  }
0x25: {  	v2 =	vld [tilespmem:s16+$0x2780];
	_ =	sdelay $0x7  }
0x26: {  	s15 =	simm.s32 $0x0;
	[tilespmem:v2+s2+$0x0] =	vst.idx.add.f32.msk $0xffff, v1  }
0x27: {  	[tilespmem:s10], [sflag:$0x1] =	stream.linear.gather [hbm4b:s7+s15], $0x7D0, $0x38;
	[tilespmem:$0x2F80] =	vst v63  }
0x28: {  	_ =	swait.ge [sflag:s11], $0x7D0  }
0x29: {  	[sflag:s11] =	ssyncset.done $0x0  }
0x2a: {  	s16 =	simm.s32 $0x0;
	s15 =	simm.s32 $0x40;
	[sflag:s11] =	ssyncadd.s32 $0xFFFFF830  }
.LBB2_8:
0x2b: {  	p0 =	sne.s32 s15, $0x1F00;
	v2 =	vld [tilespmem:s16+$0x2780];
	_ =	sdelay $0x3  }
.Ltmp3:
0x2c: {  	(pc) =	sbr.rel @p0 .LBB2_8-.Ltmp3, $2  }
0x2d: {  	_ =	sdelay $0x2  }
0x2e: {  	s16 =	sshra.s32 s15, $0x2;
	s15 =	sadd.s32 $0x40, s15;
	[tilespmem:v2+s2+$0x0] =	vst.idx.add.f32.msk $0xffff, v1  }
0x2f: {  	v2 =	vld [tilespmem:s16+$0x2780];
	_ =	sdelay $0x7  }
0x30: {  	s15 =	simm.s32 $0x0;
	[tilespmem:v2+s2+$0x0] =	vst.idx.add.f32.msk $0xffff, v1  }
0x31: {  	[tilespmem:s10], [sflag:$0x1] =	stream.linear.gather [hbm4b:s8+s15], $0x7D0, $0x38;
	[tilespmem:$0x2F80] =	vst v63  }
0x32: {  	_ =	swait.ge [sflag:s11], $0x7D0  }
0x33: {  	[sflag:s11] =	ssyncset.done $0x0  }
0x34: {  	s16 =	simm.s32 $0x0;
	s15 =	simm.s32 $0x40;
	[sflag:s11] =	ssyncadd.s32 $0xFFFFF830  }
.LBB2_10:
0x35: {  	p0 =	sne.s32 s15, $0x1F00;
	v2 =	vld [tilespmem:s16+$0x2780];
	_ =	sdelay $0x3  }
.Ltmp4:
0x36: {  	(pc) =	sbr.rel @p0 .LBB2_10-.Ltmp4, $2  }
0x37: {  	_ =	sdelay $0x2  }
0x38: {  	s16 =	sshra.s32 s15, $0x2;
	s15 =	sadd.s32 $0x40, s15;
	[tilespmem:v2+s2+$0x0] =	vst.idx.add.f32.msk $0xffff, v1  }
0x39: {  	v2 =	vld [tilespmem:s16+$0x2780];
	_ =	sdelay $0x7  }
0x3a: {  	s15 =	simm.s32 $0x0;
	[tilespmem:v2+s2+$0x0] =	vst.idx.add.f32.msk $0xffff, v1  }
0x3b: {  	[tilespmem:s10], [sflag:$0x1] =	stream.linear.gather [hbm4b:s9+s15], $0x7D0, $0x38;
	[tilespmem:$0x2F80] =	vst v63  }
0x3c: {  	_ =	swait.ge [sflag:s11], $0x7D0  }
0x3d: {  	[sflag:s11] =	ssyncset.done $0x0  }
0x3e: {  	s16 =	simm.s32 $0x0;
	s15 =	simm.s32 $0x40;
	[sflag:s11] =	ssyncadd.s32 $0xFFFFF830  }
.LBB2_12:
0x3f: {  	p0 =	sne.s32 s15, $0x1F00;
	v2 =	vld [tilespmem:s16+$0x2780];
	_ =	sdelay $0x3  }
.Ltmp5:
0x40: {  	(pc) =	sbr.rel @p0 .LBB2_12-.Ltmp5, $2  }
0x41: {  	_ =	sdelay $0x2  }
0x42: {  	s16 =	sshra.s32 s15, $0x2;
	s15 =	sadd.s32 $0x40, s15;
	[tilespmem:v2+s2+$0x0] =	vst.idx.add.f32.msk $0xffff, v1  }
0x43: {  	v2 =	vld [tilespmem:s16+$0x2780];
	_ =	sdelay $0x5  }
0x44: {  	s14 =	sadd.s32 $0x1, s14  }
0x45: {  	p0 =	sne.s32 s14, s4  }
.Ltmp6:
0x46: {  	[tilespmem:v2+s2+$0x0] =	vst.idx.add.f32.msk $0xffff, v1;
	(pc) =	sbr.rel @p0 .LBB2_1-.Ltmp6, $4  }
0x47: {  	[hbm4b:s3+s12] =	stream.strided.scatter [tilespmem:s2], [sflag:$0x1], $0x2780, s13, s12, $0x38;
	[tilespmem:$0x2F80] =	vst v63  }
0x48: {  	_ =	swait.ge [sflag:s11], $0x2780  }
0x49: {  	[sflag:s11] =	ssyncset.done $0x0  }
0x4a: {  	[sflag:s11] =	ssyncadd.s32 $0xFFFFD880  }
0x4b: {  	_ =	sfence.sel $0x180000  }
0x4c: {  	[bflag:$0x0] =	sbarrier.arrive $0xFFFF  }
0x4d: {  	p0 =	sne.s32 s0, $0x0;
	_ =	strace $0x90000047  }
0x4e: {  	s0 =	sadd.s32 @!p0 $0x100000, s1;
	[bflag:$0x2] =	sbarrier.arrive $0xFFFF  }
0x4f: {  	[sflag:s0] =	ssyncadd.tile.s32 @!p0 $0x1;
	_ =	shalt  }
.Lfunc_end2:
_tile_overlayer_lowered:
.L_overlay_start_2:
0x50: {  	(tag) =	ssettag $0x2  }
0x51: {  	s0 =	rddreg [dreg:$0x0];
	s2 =	stileid.u32  }
0x52: {  	s1 =	rddreg [dreg:$0x1];
	p0 =	sne.s32 s2, $0x0  }
0x53: {  	s3 =	rddreg [dreg:$0x2];
	[bflag:$0x3] =	sbarrier.arrive $0xFFFF;
	s2 =	simm.s32 @!p0 $0x1C01  }
0x54: {  	[timem:s3], [sflag:s2] =	dma.local @!p0 [hbm:s0], s1  }
0x55: {  	s0 =	simm.s32 @!p0 $0x1  }
0x56: {  	_ =	swait.ge @!p0 [sflag:s0], s1  }
0x57: {  	s1 =	ssub.s32 @!p0 $0x0, s1;
	[sflag:s0] =	ssyncset.done @!p0 $0x0  }
0x58: {  	[sflag:s0] =	ssyncadd.s32 @!p0 s1  }
0x59: {  	[bflag:$0x3] =	sbarrier.arrive $0xFFFF  }
0x5a: {  	_ =	shalt  }

</sc_bundles>
